<compile_context>
chip_gen: v7x
topology: tpu7x:2x2x1
jax: 0.10.2.dev20260603
libtpu: 0.0.44.dev20260713+nightly
codegen_flags: <defaults>
</compile_context>

<pallas_src>
import functools

import jax
import jax.numpy as jnp
from jax import lax
from jax.experimental import pallas as pl
from jax.experimental.pallas import tpu as pltpu
from jax.experimental.pallas import tpu_sc as plsc

N, E, D = 10000, 320000, 128
NC, NS = 2, 16
NW = NC * NS
EPW = E // NW
RPW = D // NW
CHUNK = 6400
NCH = E // CHUNK
NB = 1000

_mesh = plsc.VectorSubcoreMesh(
    core_axis_name="c", subcore_axis_name="s", num_cores=NC, num_subcores=NS
)


def _wid():
    return lax.axis_index("s") * NC + lax.axis_index("c")


@functools.partial(
    pl.kernel,
    out_type=jax.ShapeDtypeStruct((NW, N), jnp.float32),
    mesh=_mesh,
    compiler_params=pltpu.CompilerParams(needs_layout_passes=False),
    scratch_types=[
        pltpu.VMEM((EPW,), jnp.int32),
        pltpu.VMEM((EPW,), jnp.float32),
        pltpu.VMEM((N,), jnp.float32),
    ],
)
def _sc_deg_partials(pair_hbm, ew_hbm, degp_hbm, pairv, ewv, degl):
    wid = _wid()
    off = pl.multiple_of(wid * EPW, 8)
    pltpu.sync_copy(pair_hbm.at[pl.ds(off, EPW)], pairv)
    pltpu.sync_copy(ew_hbm.at[pl.ds(off, EPW)], ewv)

    z16 = jnp.zeros((16,), jnp.float32)

    @plsc.parallel_loop(0, N, step=16, unroll=4)
    def _zero(i):
        degl[pl.ds(i, 16)] = z16

    @plsc.parallel_loop(0, EPW, step=16, unroll=4)
    def _edges(i):
        d16 = lax.shift_right_logical(pairv[pl.ds(i, 16)], 16)
        w16 = ewv[pl.ds(i, 16)]
        plsc.addupdate_scatter(degl, [d16], w16)

    pltpu.sync_copy(degl, degp_hbm.at[wid])


@functools.partial(
    pl.kernel,
    out_type=jax.ShapeDtypeStruct((D, N), jnp.float32),
    mesh=_mesh,
    compiler_params=pltpu.CompilerParams(needs_layout_passes=False),
    scratch_types=[
        pltpu.VMEM((N,), jnp.int32),
        pltpu.VMEM((N,), jnp.int32),
        pltpu.VMEM((N,), jnp.float32),
        pltpu.VMEM((N,), jnp.float32),
        pltpu.VMEM((N,), jnp.float32),
        pltpu.VMEM((N,), jnp.float32),
        pltpu.VMEM((2, CHUNK), jnp.int32),
        pltpu.VMEM((2, CHUNK // 2), jnp.int32),
        pltpu.SemaphoreType.DMA,
        pltpu.SemaphoreType.DMA,
        pltpu.SemaphoreType.DMA,
        pltpu.SemaphoreType.DMA,
    ],
)
def _sc_edge_agg(gp_hbm, pair_hbm, ew_hbm, st_hbm,
                 gpk0, gpk1, sc0, sc1, sc2, sc3, pairv, ewv,
                 sem_p0, sem_p1, sem_w0, sem_w1):
    wid = _wid()
    sems = ((sem_p0, sem_w0), (sem_p1, sem_w1))

    def start(b, ci):
        off = pl.multiple_of(ci * CHUNK, 8)
        off2 = pl.multiple_of(ci * (CHUNK // 2), 8)
        pltpu.async_copy(pair_hbm.at[pl.ds(off, CHUNK)], pairv.at[b], sems[b][0])
        pltpu.async_copy(ew_hbm.at[pl.ds(off2, CHUNK // 2)], ewv.at[b], sems[b][1])

    def wait(b):
        pltpu.make_async_copy(pair_hbm.at[pl.ds(0, CHUNK)], pairv.at[b], sems[b][0]).wait()
        pltpu.make_async_copy(ew_hbm.at[pl.ds(0, CHUNK // 2)], ewv.at[b], sems[b][1]).wait()

    gpks = (gpk0, gpk1)
    scs = (sc0, sc1, sc2, sc3)

    start(0, 0)
    pltpu.sync_copy(gp_hbm.at[2 * wid], gpk0)
    pltpu.sync_copy(gp_hbm.at[2 * wid + 1], gpk1)

    z16 = jnp.zeros((16,), jnp.float32)

    @plsc.parallel_loop(0, N, step=16, unroll=4)
    def _zero(i):
        for c in range(RPW):
            scs[c][pl.ds(i, 16)] = z16

    mask16 = jnp.full((16,), 0xFFFF, jnp.int32)

    def process(b):
        @plsc.parallel_loop(0, CHUNK, step=32, unroll=2)
        def _edges(i):
            wpk = ewv[b, pl.ds(lax.shift_right_logical(i, 1), 16)]
            wA, wB = plsc.unpack(
                plsc.bitcast(wpk, jnp.bfloat16),
                format=plsc.PackFormat.INTERLEAVED,
                preferred_element_type=jnp.float32)
            for p16, w16 in ((pairv[b, pl.ds(i, 16)], wA),
                             (pairv[b, pl.ds(i + 16, 16)], wB)):
                s16 = p16 & mask16
                d16 = lax.shift_right_logical(p16, 16)
                for c2 in range(RPW // 2):
                    vp = plsc.load_gather(gpks[c2], [s16])
                    b32 = plsc.bitcast(vp, jnp.bfloat16)
                    lo, hi = plsc.unpack(
                        b32, format=plsc.PackFormat.INTERLEAVED,
                        preferred_element_type=jnp.float32)
                    plsc.addupdate_scatter(scs[2 * c2], [d16], lo * w16)
                    plsc.addupdate_scatter(scs[2 * c2 + 1], [d16], hi * w16)

    def pair_body(p, _):
        c0 = p * 2
        start(1, c0 + 1)
        wait(0)
        process(0)

        @pl.when(p < NCH // 2 - 1)
        def _():
            start(0, c0 + 2)

        wait(1)
        process(1)
        return 0

    lax.fori_loop(0, NCH // 2, pair_body, 0)
    for c2 in range(RPW // 2):
        pltpu.sync_copy(scs[2 * c2], st_hbm.at[2 * wid + c2])
        pltpu.sync_copy(scs[2 * c2 + 1], st_hbm.at[D // 2 + 2 * wid + c2])


def _pack_bf16(g):
    pe = lax.bitcast_convert_type(
        g[: D // 2].astype(jnp.bfloat16), jnp.uint16).astype(jnp.int32)
    po = lax.bitcast_convert_type(
        g[D // 2:].astype(jnp.bfloat16), jnp.uint16).astype(jnp.int32)
    return pe | (po << 16)


def _unpack_bf16(p):
    lo = lax.bitcast_convert_type(p << 16, jnp.float32)
    hi = lax.bitcast_convert_type(p & jnp.int32(-0x10000), jnp.float32)
    return jnp.concatenate([lo, hi], axis=0)


def _tc1_body(x_ref, w1_ref, degp_ref, dinv_ref, gp_ref):
    deg = 1.0 + jnp.sum(degp_ref[...], axis=0, keepdims=True)
    di = lax.rsqrt(deg)
    dinv_ref[...] = di
    hxT = lax.dot_general(
        w1_ref[...], x_ref[...], (((0,), (1,)), ((), ())),
        preferred_element_type=jnp.float32,
    )
    gp_ref[...] = _pack_bf16(hxT * di)


_tc1 = pl.pallas_call(
    _tc1_body,
    out_shape=[
        jax.ShapeDtypeStruct((1, N), jnp.float32),
        jax.ShapeDtypeStruct((D // 2, N), jnp.int32),
    ],
)


def _tc2_body(st_ref, gp_ref, dinv_ref, b_ref, w2_ref, g2p_ref):
    di = dinv_ref[...]
    g1 = _unpack_bf16(gp_ref[...])
    h1 = jnp.maximum((st_ref[...] + g1) * di + b_ref[...], 0.0)
    g2 = lax.dot_general(
        w2_ref[...], h1, (((0,), (0,)), ((), ())),
        preferred_element_type=jnp.float32,
    )
    g2p_ref[...] = _pack_bf16(g2 * di)


_tc2 = pl.pallas_call(
    _tc2_body,
    out_shape=jax.ShapeDtypeStruct((D // 2, N), jnp.int32),
)


def _tc3_body(st_ref, gp_ref, dinv_ref, b_ref, gam_ref, bet_ref, out_ref):
    di = dinv_ref[...]
    g2 = _unpack_bf16(gp_ref[...])
    h2 = jnp.maximum((st_ref[...] + g2) * di + b_ref[...], 0.0)
    mu = jnp.mean(h2, axis=0, keepdims=True)
    cen = h2 - mu
    var = jnp.mean(cen * cen, axis=0, keepdims=True)
    y = cen * lax.rsqrt(var + 1e-5) * gam_ref[...] + bet_ref[...]
    out_ref[...] = y.T


_tc3 = pl.pallas_call(
    _tc3_body,
    out_shape=jax.ShapeDtypeStruct((N, D), jnp.float32),
)


def kernel(x, edge_index, edge_attr, W1, b1, W2, b2, gamma, beta):
    pair = edge_index[0] | (edge_index[1] << 16)
    ew16 = lax.bitcast_convert_type(
        edge_attr.astype(jnp.bfloat16), jnp.uint16).astype(jnp.int32)
    er = ew16.reshape(E // 32, 2, 16)
    ewp = (er[:, 0, :] | (er[:, 1, :] << 16)).reshape(E // 2)
    b1c = b1.reshape(D, 1)
    b2c = b2.reshape(D, 1)
    gam = gamma.reshape(D, 1)
    bet = beta.reshape(D, 1)

    degp = _sc_deg_partials(pair, edge_attr)
    dinv, g1p = _tc1(x, W1, degp)
    s1t = _sc_edge_agg(g1p, pair, ewp)
    g2p = _tc2(s1t, g1p, dinv, b1c, W2)
    s2t = _sc_edge_agg(g2p, pair, ewp)
    return _tc3(s2t, g2p, dinv, b2c, gam, bet)

# --- scband reference (transcript-rebuilt; emitter-appended) ---
"""Pipeline reference for scband-graph-encoder-7559142441000 (READ-ONLY COPY).

The authoritative reference and input builder live on the scoring server;
editing this copy changes nothing except your own understanding.
"""

import jax, jax.numpy as jnp
import numpy as np

N, E, D = 10000, 320000, 128

def setup_inputs(seed: int = 0):
    key = jax.random.key(seed)
    ks = jax.random.split(key, 10)
    x = jax.random.normal(ks[0], (N, D), dtype=jnp.float32)
    edge_index = jax.random.randint(ks[1], (2, E), 0, N, dtype=jnp.int32)
    edge_attr = jax.random.uniform(ks[2], (E,), dtype=jnp.float32)
    W1 = jax.random.normal(ks[3], (D, D), dtype=jnp.float32) * 0.05
    b1 = jnp.zeros((D,), dtype=jnp.float32)
    W2 = jax.random.normal(ks[4], (D, D), dtype=jnp.float32) * 0.05
    b2 = jnp.zeros((D,), dtype=jnp.float32)
    gamma = jnp.ones((D,), dtype=jnp.float32)
    beta = jnp.zeros((D,), dtype=jnp.float32)
    return {"x": x, "edge_index": edge_index, "edge_attr": edge_attr,
            "W1": W1, "b1": b1, "W2": W2, "b2": b2, "gamma": gamma, "beta": beta}

def _gcn_conv(x, edge_index, edge_weight, W, b):
    # Faithful PyG GCNConv: add self-loops (fill 1.0), symmetric normalization, scatter-add to dst
    n = x.shape[0]
    src, dst = edge_index[0], edge_index[1]
    loop = jnp.arange(n, dtype=src.dtype)
    src2 = jnp.concatenate([src, loop])
    dst2 = jnp.concatenate([dst, loop])
    ew2 = jnp.concatenate([edge_weight, jnp.ones((n,), dtype=edge_weight.dtype)])
    deg = jax.ops.segment_sum(ew2, dst2, num_segments=n)
    deg_inv_sqrt = jnp.where(deg > 0, jax.lax.rsqrt(jnp.maximum(deg, 1e-12)), 0.0)
    norm = deg_inv_sqrt[src2] * ew2 * deg_inv_sqrt[dst2]
    h = x @ W
    out = jax.ops.segment_sum(norm[:, None] * h[src2], dst2, num_segments=n)
    return out + b

def _layer_norm(h, gamma, beta, eps=1e-5):
    mu = jnp.mean(h, axis=-1, keepdims=True)
    var = jnp.mean((h - mu) ** 2, axis=-1, keepdims=True)
    return (h - mu) / jnp.sqrt(var + eps) * gamma + beta

def reference(x, edge_index, edge_attr, W1, b1, W2, b2, gamma, beta):
    # num_layers=2 -> two GCNConv layers; dropout is identity in eval mode
    h = jax.nn.relu(_gcn_conv(x, edge_index, edge_attr, W1, b1))
    h = jax.nn.relu(_gcn_conv(h, edge_index, edge_attr, W2, b2))
    return _layer_norm(h, gamma, beta)

if __name__ == "__main__":
    import jax
    _d = setup_inputs()
    print(jax.jit(kernel)(*tuple(_d.values())))

</pallas_src>

<mosaic_0001>
#map = affine_map<(d0, d1) -> (0)>
#map1 = affine_map<(d0, d1) -> (0, 0)>
module attributes {stable_mosaic.version = 14 : i64} {
  func.func @_sc_deg_partials(%arg0: i32, %arg1: i32, %arg2: memref<320000xi32, #tpu.memory_space<hbm>>, %arg3: memref<320000xf32, #tpu.memory_space<hbm>>, %arg4: memref<32x10000xf32, #tpu.memory_space<hbm>>, %arg5: memref<10000xi32, #tpu.memory_space<vmem>>, %arg6: memref<10000xf32, #tpu.memory_space<vmem>>, %arg7: memref<10000xf32, #tpu.memory_space<vmem>>) attributes {dimension_semantics = [#tpu.dimension_semantics<core_parallel>, #tpu.dimension_semantics<subcore_parallel>], iteration_bounds = array<i64: 2, 16>, scalar_prefetch = 0 : i64, scratch_operands = 3 : i64, tpu.core_type = #tpu.core_type<sc_vector_subcore>, window_params = [{transform_indices = #map}, {transform_indices = #map}, {transform_indices = #map1}]} {
    %mul3A = arith.constant 2 : i32
    %mul3A_0 = arith.muli %arg1, %mul3A : i32
    %add3A = arith.addi %mul3A_0, %arg0 : i32
    %mul3A_1 = arith.constant 10000 : i32
    %mul3A_2 = arith.muli %add3A, %mul3A_1 : i32
    %multiple_of3A = tpu.assume_multiple %mul3A_2, 8 : i32
    "tpu.region"() ({
      %run_scoped3A = tpu.sem_alloc : memref<!tpu.dma_semaphore, #tpu.memory_space<semaphore_mem>>
      %dma_start3A = tpu.memref_slice %arg2[%multiple_of3A] : memref<320000xi32, #tpu.memory_space<hbm>> -> memref<10000xi32, #tpu.memory_space<hbm>>
      %dma_start3A_9 = tpu.memref_slice %arg2[%multiple_of3A] : memref<320000xi32, #tpu.memory_space<hbm>> -> memref<10000xi32, #tpu.memory_space<hbm>>
      tpu.enqueue_dma source(%dma_start3A_9 : memref<10000xi32, #tpu.memory_space<hbm>>) target(%arg5 : memref<10000xi32, #tpu.memory_space<vmem>>) target_semaphore(%run_scoped3A : memref<!tpu.dma_semaphore, #tpu.memory_space<semaphore_mem>>)
      %dma_wait3A = tpu.memref_slice %arg2[%multiple_of3A] : memref<320000xi32, #tpu.memory_space<hbm>> -> memref<10000xi32, #tpu.memory_space<hbm>>
      %dma_wait3A_10 = tpu.memref_slice %arg2[%multiple_of3A] : memref<320000xi32, #tpu.memory_space<hbm>> -> memref<10000xi32, #tpu.memory_space<hbm>>
      tpu.wait_dma2 semaphore(%run_scoped3A : memref<!tpu.dma_semaphore, #tpu.memory_space<semaphore_mem>>) src(%dma_wait3A_10 : memref<10000xi32, #tpu.memory_space<hbm>>) dst(%arg5 : memref<10000xi32, #tpu.memory_space<vmem>>)
      tpu.yield
    }) : () -> ()
    "tpu.region"() ({
      %run_scoped3A = tpu.sem_alloc : memref<!tpu.dma_semaphore, #tpu.memory_space<semaphore_mem>>
      %dma_start3A = tpu.memref_slice %arg3[%multiple_of3A] : memref<320000xf32, #tpu.memory_space<hbm>> -> memref<10000xf32, #tpu.memory_space<hbm>>
      %dma_start3A_9 = tpu.memref_slice %arg3[%multiple_of3A] : memref<320000xf32, #tpu.memory_space<hbm>> -> memref<10000xf32, #tpu.memory_space<hbm>>
      tpu.enqueue_dma source(%dma_start3A_9 : memref<10000xf32, #tpu.memory_space<hbm>>) target(%arg6 : memref<10000xf32, #tpu.memory_space<vmem>>) target_semaphore(%run_scoped3A : memref<!tpu.dma_semaphore, #tpu.memory_space<semaphore_mem>>)
      %dma_wait3A = tpu.memref_slice %arg3[%multiple_of3A] : memref<320000xf32, #tpu.memory_space<hbm>> -> memref<10000xf32, #tpu.memory_space<hbm>>
      %dma_wait3A_10 = tpu.memref_slice %arg3[%multiple_of3A] : memref<320000xf32, #tpu.memory_space<hbm>> -> memref<10000xf32, #tpu.memory_space<hbm>>
      tpu.wait_dma2 semaphore(%run_scoped3A : memref<!tpu.dma_semaphore, #tpu.memory_space<semaphore_mem>>) src(%dma_wait3A_10 : memref<10000xf32, #tpu.memory_space<hbm>>) dst(%arg6 : memref<10000xf32, #tpu.memory_space<vmem>>)
      tpu.yield
    }) : () -> ()
    %broadcast_in_dim3A = arith.constant 0.000000e+00 : f32
    %broadcast_in_dim3A_3 = vector.broadcast %broadcast_in_dim3A : f32 to vector<16xf32>
    %parallel_loop3A = arith.constant 0 : i32
    %parallel_loop3A_4 = arith.constant 10000 : i32
    %parallel_loop3A_5 = arith.constant 16 : i32
    scf.for %parallel_loop3A_9 = %parallel_loop3A to %parallel_loop3A_4 step %parallel_loop3A_5  : i32 {
      %parallel_loop3A_10 = arith.index_cast %parallel_loop3A_9 : i32 to index
      %parallel_loop3A_11 = tpu.vector_load %arg7[%parallel_loop3A_10] {strides = array<i32>} : memref<10000xf32, #tpu.memory_space<vmem>>, vector<16xf32>,
      tpu.vector_store %arg7[%parallel_loop3A_10], %broadcast_in_dim3A_3 {strides = array<i32>} : memref<10000xf32, #tpu.memory_space<vmem>>, vector<16xf32>,
    } {sc.loop_unroll_factor = 4 : i64, sc.parallel_access}
    %parallel_loop3A_6 = arith.constant 0 : i32
    %parallel_loop3A_7 = arith.constant 10000 : i32
    %parallel_loop3A_8 = arith.constant 16 : i32
    scf.for %parallel_loop3A_9 = %parallel_loop3A_6 to %parallel_loop3A_7 step %parallel_loop3A_8  : i32 {
      %parallel_loop3A_10 = arith.index_cast %parallel_loop3A_9 : i32 to index
      %parallel_loop3A_11 = tpu.vector_load %arg5[%parallel_loop3A_10] {strides = array<i32>} : memref<10000xi32, #tpu.memory_space<vmem>>, vector<16xi32>,
      %parallel_loop3A_12 = arith.constant 16 : i32
      %parallel_loop3A_13 = vector.broadcast %parallel_loop3A_12 : i32 to vector<16xi32>
      %parallel_loop3A_14 = arith.shrui %parallel_loop3A_11, %parallel_loop3A_13 : vector<16xi32>
      %parallel_loop3A_15 = arith.index_cast %parallel_loop3A_9 : i32 to index
      %parallel_loop3A_16 = tpu.vector_load %arg6[%parallel_loop3A_15] {strides = array<i32>} : memref<10000xf32, #tpu.memory_space<vmem>>, vector<16xf32>,
      tpu.vector_store_idx %arg7[%parallel_loop3A_14], %parallel_loop3A_16 {add = true} : memref<10000xf32, #tpu.memory_space<vmem>>[vector<16xi32>], vector<16xf32>,
    } {sc.loop_unroll_factor = 4 : i64, sc.parallel_access}
    "tpu.region"() ({
      %run_scoped3A = tpu.sem_alloc : memref<!tpu.dma_semaphore, #tpu.memory_space<semaphore_mem>>
      %dma_start3A = arith.constant 0 : i32
      %dma_start3A_9 = tpu.memref_slice %arg4[%add3A, %dma_start3A] : memref<32x10000xf32, #tpu.memory_space<hbm>> -> memref<1x10000xf32, #tpu.memory_space<hbm>>
      %dma_start3A_10 = tpu.memref_squeeze %dma_start3A_9 : memref<1x10000xf32, #tpu.memory_space<hbm>> -> memref<10000xf32, #tpu.memory_space<hbm>>
      %dma_start3A_11 = arith.constant 0 : i32
      %dma_start3A_12 = tpu.memref_slice %arg4[%add3A, %dma_start3A_11] : memref<32x10000xf32, #tpu.memory_space<hbm>> -> memref<1x10000xf32, #tpu.memory_space<hbm>>
      %dma_start3A_13 = tpu.memref_squeeze %dma_start3A_12 : memref<1x10000xf32, #tpu.memory_space<hbm>> -> memref<10000xf32, #tpu.memory_space<hbm>>
      tpu.enqueue_dma source(%arg7 : memref<10000xf32, #tpu.memory_space<vmem>>) target(%dma_start3A_13 : memref<10000xf32, #tpu.memory_space<hbm>>) target_semaphore(%run_scoped3A : memref<!tpu.dma_semaphore, #tpu.memory_space<semaphore_mem>>)
      %dma_wait3A = arith.constant 0 : i32
      %dma_wait3A_14 = tpu.memref_slice %arg4[%add3A, %dma_wait3A] : memref<32x10000xf32, #tpu.memory_space<hbm>> -> memref<1x10000xf32, #tpu.memory_space<hbm>>
      %dma_wait3A_15 = tpu.memref_squeeze %dma_wait3A_14 : memref<1x10000xf32, #tpu.memory_space<hbm>> -> memref<10000xf32, #tpu.memory_space<hbm>>
      %dma_wait3A_16 = arith.constant 0 : i32
      %dma_wait3A_17 = tpu.memref_slice %arg4[%add3A, %dma_wait3A_16] : memref<32x10000xf32, #tpu.memory_space<hbm>> -> memref<1x10000xf32, #tpu.memory_space<hbm>>
      %dma_wait3A_18 = tpu.memref_squeeze %dma_wait3A_17 : memref<1x10000xf32, #tpu.memory_space<hbm>> -> memref<10000xf32, #tpu.memory_space<hbm>>
      tpu.wait_dma2 semaphore(%run_scoped3A : memref<!tpu.dma_semaphore, #tpu.memory_space<semaphore_mem>>) src(%arg7 : memref<10000xf32, #tpu.memory_space<vmem>>) dst(%dma_wait3A_18 : memref<10000xf32, #tpu.memory_space<hbm>>)
      tpu.yield
    }) : () -> ()
    return
  }
}

#map = affine_map<(d0, d1) -> (0, 0)>
#map1 = affine_map<(d0, d1) -> (0)>
module attributes {stable_mosaic.version = 14 : i64} {
  func.func @_sc_edge_agg(%arg0: i32, %arg1: i32, %arg2: memref<64x10000xi32, #tpu.memory_space<hbm>>, %arg3: memref<320000xi32, #tpu.memory_space<hbm>>, %arg4: memref<160000xi32, #tpu.memory_space<hbm>>, %arg5: memref<128x10000xf32, #tpu.memory_space<hbm>>, %arg6: memref<10000xi32, #tpu.memory_space<vmem>>, %arg7: memref<10000xi32, #tpu.memory_space<vmem>>, %arg8: memref<10000xf32, #tpu.memory_space<vmem>>, %arg9: memref<10000xf32, #tpu.memory_space<vmem>>, %arg10: memref<10000xf32, #tpu.memory_space<vmem>>, %arg11: memref<10000xf32, #tpu.memory_space<vmem>>, %arg12: memref<2x6400xi32, #tpu.memory_space<vmem>>, %arg13: memref<2x3200xi32, #tpu.memory_space<vmem>>, %arg14: memref<!tpu.dma_semaphore, #tpu.memory_space<semaphore_mem>>, %arg15: memref<!tpu.dma_semaphore, #tpu.memory_space<semaphore_mem>>, %arg16: memref<!tpu.dma_semaphore, #tpu.memory_space<semaphore_mem>>, %arg17: memref<!tpu.dma_semaphore, #tpu.memory_space<semaphore_mem>>) attributes {dimension_semantics = [#tpu.dimension_semantics<core_parallel>, #tpu.dimension_semantics<subcore_parallel>], iteration_bounds = array<i64: 2, 16>, scalar_prefetch = 0 : i64, scratch_operands = 12 : i64, tpu.core_type = #tpu.core_type<sc_vector_subcore>, window_params = [{transform_indices = #map}, {transform_indices = #map1}, {transform_indices = #map1}, {transform_indices = #map}]} {
    %mul3A = arith.constant 2 : i32
    %mul3A_0 = arith.muli %arg1, %mul3A : i32
    %add3A = arith.addi %mul3A_0, %arg0 : i32
    %multiple_of3A = arith.constant 0 : i32
    %multiple_of3A_1 = tpu.assume_multiple %multiple_of3A, 8 : i32
    %multiple_of3A_2 = arith.constant 0 : i32
    %multiple_of3A_3 = tpu.assume_multiple %multiple_of3A_2, 8 : i32
    %dma_start3A = arith.constant 0 : i32
    %dma_start3A_4 = arith.constant 0 : i32
    %dma_start3A_5 = tpu.memref_slice %arg12[%dma_start3A, %dma_start3A_4] : memref<2x6400xi32, #tpu.memory_space<vmem>> -> memref<1x6400xi32, #tpu.memory_space<vmem>>
    %dma_start3A_6 = tpu.memref_squeeze %dma_start3A_5 : memref<1x6400xi32, #tpu.memory_space<vmem>> -> memref<6400xi32, #tpu.memory_space<vmem>>
    %dma_start3A_7 = tpu.memref_slice %arg3[%multiple_of3A_1] : memref<320000xi32, #tpu.memory_space<hbm>> -> memref<6400xi32, #tpu.memory_space<hbm>>
    %dma_start3A_8 = arith.constant 0 : i32
    %dma_start3A_9 = tpu.memref_slice %arg12[%dma_start3A, %dma_start3A_8] : memref<2x6400xi32, #tpu.memory_space<vmem>> -> memref<1x6400xi32, #tpu.memory_space<vmem>>
    %dma_start3A_10 = tpu.memref_squeeze %dma_start3A_9 : memref<1x6400xi32, #tpu.memory_space<vmem>> -> memref<6400xi32, #tpu.memory_space<vmem>>
    %dma_start3A_11 = tpu.memref_slice %arg3[%multiple_of3A_1] : memref<320000xi32, #tpu.memory_space<hbm>> -> memref<6400xi32, #tpu.memory_space<hbm>>
    tpu.enqueue_dma source(%dma_start3A_11 : memref<6400xi32, #tpu.memory_space<hbm>>) target(%dma_start3A_10 : memref<6400xi32, #tpu.memory_space<vmem>>) target_semaphore(%arg14 : memref<!tpu.dma_semaphore, #tpu.memory_space<semaphore_mem>>)
    %dma_start3A_12 = arith.constant 0 : i32
    %dma_start3A_13 = arith.constant 0 : i32
    %dma_start3A_14 = tpu.memref_slice %arg13[%dma_start3A_12, %dma_start3A_13] : memref<2x3200xi32, #tpu.memory_space<vmem>> -> memref<1x3200xi32, #tpu.memory_space<vmem>>
    %dma_start3A_15 = tpu.memref_squeeze %dma_start3A_14 : memref<1x3200xi32, #tpu.memory_space<vmem>> -> memref<3200xi32, #tpu.memory_space<vmem>>
    %dma_start3A_16 = tpu.memref_slice %arg4[%multiple_of3A_3] : memref<160000xi32, #tpu.memory_space<hbm>> -> memref<3200xi32, #tpu.memory_space<hbm>>
    %dma_start3A_17 = arith.constant 0 : i32
    %dma_start3A_18 = tpu.memref_slice %arg13[%dma_start3A_12, %dma_start3A_17] : memref<2x3200xi32, #tpu.memory_space<vmem>> -> memref<1x3200xi32, #tpu.memory_space<vmem>>
    %dma_start3A_19 = tpu.memref_squeeze %dma_start3A_18 : memref<1x3200xi32, #tpu.memory_space<vmem>> -> memref<3200xi32, #tpu.memory_space<vmem>>
    %dma_start3A_20 = tpu.memref_slice %arg4[%multiple_of3A_3] : memref<160000xi32, #tpu.memory_space<hbm>> -> memref<3200xi32, #tpu.memory_space<hbm>>
    tpu.enqueue_dma source(%dma_start3A_20 : memref<3200xi32, #tpu.memory_space<hbm>>) target(%dma_start3A_19 : memref<3200xi32, #tpu.memory_space<vmem>>) target_semaphore(%arg16 : memref<!tpu.dma_semaphore, #tpu.memory_space<semaphore_mem>>)
    %mul3A_21 = arith.constant 2 : i32
    %mul3A_22 = arith.muli %mul3A_21, %add3A : i32
    "tpu.region"() ({
      %run_scoped3A = tpu.sem_alloc : memref<!tpu.dma_semaphore, #tpu.memory_space<semaphore_mem>>
      %dma_start3A_58 = arith.constant 0 : i32
      %dma_start3A_59 = tpu.memref_slice %arg2[%mul3A_22, %dma_start3A_58] : memref<64x10000xi32, #tpu.memory_space<hbm>> -> memref<1x10000xi32, #tpu.memory_space<hbm>>
      %dma_start3A_60 = tpu.memref_squeeze %dma_start3A_59 : memref<1x10000xi32, #tpu.memory_space<hbm>> -> memref<10000xi32, #tpu.memory_space<hbm>>
      %dma_start3A_61 = arith.constant 0 : i32
      %dma_start3A_62 = tpu.memref_slice %arg2[%mul3A_22, %dma_start3A_61] : memref<64x10000xi32, #tpu.memory_space<hbm>> -> memref<1x10000xi32, #tpu.memory_space<hbm>>
      %dma_start3A_63 = tpu.memref_squeeze %dma_start3A_62 : memref<1x10000xi32, #tpu.memory_space<hbm>> -> memref<10000xi32, #tpu.memory_space<hbm>>
      tpu.enqueue_dma source(%dma_start3A_63 : memref<10000xi32, #tpu.memory_space<hbm>>) target(%arg6 : memref<10000xi32, #tpu.memory_space<vmem>>) target_semaphore(%run_scoped3A : memref<!tpu.dma_semaphore, #tpu.memory_space<semaphore_mem>>)
      %dma_wait3A = arith.constant 0 : i32
      %dma_wait3A_64 = tpu.memref_slice %arg2[%mul3A_22, %dma_wait3A] : memref<64x10000xi32, #tpu.memory_space<hbm>> -> memref<1x10000xi32, #tpu.memory_space<hbm>>
      %dma_wait3A_65 = tpu.memref_squeeze %dma_wait3A_64 : memref<1x10000xi32, #tpu.memory_space<hbm>> -> memref<10000xi32, #tpu.memory_space<hbm>>
      %dma_wait3A_66 = arith.constant 0 : i32
      %dma_wait3A_67 = tpu.memref_slice %arg2[%mul3A_22, %dma_wait3A_66] : memref<64x10000xi32, #tpu.memory_space<hbm>> -> memref<1x10000xi32, #tpu.memory_space<hbm>>
      %dma_wait3A_68 = tpu.memref_squeeze %dma_wait3A_67 : memref<1x10000xi32, #tpu.memory_space<hbm>> -> memref<10000xi32, #tpu.memory_space<hbm>>
      tpu.wait_dma2 semaphore(%run_scoped3A : memref<!tpu.dma_semaphore, #tpu.memory_space<semaphore_mem>>) src(%dma_wait3A_68 : memref<10000xi32, #tpu.memory_space<hbm>>) dst(%arg6 : memref<10000xi32, #tpu.memory_space<vmem>>)
      tpu.yield
    }) : () -> ()
    %mul3A_23 = arith.constant 2 : i32
    %mul3A_24 = arith.muli %mul3A_23, %add3A : i32
    %add3A_25 = arith.constant 1 : i32
    %add3A_26 = arith.addi %mul3A_24, %add3A_25 : i32
    "tpu.region"() ({
      %run_scoped3A = tpu.sem_alloc : memref<!tpu.dma_semaphore, #tpu.memory_space<semaphore_mem>>
      %dma_start3A_58 = arith.constant 0 : i32
      %dma_start3A_59 = tpu.memref_slice %arg2[%add3A_26, %dma_start3A_58] : memref<64x10000xi32, #tpu.memory_space<hbm>> -> memref<1x10000xi32, #tpu.memory_space<hbm>>
      %dma_start3A_60 = tpu.memref_squeeze %dma_start3A_59 : memref<1x10000xi32, #tpu.memory_space<hbm>> -> memref<10000xi32, #tpu.memory_space<hbm>>
      %dma_start3A_61 = arith.constant 0 : i32
      %dma_start3A_62 = tpu.memref_slice %arg2[%add3A_26, %dma_start3A_61] : memref<64x10000xi32, #tpu.memory_space<hbm>> -> memref<1x10000xi32, #tpu.memory_space<hbm>>
      %dma_start3A_63 = tpu.memref_squeeze %dma_start3A_62 : memref<1x10000xi32, #tpu.memory_space<hbm>> -> memref<10000xi32, #tpu.memory_space<hbm>>
      tpu.enqueue_dma source(%dma_start3A_63 : memref<10000xi32, #tpu.memory_space<hbm>>) target(%arg7 : memref<10000xi32, #tpu.memory_space<vmem>>) target_semaphore(%run_scoped3A : memref<!tpu.dma_semaphore, #tpu.memory_space<semaphore_mem>>)
      %dma_wait3A = arith.constant 0 : i32
      %dma_wait3A_64 = tpu.memref_slice %arg2[%add3A_26, %dma_wait3A] : memref<64x10000xi32, #tpu.memory_space<hbm>> -> memref<1x10000xi32, #tpu.memory_space<hbm>>
      %dma_wait3A_65 = tpu.memref_squeeze %dma_wait3A_64 : memref<1x10000xi32, #tpu.memory_space<hbm>> -> memref<10000xi32, #tpu.memory_space<hbm>>
      %dma_wait3A_66 = arith.constant 0 : i32
      %dma_wait3A_67 = tpu.memref_slice %arg2[%add3A_26, %dma_wait3A_66] : memref<64x10000xi32, #tpu.memory_space<hbm>> -> memref<1x10000xi32, #tpu.memory_space<hbm>>
      %dma_wait3A_68 = tpu.memref_squeeze %dma_wait3A_67 : memref<1x10000xi32, #tpu.memory_space<hbm>> -> memref<10000xi32, #tpu.memory_space<hbm>>
      tpu.wait_dma2 semaphore(%run_scoped3A : memref<!tpu.dma_semaphore, #tpu.memory_space<semaphore_mem>>) src(%dma_wait3A_68 : memref<10000xi32, #tpu.memory_space<hbm>>) dst(%arg7 : memref<10000xi32, #tpu.memory_space<vmem>>)
      tpu.yield
    }) : () -> ()
    %broadcast_in_dim3A = arith.constant 0.000000e+00 : f32
    %broadcast_in_dim3A_27 = vector.broadcast %broadcast_in_dim3A : f32 to vector<16xf32>
    %parallel_loop3A = arith.constant 0 : i32
    %parallel_loop3A_28 = arith.constant 10000 : i32
    %parallel_loop3A_29 = arith.constant 16 : i32
    scf.for %parallel_loop3A_58 = %parallel_loop3A to %parallel_loop3A_28 step %parallel_loop3A_29  : i32 {
      %parallel_loop3A_59 = arith.index_cast %parallel_loop3A_58 : i32 to index
      %parallel_loop3A_60 = tpu.vector_load %arg8[%parallel_loop3A_59] {strides = array<i32>} : memref<10000xf32, #tpu.memory_space<vmem>>, vector<16xf32>,
      tpu.vector_store %arg8[%parallel_loop3A_59], %broadcast_in_dim3A_27 {strides = array<i32>} : memref<10000xf32, #tpu.memory_space<vmem>>, vector<16xf32>,
      %parallel_loop3A_61 = arith.index_cast %parallel_loop3A_58 : i32 to index
      %parallel_loop3A_62 = tpu.vector_load %arg9[%parallel_loop3A_61] {strides = array<i32>} : memref<10000xf32, #tpu.memory_space<vmem>>, vector<16xf32>,
      tpu.vector_store %arg9[%parallel_loop3A_61], %broadcast_in_dim3A_27 {strides = array<i32>} : memref<10000xf32, #tpu.memory_space<vmem>>, vector<16xf32>,
      %parallel_loop3A_63 = arith.index_cast %parallel_loop3A_58 : i32 to index
      %parallel_loop3A_64 = tpu.vector_load %arg10[%parallel_loop3A_63] {strides = array<i32>} : memref<10000xf32, #tpu.memory_space<vmem>>, vector<16xf32>,
      tpu.vector_store %arg10[%parallel_loop3A_63], %broadcast_in_dim3A_27 {strides = array<i32>} : memref<10000xf32, #tpu.memory_space<vmem>>, vector<16xf32>,
      %parallel_loop3A_65 = arith.index_cast %parallel_loop3A_58 : i32 to index
      %parallel_loop3A_66 = tpu.vector_load %arg11[%parallel_loop3A_65] {strides = array<i32>} : memref<10000xf32, #tpu.memory_space<vmem>>, vector<16xf32>,
      tpu.vector_store %arg11[%parallel_loop3A_65], %broadcast_in_dim3A_27 {strides = array<i32>} : memref<10000xf32, #tpu.memory_space<vmem>>, vector<16xf32>,
    } {sc.loop_unroll_factor = 4 : i64, sc.parallel_access}
    %broadcast_in_dim3A_30 = arith.constant 65535 : i32
    %broadcast_in_dim3A_31 = vector.broadcast %broadcast_in_dim3A_30 : i32 to vector<16xi32>
    %scan3A = arith.constant 0 : i32
    %scan3A_32 = arith.constant 0 : i32
    %scan3A_33 = arith.constant 25 : i32
    %scan3A_34 = arith.addi %scan3A_32, %scan3A_33 : i32
    %scan3A_35 = arith.constant 1 : i32
    %scan3A_36 = scf.for %scan3A_58 = %scan3A_32 to %scan3A_34 step %scan3A_35 iter_args(%scan3A_59 = %scan3A) -> (i32)  : i32 {
      %mul3A_60 = arith.constant 2 : i32
      %mul3A_61 = arith.muli %scan3A_58, %mul3A_60 : i32
      %add3A_62 = arith.constant 1 : i32
      %add3A_63 = arith.addi %mul3A_61, %add3A_62 : i32
      %mul3A_64 = arith.constant 6400 : i32
      %mul3A_65 = arith.muli %add3A_63, %mul3A_64 : i32
      %multiple_of3A_66 = tpu.assume_multiple %mul3A_65, 8 : i32
      %mul3A_67 = arith.constant 3200 : i32
      %mul3A_68 = arith.muli %add3A_63, %mul3A_67 : i32
      %multiple_of3A_69 = tpu.assume_multiple %mul3A_68, 8 : i32
      %dma_start3A_70 = arith.constant 1 : i32
      %dma_start3A_71 = arith.constant 0 : i32
      %dma_start3A_72 = tpu.memref_slice %arg12[%dma_start3A_70, %dma_start3A_71] : memref<2x6400xi32, #tpu.memory_space<vmem>> -> memref<1x6400xi32, #tpu.memory_space<vmem>>
      %dma_start3A_73 = tpu.memref_squeeze %dma_start3A_72 : memref<1x6400xi32, #tpu.memory_space<vmem>> -> memref<6400xi32, #tpu.memory_space<vmem>>
      %dma_start3A_74 = tpu.memref_slice %arg3[%multiple_of3A_66] : memref<320000xi32, #tpu.memory_space<hbm>> -> memref<6400xi32, #tpu.memory_space<hbm>>
      %dma_start3A_75 = arith.constant 0 : i32
      %dma_start3A_76 = tpu.memref_slice %arg12[%dma_start3A_70, %dma_start3A_75] : memref<2x6400xi32, #tpu.memory_space<vmem>> -> memref<1x6400xi32, #tpu.memory_space<vmem>>
      %dma_start3A_77 = tpu.memref_squeeze %dma_start3A_76 : memref<1x6400xi32, #tpu.memory_space<vmem>> -> memref<6400xi32, #tpu.memory_space<vmem>>
      %dma_start3A_78 = tpu.memref_slice %arg3[%multiple_of3A_66] : memref<320000xi32, #tpu.memory_space<hbm>> -> memref<6400xi32, #tpu.memory_space<hbm>>
      tpu.enqueue_dma source(%dma_start3A_78 : memref<6400xi32, #tpu.memory_space<hbm>>) target(%dma_start3A_77 : memref<6400xi32, #tpu.memory_space<vmem>>) target_semaphore(%arg15 : memref<!tpu.dma_semaphore, #tpu.memory_space<semaphore_mem>>)
      %dma_start3A_79 = arith.constant 1 : i32
      %dma_start3A_80 = arith.constant 0 : i32
      %dma_start3A_81 = tpu.memref_slice %arg13[%dma_start3A_79, %dma_start3A_80] : memref<2x3200xi32, #tpu.memory_space<vmem>> -> memref<1x3200xi32, #tpu.memory_space<vmem>>
      %dma_start3A_82 = tpu.memref_squeeze %dma_start3A_81 : memref<1x3200xi32, #tpu.memory_space<vmem>> -> memref<3200xi32, #tpu.memory_space<vmem>>
      %dma_start3A_83 = tpu.memref_slice %arg4[%multiple_of3A_69] : memref<160000xi32, #tpu.memory_space<hbm>> -> memref<3200xi32, #tpu.memory_space<hbm>>
      %dma_start3A_84 = arith.constant 0 : i32
      %dma_start3A_85 = tpu.memref_slice %arg13[%dma_start3A_79, %dma_start3A_84] : memref<2x3200xi32, #tpu.memory_space<vmem>> -> memref<1x3200xi32, #tpu.memory_space<vmem>>
      %dma_start3A_86 = tpu.memref_squeeze %dma_start3A_85 : memref<1x3200xi32, #tpu.memory_space<vmem>> -> memref<3200xi32, #tpu.memory_space<vmem>>
      %dma_start3A_87 = tpu.memref_slice %arg4[%multiple_of3A_69] : memref<160000xi32, #tpu.memory_space<hbm>> -> memref<3200xi32, #tpu.memory_space<hbm>>
      tpu.enqueue_dma source(%dma_start3A_87 : memref<3200xi32, #tpu.memory_space<hbm>>) target(%dma_start3A_86 : memref<3200xi32, #tpu.memory_space<vmem>>) target_semaphore(%arg17 : memref<!tpu.dma_semaphore, #tpu.memory_space<semaphore_mem>>)
      %dma_wait3A = arith.constant 0 : i32
      %dma_wait3A_88 = arith.constant 0 : i32
      %dma_wait3A_89 = tpu.memref_slice %arg12[%dma_wait3A, %dma_wait3A_88] : memref<2x6400xi32, #tpu.memory_space<vmem>> -> memref<1x6400xi32, #tpu.memory_space<vmem>>
      %dma_wait3A_90 = tpu.memref_squeeze %dma_wait3A_89 : memref<1x6400xi32, #tpu.memory_space<vmem>> -> memref<6400xi32, #tpu.memory_space<vmem>>
      %dma_wait3A_91 = arith.constant 0 : i32
      %dma_wait3A_92 = tpu.memref_slice %arg3[%dma_wait3A_91] : memref<320000xi32, #tpu.memory_space<hbm>> -> memref<6400xi32, #tpu.memory_space<hbm>>
      %dma_wait3A_93 = arith.constant 0 : i32
      %dma_wait3A_94 = tpu.memref_slice %arg12[%dma_wait3A, %dma_wait3A_93] : memref<2x6400xi32, #tpu.memory_space<vmem>> -> memref<1x6400xi32, #tpu.memory_space<vmem>>
      %dma_wait3A_95 = tpu.memref_squeeze %dma_wait3A_94 : memref<1x6400xi32, #tpu.memory_space<vmem>> -> memref<6400xi32, #tpu.memory_space<vmem>>
      %dma_wait3A_96 = arith.constant 0 : i32
      %dma_wait3A_97 = tpu.memref_slice %arg3[%dma_wait3A_96] : memref<320000xi32, #tpu.memory_space<hbm>> -> memref<6400xi32, #tpu.memory_space<hbm>>
      tpu.wait_dma2 semaphore(%arg14 : memref<!tpu.dma_semaphore, #tpu.memory_space<semaphore_mem>>) src(%dma_wait3A_97 : memref<6400xi32, #tpu.memory_space<hbm>>) dst(%dma_wait3A_95 : memref<6400xi32, #tpu.memory_space<vmem>>)
      %dma_wait3A_98 = arith.constant 0 : i32
      %dma_wait3A_99 = arith.constant 0 : i32
      %dma_wait3A_100 = tpu.memref_slice %arg13[%dma_wait3A_98, %dma_wait3A_99] : memref<2x3200xi32, #tpu.memory_space<vmem>> -> memref<1x3200xi32, #tpu.memory_space<vmem>>
      %dma_wait3A_101 = tpu.memref_squeeze %dma_wait3A_100 : memref<1x3200xi32, #tpu.memory_space<vmem>> -> memref<3200xi32, #tpu.memory_space<vmem>>
      %dma_wait3A_102 = arith.constant 0 : i32
      %dma_wait3A_103 = tpu.memref_slice %arg4[%dma_wait3A_102] : memref<160000xi32, #tpu.memory_space<hbm>> -> memref<3200xi32, #tpu.memory_space<hbm>>
      %dma_wait3A_104 = arith.constant 0 : i32
      %dma_wait3A_105 = tpu.memref_slice %arg13[%dma_wait3A_98, %dma_wait3A_104] : memref<2x3200xi32, #tpu.memory_space<vmem>> -> memref<1x3200xi32, #tpu.memory_space<vmem>>
      %dma_wait3A_106 = tpu.memref_squeeze %dma_wait3A_105 : memref<1x3200xi32, #tpu.memory_space<vmem>> -> memref<3200xi32, #tpu.memory_space<vmem>>
      %dma_wait3A_107 = arith.constant 0 : i32
      %dma_wait3A_108 = tpu.memref_slice %arg4[%dma_wait3A_107] : memref<160000xi32, #tpu.memory_space<hbm>> -> memref<3200xi32, #tpu.memory_space<hbm>>
      tpu.wait_dma2 semaphore(%arg16 : memref<!tpu.dma_semaphore, #tpu.memory_space<semaphore_mem>>) src(%dma_wait3A_108 : memref<3200xi32, #tpu.memory_space<hbm>>) dst(%dma_wait3A_106 : memref<3200xi32, #tpu.memory_space<vmem>>)
      %parallel_loop3A_109 = arith.constant 0 : i32
      %parallel_loop3A_110 = arith.constant 6400 : i32
      %parallel_loop3A_111 = arith.constant 32 : i32
      scf.for %parallel_loop3A_140 = %parallel_loop3A_109 to %parallel_loop3A_110 step %parallel_loop3A_111  : i32 {
        %parallel_loop3A_141 = arith.constant 1 : i32
        %parallel_loop3A_142 = arith.shrui %parallel_loop3A_140, %parallel_loop3A_141 : i32
        %parallel_loop3A_143 = arith.constant 0 : i32
        %parallel_loop3A_144 = arith.index_cast %parallel_loop3A_143 : i32 to index
        %parallel_loop3A_145 = arith.index_cast %parallel_loop3A_142 : i32 to index
        %parallel_loop3A_146 = tpu.vector_load %arg13[%parallel_loop3A_144, %parallel_loop3A_145] {strides = array<i32>} : memref<2x3200xi32, #tpu.memory_space<vmem>>, vector<16xi32>,
        %parallel_loop3A_147 = vector.bitcast %parallel_loop3A_146 : vector<16xi32> to vector<32xbf16>
        %parallel_loop3A_148 = tpu.unpack_subelements %parallel_loop3A_147, 0 {pack_format = #tpu.pack_format<interleaved>} : vector<32xbf16> -> vector<16xf32>
        %parallel_loop3A_149 = tpu.unpack_subelements %parallel_loop3A_147, 1 {pack_format = #tpu.pack_format<interleaved>} : vector<32xbf16> -> vector<16xf32>
        %parallel_loop3A_150 = arith.constant 0 : i32
        %parallel_loop3A_151 = arith.index_cast %parallel_loop3A_150 : i32 to index
        %parallel_loop3A_152 = arith.index_cast %parallel_loop3A_140 : i32 to index
        %parallel_loop3A_153 = tpu.vector_load %arg12[%parallel_loop3A_151, %parallel_loop3A_152] {strides = array<i32>} : memref<2x6400xi32, #tpu.memory_space<vmem>>, vector<16xi32>,
        %parallel_loop3A_154 = arith.constant 16 : i32
        %parallel_loop3A_155 = arith.addi %parallel_loop3A_140, %parallel_loop3A_154 : i32
        %parallel_loop3A_156 = arith.constant 0 : i32
        %parallel_loop3A_157 = arith.index_cast %parallel_loop3A_156 : i32 to index
        %parallel_loop3A_158 = arith.index_cast %parallel_loop3A_155 : i32 to index
        %parallel_loop3A_159 = tpu.vector_load %arg12[%parallel_loop3A_157, %parallel_loop3A_158] {strides = array<i32>} : memref<2x6400xi32, #tpu.memory_space<vmem>>, vector<16xi32>,
        %parallel_loop3A_160 = arith.andi %parallel_loop3A_153, %broadcast_in_dim3A_31 : vector<16xi32>
        %parallel_loop3A_161 = arith.constant 16 : i32
        %parallel_loop3A_162 = vector.broadcast %parallel_loop3A_161 : i32 to vector<16xi32>
        %parallel_loop3A_163 = arith.shrui %parallel_loop3A_153, %parallel_loop3A_162 : vector<16xi32>
        %parallel_loop3A_164 = tpu.vector_load_idx %arg6[%parallel_loop3A_160] : memref<10000xi32, #tpu.memory_space<vmem>>[vector<16xi32>], vector<16xi32>,
        %parallel_loop3A_165 = vector.bitcast %parallel_loop3A_164 : vector<16xi32> to vector<32xbf16>
        %parallel_loop3A_166 = tpu.unpack_subelements %parallel_loop3A_165, 0 {pack_format = #tpu.pack_format<interleaved>} : vector<32xbf16> -> vector<16xf32>
        %parallel_loop3A_167 = tpu.unpack_subelements %parallel_loop3A_165, 1 {pack_format = #tpu.pack_format<interleaved>} : vector<32xbf16> -> vector<16xf32>
        %parallel_loop3A_168 = arith.mulf %parallel_loop3A_166, %parallel_loop3A_148 : vector<16xf32>
        tpu.vector_store_idx %arg8[%parallel_loop3A_163], %parallel_loop3A_168 {add = true} : memref<10000xf32, #tpu.memory_space<vmem>>[vector<16xi32>], vector<16xf32>,
        %parallel_loop3A_169 = arith.mulf %parallel_loop3A_167, %parallel_loop3A_148 : vector<16xf32>
        tpu.vector_store_idx %arg9[%parallel_loop3A_163], %parallel_loop3A_169 {add = true} : memref<10000xf32, #tpu.memory_space<vmem>>[vector<16xi32>], vector<16xf32>,
        %parallel_loop3A_170 = tpu.vector_load_idx %arg7[%parallel_loop3A_160] : memref<10000xi32, #tpu.memory_space<vmem>>[vector<16xi32>], vector<16xi32>,
        %parallel_loop3A_171 = vector.bitcast %parallel_loop3A_170 : vector<16xi32> to vector<32xbf16>
        %parallel_loop3A_172 = tpu.unpack_subelements %parallel_loop3A_171, 0 {pack_format = #tpu.pack_format<interleaved>} : vector<32xbf16> -> vector<16xf32>
        %parallel_loop3A_173 = tpu.unpack_subelements %parallel_loop3A_171, 1 {pack_format = #tpu.pack_format<interleaved>} : vector<32xbf16> -> vector<16xf32>
        %parallel_loop3A_174 = arith.mulf %parallel_loop3A_172, %parallel_loop3A_148 : vector<16xf32>
        tpu.vector_store_idx %arg10[%parallel_loop3A_163], %parallel_loop3A_174 {add = true} : memref<10000xf32, #tpu.memory_space<vmem>>[vector<16xi32>], vector<16xf32>,
        %parallel_loop3A_175 = arith.mulf %parallel_loop3A_173, %parallel_loop3A_148 : vector<16xf32>
        tpu.vector_store_idx %arg11[%parallel_loop3A_163], %parallel_loop3A_175 {add = true} : memref<10000xf32, #tpu.memory_space<vmem>>[vector<16xi32>], vector<16xf32>,
        %parallel_loop3A_176 = arith.andi %parallel_loop3A_159, %broadcast_in_dim3A_31 : vector<16xi32>
        %parallel_loop3A_177 = arith.constant 16 : i32
        %parallel_loop3A_178 = vector.broadcast %parallel_loop3A_177 : i32 to vector<16xi32>
        %parallel_loop3A_179 = arith.shrui %parallel_loop3A_159, %parallel_loop3A_178 : vector<16xi32>
        %parallel_loop3A_180 = tpu.vector_load_idx %arg6[%parallel_loop3A_176] : memref<10000xi32, #tpu.memory_space<vmem>>[vector<16xi32>], vector<16xi32>,
        %parallel_loop3A_181 = vector.bitcast %parallel_loop3A_180 : vector<16xi32> to vector<32xbf16>
        %parallel_loop3A_182 = tpu.unpack_subelements %parallel_loop3A_181, 0 {pack_format = #tpu.pack_format<interleaved>} : vector<32xbf16> -> vector<16xf32>
        %parallel_loop3A_183 = tpu.unpack_subelements %parallel_loop3A_181, 1 {pack_format = #tpu.pack_format<interleaved>} : vector<32xbf16> -> vector<16xf32>
        %parallel_loop3A_184 = arith.mulf %parallel_loop3A_182, %parallel_loop3A_149 : vector<16xf32>
        tpu.vector_store_idx %arg8[%parallel_loop3A_179], %parallel_loop3A_184 {add = true} : memref<10000xf32, #tpu.memory_space<vmem>>[vector<16xi32>], vector<16xf32>,
        %parallel_loop3A_185 = arith.mulf %parallel_loop3A_183, %parallel_loop3A_149 : vector<16xf32>
        tpu.vector_store_idx %arg9[%parallel_loop3A_179], %parallel_loop3A_185 {add = true} : memref<10000xf32, #tpu.memory_space<vmem>>[vector<16xi32>], vector<16xf32>,
        %parallel_loop3A_186 = tpu.vector_load_idx %arg7[%parallel_loop3A_176] : memref<10000xi32, #tpu.memory_space<vmem>>[vector<16xi32>], vector<16xi32>,
        %parallel_loop3A_187 = vector.bitcast %parallel_loop3A_186 : vector<16xi32> to vector<32xbf16>
        %parallel_loop3A_188 = tpu.unpack_subelements %parallel_loop3A_187, 0 {pack_format = #tpu.pack_format<interleaved>} : vector<32xbf16> -> vector<16xf32>
        %parallel_loop3A_189 = tpu.unpack_subelements %parallel_loop3A_187, 1 {pack_format = #tpu.pack_format<interleaved>} : vector<32xbf16> -> vector<16xf32>
        %parallel_loop3A_190 = arith.mulf %parallel_loop3A_188, %parallel_loop3A_149 : vector<16xf32>
        tpu.vector_store_idx %arg10[%parallel_loop3A_179], %parallel_loop3A_190 {add = true} : memref<10000xf32, #tpu.memory_space<vmem>>[vector<16xi32>], vector<16xf32>,
        %parallel_loop3A_191 = arith.mulf %parallel_loop3A_189, %parallel_loop3A_149 : vector<16xf32>
        tpu.vector_store_idx %arg11[%parallel_loop3A_179], %parallel_loop3A_191 {add = true} : memref<10000xf32, #tpu.memory_space<vmem>>[vector<16xi32>], vector<16xf32>,
      } {sc.loop_unroll_factor = 2 : i64, sc.parallel_access}
      %lt3A = arith.constant 24 : i32
      %lt3A_112 = arith.cmpi slt, %scan3A_58, %lt3A : i32
      %convert_element_type3A = arith.extui %lt3A_112 : i1 to i32
      %cond3A = arith.constant 0 : i32
      %cond3A_113 = arith.cmpi ne, %convert_element_type3A, %cond3A : i32
      scf.if %cond3A_113 {
        %add3A_140 = arith.constant 2 : i32
        %add3A_141 = arith.addi %mul3A_61, %add3A_140 : i32
        %mul3A_142 = arith.constant 6400 : i32
        %mul3A_143 = arith.muli %add3A_141, %mul3A_142 : i32
        %multiple_of3A_144 = tpu.assume_multiple %mul3A_143, 8 : i32
        %mul3A_145 = arith.constant 3200 : i32
        %mul3A_146 = arith.muli %add3A_141, %mul3A_145 : i32
        %multiple_of3A_147 = tpu.assume_multiple %mul3A_146, 8 : i32
        %dma_start3A_148 = arith.constant 0 : i32
        %dma_start3A_149 = arith.constant 0 : i32
        %dma_start3A_150 = tpu.memref_slice %arg12[%dma_start3A_148, %dma_start3A_149] : memref<2x6400xi32, #tpu.memory_space<vmem>> -> memref<1x6400xi32, #tpu.memory_space<vmem>>
        %dma_start3A_151 = tpu.memref_squeeze %dma_start3A_150 : memref<1x6400xi32, #tpu.memory_space<vmem>> -> memref<6400xi32, #tpu.memory_space<vmem>>
        %dma_start3A_152 = tpu.memref_slice %arg3[%multiple_of3A_144] : memref<320000xi32, #tpu.memory_space<hbm>> -> memref<6400xi32, #tpu.memory_space<hbm>>
        %dma_start3A_153 = arith.constant 0 : i32
        %dma_start3A_154 = tpu.memref_slice %arg12[%dma_start3A_148, %dma_start3A_153] : memref<2x6400xi32, #tpu.memory_space<vmem>> -> memref<1x6400xi32, #tpu.memory_space<vmem>>
        %dma_start3A_155 = tpu.memref_squeeze %dma_start3A_154 : memref<1x6400xi32, #tpu.memory_space<vmem>> -> memref<6400xi32, #tpu.memory_space<vmem>>
        %dma_start3A_156 = tpu.memref_slice %arg3[%multiple_of3A_144] : memref<320000xi32, #tpu.memory_space<hbm>> -> memref<6400xi32, #tpu.memory_space<hbm>>
        tpu.enqueue_dma source(%dma_start3A_156 : memref<6400xi32, #tpu.memory_space<hbm>>) target(%dma_start3A_155 : memref<6400xi32, #tpu.memory_space<vmem>>) target_semaphore(%arg14 : memref<!tpu.dma_semaphore, #tpu.memory_space<semaphore_mem>>)
        %dma_start3A_157 = arith.constant 0 : i32
        %dma_start3A_158 = arith.constant 0 : i32
        %dma_start3A_159 = tpu.memref_slice %arg13[%dma_start3A_157, %dma_start3A_158] : memref<2x3200xi32, #tpu.memory_space<vmem>> -> memref<1x3200xi32, #tpu.memory_space<vmem>>
        %dma_start3A_160 = tpu.memref_squeeze %dma_start3A_159 : memref<1x3200xi32, #tpu.memory_space<vmem>> -> memref<3200xi32, #tpu.memory_space<vmem>>
        %dma_start3A_161 = tpu.memref_slice %arg4[%multiple_of3A_147] : memref<160000xi32, #tpu.memory_space<hbm>> -> memref<3200xi32, #tpu.memory_space<hbm>>
        %dma_start3A_162 = arith.constant 0 : i32
        %dma_start3A_163 = tpu.memref_slice %arg13[%dma_start3A_157, %dma_start3A_162] : memref<2x3200xi32, #tpu.memory_space<vmem>> -> memref<1x3200xi32, #tpu.memory_space<vmem>>
        %dma_start3A_164 = tpu.memref_squeeze %dma_start3A_163 : memref<1x3200xi32, #tpu.memory_space<vmem>> -> memref<3200xi32, #tpu.memory_space<vmem>>
        %dma_start3A_165 = tpu.memref_slice %arg4[%multiple_of3A_147] : memref<160000xi32, #tpu.memory_space<hbm>> -> memref<3200xi32, #tpu.memory_space<hbm>>
        tpu.enqueue_dma source(%dma_start3A_165 : memref<3200xi32, #tpu.memory_space<hbm>>) target(%dma_start3A_164 : memref<3200xi32, #tpu.memory_space<vmem>>) target_semaphore(%arg16 : memref<!tpu.dma_semaphore, #tpu.memory_space<semaphore_mem>>)
      } else {
      }
      %dma_wait3A_114 = arith.constant 1 : i32
      %dma_wait3A_115 = arith.constant 0 : i32
      %dma_wait3A_116 = tpu.memref_slice %arg12[%dma_wait3A_114, %dma_wait3A_115] : memref<2x6400xi32, #tpu.memory_space<vmem>> -> memref<1x6400xi32, #tpu.memory_space<vmem>>
      %dma_wait3A_117 = tpu.memref_squeeze %dma_wait3A_116 : memref<1x6400xi32, #tpu.memory_space<vmem>> -> memref<6400xi32, #tpu.memory_space<vmem>>
      %dma_wait3A_118 = arith.constant 0 : i32
      %dma_wait3A_119 = tpu.memref_slice %arg3[%dma_wait3A_118] : memref<320000xi32, #tpu.memory_space<hbm>> -> memref<6400xi32, #tpu.memory_space<hbm>>
      %dma_wait3A_120 = arith.constant 0 : i32
      %dma_wait3A_121 = tpu.memref_slice %arg12[%dma_wait3A_114, %dma_wait3A_120] : memref<2x6400xi32, #tpu.memory_space<vmem>> -> memref<1x6400xi32, #tpu.memory_space<vmem>>
      %dma_wait3A_122 = tpu.memref_squeeze %dma_wait3A_121 : memref<1x6400xi32, #tpu.memory_space<vmem>> -> memref<6400xi32, #tpu.memory_space<vmem>>
      %dma_wait3A_123 = arith.constant 0 : i32
      %dma_wait3A_124 = tpu.memref_slice %arg3[%dma_wait3A_123] : memref<320000xi32, #tpu.memory_space<hbm>> -> memref<6400xi32, #tpu.memory_space<hbm>>
      tpu.wait_dma2 semaphore(%arg15 : memref<!tpu.dma_semaphore, #tpu.memory_space<semaphore_mem>>) src(%dma_wait3A_124 : memref<6400xi32, #tpu.memory_space<hbm>>) dst(%dma_wait3A_122 : memref<6400xi32, #tpu.memory_space<vmem>>)
      %dma_wait3A_125 = arith.constant 1 : i32
      %dma_wait3A_126 = arith.constant 0 : i32
      %dma_wait3A_127 = tpu.memref_slice %arg13[%dma_wait3A_125, %dma_wait3A_126] : memref<2x3200xi32, #tpu.memory_space<vmem>> -> memref<1x3200xi32, #tpu.memory_space<vmem>>
      %dma_wait3A_128 = tpu.memref_squeeze %dma_wait3A_127 : memref<1x3200xi32, #tpu.memory_space<vmem>> -> memref<3200xi32, #tpu.memory_space<vmem>>
      %dma_wait3A_129 = arith.constant 0 : i32
      %dma_wait3A_130 = tpu.memref_slice %arg4[%dma_wait3A_129] : memref<160000xi32, #tpu.memory_space<hbm>> -> memref<3200xi32, #tpu.memory_space<hbm>>
      %dma_wait3A_131 = arith.constant 0 : i32
      %dma_wait3A_132 = tpu.memref_slice %arg13[%dma_wait3A_125, %dma_wait3A_131] : memref<2x3200xi32, #tpu.memory_space<vmem>> -> memref<1x3200xi32, #tpu.memory_space<vmem>>
      %dma_wait3A_133 = tpu.memref_squeeze %dma_wait3A_132 : memref<1x3200xi32, #tpu.memory_space<vmem>> -> memref<3200xi32, #tpu.memory_space<vmem>>
      %dma_wait3A_134 = arith.constant 0 : i32
      %dma_wait3A_135 = tpu.memref_slice %arg4[%dma_wait3A_134] : memref<160000xi32, #tpu.memory_space<hbm>> -> memref<3200xi32, #tpu.memory_space<hbm>>
      tpu.wait_dma2 semaphore(%arg17 : memref<!tpu.dma_semaphore, #tpu.memory_space<semaphore_mem>>) src(%dma_wait3A_135 : memref<3200xi32, #tpu.memory_space<hbm>>) dst(%dma_wait3A_133 : memref<3200xi32, #tpu.memory_space<vmem>>)
      %parallel_loop3A_136 = arith.constant 0 : i32
      %parallel_loop3A_137 = arith.constant 6400 : i32
      %parallel_loop3A_138 = arith.constant 32 : i32
      scf.for %parallel_loop3A_140 = %parallel_loop3A_136 to %parallel_loop3A_137 step %parallel_loop3A_138  : i32 {
        %parallel_loop3A_141 = arith.constant 1 : i32
        %parallel_loop3A_142 = arith.shrui %parallel_loop3A_140, %parallel_loop3A_141 : i32
        %parallel_loop3A_143 = arith.constant 1 : i32
        %parallel_loop3A_144 = arith.index_cast %parallel_loop3A_143 : i32 to index
        %parallel_loop3A_145 = arith.index_cast %parallel_loop3A_142 : i32 to index
        %parallel_loop3A_146 = tpu.vector_load %arg13[%parallel_loop3A_144, %parallel_loop3A_145] {strides = array<i32>} : memref<2x3200xi32, #tpu.memory_space<vmem>>, vector<16xi32>,
        %parallel_loop3A_147 = vector.bitcast %parallel_loop3A_146 : vector<16xi32> to vector<32xbf16>
        %parallel_loop3A_148 = tpu.unpack_subelements %parallel_loop3A_147, 0 {pack_format = #tpu.pack_format<interleaved>} : vector<32xbf16> -> vector<16xf32>
        %parallel_loop3A_149 = tpu.unpack_subelements %parallel_loop3A_147, 1 {pack_format = #tpu.pack_format<interleaved>} : vector<32xbf16> -> vector<16xf32>
        %parallel_loop3A_150 = arith.constant 1 : i32
        %parallel_loop3A_151 = arith.index_cast %parallel_loop3A_150 : i32 to index
        %parallel_loop3A_152 = arith.index_cast %parallel_loop3A_140 : i32 to index
        %parallel_loop3A_153 = tpu.vector_load %arg12[%parallel_loop3A_151, %parallel_loop3A_152] {strides = array<i32>} : memref<2x6400xi32, #tpu.memory_space<vmem>>, vector<16xi32>,
        %parallel_loop3A_154 = arith.constant 16 : i32
        %parallel_loop3A_155 = arith.addi %parallel_loop3A_140, %parallel_loop3A_154 : i32
        %parallel_loop3A_156 = arith.constant 1 : i32
        %parallel_loop3A_157 = arith.index_cast %parallel_loop3A_156 : i32 to index
        %parallel_loop3A_158 = arith.index_cast %parallel_loop3A_155 : i32 to index
        %parallel_loop3A_159 = tpu.vector_load %arg12[%parallel_loop3A_157, %parallel_loop3A_158] {strides = array<i32>} : memref<2x6400xi32, #tpu.memory_space<vmem>>, vector<16xi32>,
        %parallel_loop3A_160 = arith.andi %parallel_loop3A_153, %broadcast_in_dim3A_31 : vector<16xi32>
        %parallel_loop3A_161 = arith.constant 16 : i32
        %parallel_loop3A_162 = vector.broadcast %parallel_loop3A_161 : i32 to vector<16xi32>
        %parallel_loop3A_163 = arith.shrui %parallel_loop3A_153, %parallel_loop3A_162 : vector<16xi32>
        %parallel_loop3A_164 = tpu.vector_load_idx %arg6[%parallel_loop3A_160] : memref<10000xi32, #tpu.memory_space<vmem>>[vector<16xi32>], vector<16xi32>,
        %parallel_loop3A_165 = vector.bitcast %parallel_loop3A_164 : vector<16xi32> to vector<32xbf16>
        %parallel_loop3A_166 = tpu.unpack_subelements %parallel_loop3A_165, 0 {pack_format = #tpu.pack_format<interleaved>} : vector<32xbf16> -> vector<16xf32>
        %parallel_loop3A_167 = tpu.unpack_subelements %parallel_loop3A_165, 1 {pack_format = #tpu.pack_format<interleaved>} : vector<32xbf16> -> vector<16xf32>
        %parallel_loop3A_168 = arith.mulf %parallel_loop3A_166, %parallel_loop3A_148 : vector<16xf32>
        tpu.vector_store_idx %arg8[%parallel_loop3A_163], %parallel_loop3A_168 {add = true} : memref<10000xf32, #tpu.memory_space<vmem>>[vector<16xi32>], vector<16xf32>,
        %parallel_loop3A_169 = arith.mulf %parallel_loop3A_167, %parallel_loop3A_148 : vector<16xf32>
        tpu.vector_store_idx %arg9[%parallel_loop3A_163], %parallel_loop3A_169 {add = true} : memref<10000xf32, #tpu.memory_space<vmem>>[vector<16xi32>], vector<16xf32>,
        %parallel_loop3A_170 = tpu.vector_load_idx %arg7[%parallel_loop3A_160] : memref<10000xi32, #tpu.memory_space<vmem>>[vector<16xi32>], vector<16xi32>,
        %parallel_loop3A_171 = vector.bitcast %parallel_loop3A_170 : vector<16xi32> to vector<32xbf16>
        %parallel_loop3A_172 = tpu.unpack_subelements %parallel_loop3A_171, 0 {pack_format = #tpu.pack_format<interleaved>} : vector<32xbf16> -> vector<16xf32>
        %parallel_loop3A_173 = tpu.unpack_subelements %parallel_loop3A_171, 1 {pack_format = #tpu.pack_format<interleaved>} : vector<32xbf16> -> vector<16xf32>
        %parallel_loop3A_174 = arith.mulf %parallel_loop3A_172, %parallel_loop3A_148 : vector<16xf32>
        tpu.vector_store_idx %arg10[%parallel_loop3A_163], %parallel_loop3A_174 {add = true} : memref<10000xf32, #tpu.memory_space<vmem>>[vector<16xi32>], vector<16xf32>,
        %parallel_loop3A_175 = arith.mulf %parallel_loop3A_173, %parallel_loop3A_148 : vector<16xf32>
        tpu.vector_store_idx %arg11[%parallel_loop3A_163], %parallel_loop3A_175 {add = true} : memref<10000xf32, #tpu.memory_space<vmem>>[vector<16xi32>], vector<16xf32>,
        %parallel_loop3A_176 = arith.andi %parallel_loop3A_159, %broadcast_in_dim3A_31 : vector<16xi32>
        %parallel_loop3A_177 = arith.constant 16 : i32
        %parallel_loop3A_178 = vector.broadcast %parallel_loop3A_177 : i32 to vector<16xi32>
        %parallel_loop3A_179 = arith.shrui %parallel_loop3A_159, %parallel_loop3A_178 : vector<16xi32>
        %parallel_loop3A_180 = tpu.vector_load_idx %arg6[%parallel_loop3A_176] : memref<10000xi32, #tpu.memory_space<vmem>>[vector<16xi32>], vector<16xi32>,
        %parallel_loop3A_181 = vector.bitcast %parallel_loop3A_180 : vector<16xi32> to vector<32xbf16>
        %parallel_loop3A_182 = tpu.unpack_subelements %parallel_loop3A_181, 0 {pack_format = #tpu.pack_format<interleaved>} : vector<32xbf16> -> vector<16xf32>
        %parallel_loop3A_183 = tpu.unpack_subelements %parallel_loop3A_181, 1 {pack_format = #tpu.pack_format<interleaved>} : vector<32xbf16> -> vector<16xf32>
        %parallel_loop3A_184 = arith.mulf %parallel_loop3A_182, %parallel_loop3A_149 : vector<16xf32>
        tpu.vector_store_idx %arg8[%parallel_loop3A_179], %parallel_loop3A_184 {add = true} : memref<10000xf32, #tpu.memory_space<vmem>>[vector<16xi32>], vector<16xf32>,
        %parallel_loop3A_185 = arith.mulf %parallel_loop3A_183, %parallel_loop3A_149 : vector<16xf32>
        tpu.vector_store_idx %arg9[%parallel_loop3A_179], %parallel_loop3A_185 {add = true} : memref<10000xf32, #tpu.memory_space<vmem>>[vector<16xi32>], vector<16xf32>,
        %parallel_loop3A_186 = tpu.vector_load_idx %arg7[%parallel_loop3A_176] : memref<10000xi32, #tpu.memory_space<vmem>>[vector<16xi32>], vector<16xi32>,
        %parallel_loop3A_187 = vector.bitcast %parallel_loop3A_186 : vector<16xi32> to vector<32xbf16>
        %parallel_loop3A_188 = tpu.unpack_subelements %parallel_loop3A_187, 0 {pack_format = #tpu.pack_format<interleaved>} : vector<32xbf16> -> vector<16xf32>
        %parallel_loop3A_189 = tpu.unpack_subelements %parallel_loop3A_187, 1 {pack_format = #tpu.pack_format<interleaved>} : vector<32xbf16> -> vector<16xf32>
        %parallel_loop3A_190 = arith.mulf %parallel_loop3A_188, %parallel_loop3A_149 : vector<16xf32>
        tpu.vector_store_idx %arg10[%parallel_loop3A_179], %parallel_loop3A_190 {add = true} : memref<10000xf32, #tpu.memory_space<vmem>>[vector<16xi32>], vector<16xf32>,
        %parallel_loop3A_191 = arith.mulf %parallel_loop3A_189, %parallel_loop3A_149 : vector<16xf32>
        tpu.vector_store_idx %arg11[%parallel_loop3A_179], %parallel_loop3A_191 {add = true} : memref<10000xf32, #tpu.memory_space<vmem>>[vector<16xi32>], vector<16xf32>,
      } {sc.loop_unroll_factor = 2 : i64, sc.parallel_access}
      %scan3A_139 = arith.constant 0 : i32
      scf.yield %scan3A_139 : i32
    }
    %scan3A_37 = arith.constant 25 : i32
    %mul3A_38 = arith.constant 2 : i32
    %mul3A_39 = arith.muli %mul3A_38, %add3A : i32
    %add3A_40 = arith.constant 0 : i32
    %add3A_41 = arith.addi %mul3A_39, %add3A_40 : i32
    "tpu.region"() ({
      %run_scoped3A = tpu.sem_alloc : memref<!tpu.dma_semaphore, #tpu.memory_space<semaphore_mem>>
      %dma_start3A_58 = arith.constant 0 : i32
      %dma_start3A_59 = tpu.memref_slice %arg5[%add3A_41, %dma_start3A_58] : memref<128x10000xf32, #tpu.memory_space<hbm>> -> memref<1x10000xf32, #tpu.memory_space<hbm>>
      %dma_start3A_60 = tpu.memref_squeeze %dma_start3A_59 : memref<1x10000xf32, #tpu.memory_space<hbm>> -> memref<10000xf32, #tpu.memory_space<hbm>>
      %dma_start3A_61 = arith.constant 0 : i32
      %dma_start3A_62 = tpu.memref_slice %arg5[%add3A_41, %dma_start3A_61] : memref<128x10000xf32, #tpu.memory_space<hbm>> -> memref<1x10000xf32, #tpu.memory_space<hbm>>
      %dma_start3A_63 = tpu.memref_squeeze %dma_start3A_62 : memref<1x10000xf32, #tpu.memory_space<hbm>> -> memref<10000xf32, #tpu.memory_space<hbm>>
      tpu.enqueue_dma source(%arg8 : memref<10000xf32, #tpu.memory_space<vmem>>) target(%dma_start3A_63 : memref<10000xf32, #tpu.memory_space<hbm>>) target_semaphore(%run_scoped3A : memref<!tpu.dma_semaphore, #tpu.memory_space<semaphore_mem>>)
      %dma_wait3A = arith.constant 0 : i32
      %dma_wait3A_64 = tpu.memref_slice %arg5[%add3A_41, %dma_wait3A] : memref<128x10000xf32, #tpu.memory_space<hbm>> -> memref<1x10000xf32, #tpu.memory_space<hbm>>
      %dma_wait3A_65 = tpu.memref_squeeze %dma_wait3A_64 : memref<1x10000xf32, #tpu.memory_space<hbm>> -> memref<10000xf32, #tpu.memory_space<hbm>>
      %dma_wait3A_66 = arith.constant 0 : i32
      %dma_wait3A_67 = tpu.memref_slice %arg5[%add3A_41, %dma_wait3A_66] : memref<128x10000xf32, #tpu.memory_space<hbm>> -> memref<1x10000xf32, #tpu.memory_space<hbm>>
      %dma_wait3A_68 = tpu.memref_squeeze %dma_wait3A_67 : memref<1x10000xf32, #tpu.memory_space<hbm>> -> memref<10000xf32, #tpu.memory_space<hbm>>
      tpu.wait_dma2 semaphore(%run_scoped3A : memref<!tpu.dma_semaphore, #tpu.memory_space<semaphore_mem>>) src(%arg8 : memref<10000xf32, #tpu.memory_space<vmem>>) dst(%dma_wait3A_68 : memref<10000xf32, #tpu.memory_space<hbm>>)
      tpu.yield
    }) : () -> ()
    %mul3A_42 = arith.constant 2 : i32
    %mul3A_43 = arith.muli %mul3A_42, %add3A : i32
    %add3A_44 = arith.constant 64 : i32
    %add3A_45 = arith.addi %add3A_44, %mul3A_43 : i32
    %add3A_46 = arith.constant 0 : i32
    %add3A_47 = arith.addi %add3A_45, %add3A_46 : i32
    "tpu.region"() ({
      %run_scoped3A = tpu.sem_alloc : memref<!tpu.dma_semaphore, #tpu.memory_space<semaphore_mem>>
      %dma_start3A_58 = arith.constant 0 : i32
      %dma_start3A_59 = tpu.memref_slice %arg5[%add3A_47, %dma_start3A_58] : memref<128x10000xf32, #tpu.memory_space<hbm>> -> memref<1x10000xf32, #tpu.memory_space<hbm>>
      %dma_start3A_60 = tpu.memref_squeeze %dma_start3A_59 : memref<1x10000xf32, #tpu.memory_space<hbm>> -> memref<10000xf32, #tpu.memory_space<hbm>>
      %dma_start3A_61 = arith.constant 0 : i32
      %dma_start3A_62 = tpu.memref_slice %arg5[%add3A_47, %dma_start3A_61] : memref<128x10000xf32, #tpu.memory_space<hbm>> -> memref<1x10000xf32, #tpu.memory_space<hbm>>
      %dma_start3A_63 = tpu.memref_squeeze %dma_start3A_62 : memref<1x10000xf32, #tpu.memory_space<hbm>> -> memref<10000xf32, #tpu.memory_space<hbm>>
      tpu.enqueue_dma source(%arg9 : memref<10000xf32, #tpu.memory_space<vmem>>) target(%dma_start3A_63 : memref<10000xf32, #tpu.memory_space<hbm>>) target_semaphore(%run_scoped3A : memref<!tpu.dma_semaphore, #tpu.memory_space<semaphore_mem>>)
      %dma_wait3A = arith.constant 0 : i32
      %dma_wait3A_64 = tpu.memref_slice %arg5[%add3A_47, %dma_wait3A] : memref<128x10000xf32, #tpu.memory_space<hbm>> -> memref<1x10000xf32, #tpu.memory_space<hbm>>
      %dma_wait3A_65 = tpu.memref_squeeze %dma_wait3A_64 : memref<1x10000xf32, #tpu.memory_space<hbm>> -> memref<10000xf32, #tpu.memory_space<hbm>>
      %dma_wait3A_66 = arith.constant 0 : i32
      %dma_wait3A_67 = tpu.memref_slice %arg5[%add3A_47, %dma_wait3A_66] : memref<128x10000xf32, #tpu.memory_space<hbm>> -> memref<1x10000xf32, #tpu.memory_space<hbm>>
      %dma_wait3A_68 = tpu.memref_squeeze %dma_wait3A_67 : memref<1x10000xf32, #tpu.memory_space<hbm>> -> memref<10000xf32, #tpu.memory_space<hbm>>
      tpu.wait_dma2 semaphore(%run_scoped3A : memref<!tpu.dma_semaphore, #tpu.memory_space<semaphore_mem>>) src(%arg9 : memref<10000xf32, #tpu.memory_space<vmem>>) dst(%dma_wait3A_68 : memref<10000xf32, #tpu.memory_space<hbm>>)
      tpu.yield
    }) : () -> ()
    %mul3A_48 = arith.constant 2 : i32
    %mul3A_49 = arith.muli %mul3A_48, %add3A : i32
    %add3A_50 = arith.constant 1 : i32
    %add3A_51 = arith.addi %mul3A_49, %add3A_50 : i32
    "tpu.region"() ({
      %run_scoped3A = tpu.sem_alloc : memref<!tpu.dma_semaphore, #tpu.memory_space<semaphore_mem>>
      %dma_start3A_58 = arith.constant 0 : i32
      %dma_start3A_59 = tpu.memref_slice %arg5[%add3A_51, %dma_start3A_58] : memref<128x10000xf32, #tpu.memory_space<hbm>> -> memref<1x10000xf32, #tpu.memory_space<hbm>>
      %dma_start3A_60 = tpu.memref_squeeze %dma_start3A_59 : memref<1x10000xf32, #tpu.memory_space<hbm>> -> memref<10000xf32, #tpu.memory_space<hbm>>
      %dma_start3A_61 = arith.constant 0 : i32
      %dma_start3A_62 = tpu.memref_slice %arg5[%add3A_51, %dma_start3A_61] : memref<128x10000xf32, #tpu.memory_space<hbm>> -> memref<1x10000xf32, #tpu.memory_space<hbm>>
      %dma_start3A_63 = tpu.memref_squeeze %dma_start3A_62 : memref<1x10000xf32, #tpu.memory_space<hbm>> -> memref<10000xf32, #tpu.memory_space<hbm>>
      tpu.enqueue_dma source(%arg10 : memref<10000xf32, #tpu.memory_space<vmem>>) target(%dma_start3A_63 : memref<10000xf32, #tpu.memory_space<hbm>>) target_semaphore(%run_scoped3A : memref<!tpu.dma_semaphore, #tpu.memory_space<semaphore_mem>>)
      %dma_wait3A = arith.constant 0 : i32
      %dma_wait3A_64 = tpu.memref_slice %arg5[%add3A_51, %dma_wait3A] : memref<128x10000xf32, #tpu.memory_space<hbm>> -> memref<1x10000xf32, #tpu.memory_space<hbm>>
      %dma_wait3A_65 = tpu.memref_squeeze %dma_wait3A_64 : memref<1x10000xf32, #tpu.memory_space<hbm>> -> memref<10000xf32, #tpu.memory_space<hbm>>
      %dma_wait3A_66 = arith.constant 0 : i32
      %dma_wait3A_67 = tpu.memref_slice %arg5[%add3A_51, %dma_wait3A_66] : memref<128x10000xf32, #tpu.memory_space<hbm>> -> memref<1x10000xf32, #tpu.memory_space<hbm>>
      %dma_wait3A_68 = tpu.memref_squeeze %dma_wait3A_67 : memref<1x10000xf32, #tpu.memory_space<hbm>> -> memref<10000xf32, #tpu.memory_space<hbm>>
      tpu.wait_dma2 semaphore(%run_scoped3A : memref<!tpu.dma_semaphore, #tpu.memory_space<semaphore_mem>>) src(%arg10 : memref<10000xf32, #tpu.memory_space<vmem>>) dst(%dma_wait3A_68 : memref<10000xf32, #tpu.memory_space<hbm>>)
      tpu.yield
    }) : () -> ()
    %mul3A_52 = arith.constant 2 : i32
    %mul3A_53 = arith.muli %mul3A_52, %add3A : i32
    %add3A_54 = arith.constant 64 : i32
    %add3A_55 = arith.addi %add3A_54, %mul3A_53 : i32
    %add3A_56 = arith.constant 1 : i32
    %add3A_57 = arith.addi %add3A_55, %add3A_56 : i32
    "tpu.region"() ({
      %run_scoped3A = tpu.sem_alloc : memref<!tpu.dma_semaphore, #tpu.memory_space<semaphore_mem>>
      %dma_start3A_58 = arith.constant 0 : i32
      %dma_start3A_59 = tpu.memref_slice %arg5[%add3A_57, %dma_start3A_58] : memref<128x10000xf32, #tpu.memory_space<hbm>> -> memref<1x10000xf32, #tpu.memory_space<hbm>>
      %dma_start3A_60 = tpu.memref_squeeze %dma_start3A_59 : memref<1x10000xf32, #tpu.memory_space<hbm>> -> memref<10000xf32, #tpu.memory_space<hbm>>
      %dma_start3A_61 = arith.constant 0 : i32
      %dma_start3A_62 = tpu.memref_slice %arg5[%add3A_57, %dma_start3A_61] : memref<128x10000xf32, #tpu.memory_space<hbm>> -> memref<1x10000xf32, #tpu.memory_space<hbm>>
      %dma_start3A_63 = tpu.memref_squeeze %dma_start3A_62 : memref<1x10000xf32, #tpu.memory_space<hbm>> -> memref<10000xf32, #tpu.memory_space<hbm>>
      tpu.enqueue_dma source(%arg11 : memref<10000xf32, #tpu.memory_space<vmem>>) target(%dma_start3A_63 : memref<10000xf32, #tpu.memory_space<hbm>>) target_semaphore(%run_scoped3A : memref<!tpu.dma_semaphore, #tpu.memory_space<semaphore_mem>>)
      %dma_wait3A = arith.constant 0 : i32
      %dma_wait3A_64 = tpu.memref_slice %arg5[%add3A_57, %dma_wait3A] : memref<128x10000xf32, #tpu.memory_space<hbm>> -> memref<1x10000xf32, #tpu.memory_space<hbm>>
      %dma_wait3A_65 = tpu.memref_squeeze %dma_wait3A_64 : memref<1x10000xf32, #tpu.memory_space<hbm>> -> memref<10000xf32, #tpu.memory_space<hbm>>
      %dma_wait3A_66 = arith.constant 0 : i32
      %dma_wait3A_67 = tpu.memref_slice %arg5[%add3A_57, %dma_wait3A_66] : memref<128x10000xf32, #tpu.memory_space<hbm>> -> memref<1x10000xf32, #tpu.memory_space<hbm>>
      %dma_wait3A_68 = tpu.memref_squeeze %dma_wait3A_67 : memref<1x10000xf32, #tpu.memory_space<hbm>> -> memref<10000xf32, #tpu.memory_space<hbm>>
      tpu.wait_dma2 semaphore(%run_scoped3A : memref<!tpu.dma_semaphore, #tpu.memory_space<semaphore_mem>>) src(%arg11 : memref<10000xf32, #tpu.memory_space<vmem>>) dst(%dma_wait3A_68 : memref<10000xf32, #tpu.memory_space<hbm>>)
      tpu.yield
    }) : () -> ()
    return
  }
}

#map = affine_map<(d0, d1) -> (0, 0)>
#map1 = affine_map<(d0, d1) -> (0)>
module attributes {stable_mosaic.version = 14 : i64} {
  func.func @_sc_edge_agg(%arg0: i32, %arg1: i32, %arg2: memref<64x10000xi32, #tpu.memory_space<hbm>>, %arg3: memref<320000xi32, #tpu.memory_space<hbm>>, %arg4: memref<160000xi32, #tpu.memory_space<hbm>>, %arg5: memref<128x10000xf32, #tpu.memory_space<hbm>>, %arg6: memref<10000xi32, #tpu.memory_space<vmem>>, %arg7: memref<10000xi32, #tpu.memory_space<vmem>>, %arg8: memref<10000xf32, #tpu.memory_space<vmem>>, %arg9: memref<10000xf32, #tpu.memory_space<vmem>>, %arg10: memref<10000xf32, #tpu.memory_space<vmem>>, %arg11: memref<10000xf32, #tpu.memory_space<vmem>>, %arg12: memref<2x6400xi32, #tpu.memory_space<vmem>>, %arg13: memref<2x3200xi32, #tpu.memory_space<vmem>>, %arg14: memref<!tpu.dma_semaphore, #tpu.memory_space<semaphore_mem>>, %arg15: memref<!tpu.dma_semaphore, #tpu.memory_space<semaphore_mem>>, %arg16: memref<!tpu.dma_semaphore, #tpu.memory_space<semaphore_mem>>, %arg17: memref<!tpu.dma_semaphore, #tpu.memory_space<semaphore_mem>>) attributes {dimension_semantics = [#tpu.dimension_semantics<core_parallel>, #tpu.dimension_semantics<subcore_parallel>], iteration_bounds = array<i64: 2, 16>, scalar_prefetch = 0 : i64, scratch_operands = 12 : i64, tpu.core_type = #tpu.core_type<sc_vector_subcore>, window_params = [{transform_indices = #map}, {transform_indices = #map1}, {transform_indices = #map1}, {transform_indices = #map}]} {
    %mul3A = arith.constant 2 : i32
    %mul3A_0 = arith.muli %arg1, %mul3A : i32
    %add3A = arith.addi %mul3A_0, %arg0 : i32
    %multiple_of3A = arith.constant 0 : i32
    %multiple_of3A_1 = tpu.assume_multiple %multiple_of3A, 8 : i32
    %multiple_of3A_2 = arith.constant 0 : i32
    %multiple_of3A_3 = tpu.assume_multiple %multiple_of3A_2, 8 : i32
    %dma_start3A = arith.constant 0 : i32
    %dma_start3A_4 = arith.constant 0 : i32
    %dma_start3A_5 = tpu.memref_slice %arg12[%dma_start3A, %dma_start3A_4] : memref<2x6400xi32, #tpu.memory_space<vmem>> -> memref<1x6400xi32, #tpu.memory_space<vmem>>
    %dma_start3A_6 = tpu.memref_squeeze %dma_start3A_5 : memref<1x6400xi32, #tpu.memory_space<vmem>> -> memref<6400xi32, #tpu.memory_space<vmem>>
    %dma_start3A_7 = tpu.memref_slice %arg3[%multiple_of3A_1] : memref<320000xi32, #tpu.memory_space<hbm>> -> memref<6400xi32, #tpu.memory_space<hbm>>
    %dma_start3A_8 = arith.constant 0 : i32
    %dma_start3A_9 = tpu.memref_slice %arg12[%dma_start3A, %dma_start3A_8] : memref<2x6400xi32, #tpu.memory_space<vmem>> -> memref<1x6400xi32, #tpu.memory_space<vmem>>
    %dma_start3A_10 = tpu.memref_squeeze %dma_start3A_9 : memref<1x6400xi32, #tpu.memory_space<vmem>> -> memref<6400xi32, #tpu.memory_space<vmem>>
    %dma_start3A_11 = tpu.memref_slice %arg3[%multiple_of3A_1] : memref<320000xi32, #tpu.memory_space<hbm>> -> memref<6400xi32, #tpu.memory_space<hbm>>
    tpu.enqueue_dma source(%dma_start3A_11 : memref<6400xi32, #tpu.memory_space<hbm>>) target(%dma_start3A_10 : memref<6400xi32, #tpu.memory_space<vmem>>) target_semaphore(%arg14 : memref<!tpu.dma_semaphore, #tpu.memory_space<semaphore_mem>>)
    %dma_start3A_12 = arith.constant 0 : i32
    %dma_start3A_13 = arith.constant 0 : i32
    %dma_start3A_14 = tpu.memref_slice %arg13[%dma_start3A_12, %dma_start3A_13] : memref<2x3200xi32, #tpu.memory_space<vmem>> -> memref<1x3200xi32, #tpu.memory_space<vmem>>
    %dma_start3A_15 = tpu.memref_squeeze %dma_start3A_14 : memref<1x3200xi32, #tpu.memory_space<vmem>> -> memref<3200xi32, #tpu.memory_space<vmem>>
    %dma_start3A_16 = tpu.memref_slice %arg4[%multiple_of3A_3] : memref<160000xi32, #tpu.memory_space<hbm>> -> memref<3200xi32, #tpu.memory_space<hbm>>
    %dma_start3A_17 = arith.constant 0 : i32
    %dma_start3A_18 = tpu.memref_slice %arg13[%dma_start3A_12, %dma_start3A_17] : memref<2x3200xi32, #tpu.memory_space<vmem>> -> memref<1x3200xi32, #tpu.memory_space<vmem>>
    %dma_start3A_19 = tpu.memref_squeeze %dma_start3A_18 : memref<1x3200xi32, #tpu.memory_space<vmem>> -> memref<3200xi32, #tpu.memory_space<vmem>>
    %dma_start3A_20 = tpu.memref_slice %arg4[%multiple_of3A_3] : memref<160000xi32, #tpu.memory_space<hbm>> -> memref<3200xi32, #tpu.memory_space<hbm>>
    tpu.enqueue_dma source(%dma_start3A_20 : memref<3200xi32, #tpu.memory_space<hbm>>) target(%dma_start3A_19 : memref<3200xi32, #tpu.memory_space<vmem>>) target_semaphore(%arg16 : memref<!tpu.dma_semaphore, #tpu.memory_space<semaphore_mem>>)
    %mul3A_21 = arith.constant 2 : i32
    %mul3A_22 = arith.muli %mul3A_21, %add3A : i32
    "tpu.region"() ({
      %run_scoped3A = tpu.sem_alloc : memref<!tpu.dma_semaphore, #tpu.memory_space<semaphore_mem>>
      %dma_start3A_58 = arith.constant 0 : i32
      %dma_start3A_59 = tpu.memref_slice %arg2[%mul3A_22, %dma_start3A_58] : memref<64x10000xi32, #tpu.memory_space<hbm>> -> memref<1x10000xi32, #tpu.memory_space<hbm>>
      %dma_start3A_60 = tpu.memref_squeeze %dma_start3A_59 : memref<1x10000xi32, #tpu.memory_space<hbm>> -> memref<10000xi32, #tpu.memory_space<hbm>>
      %dma_start3A_61 = arith.constant 0 : i32
      %dma_start3A_62 = tpu.memref_slice %arg2[%mul3A_22, %dma_start3A_61] : memref<64x10000xi32, #tpu.memory_space<hbm>> -> memref<1x10000xi32, #tpu.memory_space<hbm>>
      %dma_start3A_63 = tpu.memref_squeeze %dma_start3A_62 : memref<1x10000xi32, #tpu.memory_space<hbm>> -> memref<10000xi32, #tpu.memory_space<hbm>>
      tpu.enqueue_dma source(%dma_start3A_63 : memref<10000xi32, #tpu.memory_space<hbm>>) target(%arg6 : memref<10000xi32, #tpu.memory_space<vmem>>) target_semaphore(%run_scoped3A : memref<!tpu.dma_semaphore, #tpu.memory_space<semaphore_mem>>)
      %dma_wait3A = arith.constant 0 : i32
      %dma_wait3A_64 = tpu.memref_slice %arg2[%mul3A_22, %dma_wait3A] : memref<64x10000xi32, #tpu.memory_space<hbm>> -> memref<1x10000xi32, #tpu.memory_space<hbm>>
      %dma_wait3A_65 = tpu.memref_squeeze %dma_wait3A_64 : memref<1x10000xi32, #tpu.memory_space<hbm>> -> memref<10000xi32, #tpu.memory_space<hbm>>
      %dma_wait3A_66 = arith.constant 0 : i32
      %dma_wait3A_67 = tpu.memref_slice %arg2[%mul3A_22, %dma_wait3A_66] : memref<64x10000xi32, #tpu.memory_space<hbm>> -> memref<1x10000xi32, #tpu.memory_space<hbm>>
      %dma_wait3A_68 = tpu.memref_squeeze %dma_wait3A_67 : memref<1x10000xi32, #tpu.memory_space<hbm>> -> memref<10000xi32, #tpu.memory_space<hbm>>
      tpu.wait_dma2 semaphore(%run_scoped3A : memref<!tpu.dma_semaphore, #tpu.memory_space<semaphore_mem>>) src(%dma_wait3A_68 : memref<10000xi32, #tpu.memory_space<hbm>>) dst(%arg6 : memref<10000xi32, #tpu.memory_space<vmem>>)
      tpu.yield
    }) : () -> ()
    %mul3A_23 = arith.constant 2 : i32
    %mul3A_24 = arith.muli %mul3A_23, %add3A : i32
    %add3A_25 = arith.constant 1 : i32
    %add3A_26 = arith.addi %mul3A_24, %add3A_25 : i32
    "tpu.region"() ({
      %run_scoped3A = tpu.sem_alloc : memref<!tpu.dma_semaphore, #tpu.memory_space<semaphore_mem>>
      %dma_start3A_58 = arith.constant 0 : i32
      %dma_start3A_59 = tpu.memref_slice %arg2[%add3A_26, %dma_start3A_58] : memref<64x10000xi32, #tpu.memory_space<hbm>> -> memref<1x10000xi32, #tpu.memory_space<hbm>>
      %dma_start3A_60 = tpu.memref_squeeze %dma_start3A_59 : memref<1x10000xi32, #tpu.memory_space<hbm>> -> memref<10000xi32, #tpu.memory_space<hbm>>
      %dma_start3A_61 = arith.constant 0 : i32
      %dma_start3A_62 = tpu.memref_slice %arg2[%add3A_26, %dma_start3A_61] : memref<64x10000xi32, #tpu.memory_space<hbm>> -> memref<1x10000xi32, #tpu.memory_space<hbm>>
      %dma_start3A_63 = tpu.memref_squeeze %dma_start3A_62 : memref<1x10000xi32, #tpu.memory_space<hbm>> -> memref<10000xi32, #tpu.memory_space<hbm>>
      tpu.enqueue_dma source(%dma_start3A_63 : memref<10000xi32, #tpu.memory_space<hbm>>) target(%arg7 : memref<10000xi32, #tpu.memory_space<vmem>>) target_semaphore(%run_scoped3A : memref<!tpu.dma_semaphore, #tpu.memory_space<semaphore_mem>>)
      %dma_wait3A = arith.constant 0 : i32
      %dma_wait3A_64 = tpu.memref_slice %arg2[%add3A_26, %dma_wait3A] : memref<64x10000xi32, #tpu.memory_space<hbm>> -> memref<1x10000xi32, #tpu.memory_space<hbm>>
      %dma_wait3A_65 = tpu.memref_squeeze %dma_wait3A_64 : memref<1x10000xi32, #tpu.memory_space<hbm>> -> memref<10000xi32, #tpu.memory_space<hbm>>
      %dma_wait3A_66 = arith.constant 0 : i32
      %dma_wait3A_67 = tpu.memref_slice %arg2[%add3A_26, %dma_wait3A_66] : memref<64x10000xi32, #tpu.memory_space<hbm>> -> memref<1x10000xi32, #tpu.memory_space<hbm>>
      %dma_wait3A_68 = tpu.memref_squeeze %dma_wait3A_67 : memref<1x10000xi32, #tpu.memory_space<hbm>> -> memref<10000xi32, #tpu.memory_space<hbm>>
      tpu.wait_dma2 semaphore(%run_scoped3A : memref<!tpu.dma_semaphore, #tpu.memory_space<semaphore_mem>>) src(%dma_wait3A_68 : memref<10000xi32, #tpu.memory_space<hbm>>) dst(%arg7 : memref<10000xi32, #tpu.memory_space<vmem>>)
      tpu.yield
    }) : () -> ()
    %broadcast_in_dim3A = arith.constant 0.000000e+00 : f32
    %broadcast_in_dim3A_27 = vector.broadcast %broadcast_in_dim3A : f32 to vector<16xf32>
    %parallel_loop3A = arith.constant 0 : i32
    %parallel_loop3A_28 = arith.constant 10000 : i32
    %parallel_loop3A_29 = arith.constant 16 : i32
    scf.for %parallel_loop3A_58 = %parallel_loop3A to %parallel_loop3A_28 step %parallel_loop3A_29  : i32 {
      %parallel_loop3A_59 = arith.index_cast %parallel_loop3A_58 : i32 to index
      %parallel_loop3A_60 = tpu.vector_load %arg8[%parallel_loop3A_59] {strides = array<i32>} : memref<10000xf32, #tpu.memory_space<vmem>>, vector<16xf32>,
      tpu.vector_store %arg8[%parallel_loop3A_59], %broadcast_in_dim3A_27 {strides = array<i32>} : memref<10000xf32, #tpu.memory_space<vmem>>, vector<16xf32>,
      %parallel_loop3A_61 = arith.index_cast %parallel_loop3A_58 : i32 to index
      %parallel_loop3A_62 = tpu.vector_load %arg9[%parallel_loop3A_61] {strides = array<i32>} : memref<10000xf32, #tpu.memory_space<vmem>>, vector<16xf32>,
      tpu.vector_store %arg9[%parallel_loop3A_61], %broadcast_in_dim3A_27 {strides = array<i32>} : memref<10000xf32, #tpu.memory_space<vmem>>, vector<16xf32>,
      %parallel_loop3A_63 = arith.index_cast %parallel_loop3A_58 : i32 to index
      %parallel_loop3A_64 = tpu.vector_load %arg10[%parallel_loop3A_63] {strides = array<i32>} : memref<10000xf32, #tpu.memory_space<vmem>>, vector<16xf32>,
      tpu.vector_store %arg10[%parallel_loop3A_63], %broadcast_in_dim3A_27 {strides = array<i32>} : memref<10000xf32, #tpu.memory_space<vmem>>, vector<16xf32>,
      %parallel_loop3A_65 = arith.index_cast %parallel_loop3A_58 : i32 to index
      %parallel_loop3A_66 = tpu.vector_load %arg11[%parallel_loop3A_65] {strides = array<i32>} : memref<10000xf32, #tpu.memory_space<vmem>>, vector<16xf32>,
      tpu.vector_store %arg11[%parallel_loop3A_65], %broadcast_in_dim3A_27 {strides = array<i32>} : memref<10000xf32, #tpu.memory_space<vmem>>, vector<16xf32>,
    } {sc.loop_unroll_factor = 4 : i64, sc.parallel_access}
    %broadcast_in_dim3A_30 = arith.constant 65535 : i32
    %broadcast_in_dim3A_31 = vector.broadcast %broadcast_in_dim3A_30 : i32 to vector<16xi32>
    %scan3A = arith.constant 0 : i32
    %scan3A_32 = arith.constant 0 : i32
    %scan3A_33 = arith.constant 25 : i32
    %scan3A_34 = arith.addi %scan3A_32, %scan3A_33 : i32
    %scan3A_35 = arith.constant 1 : i32
    %scan3A_36 = scf.for %scan3A_58 = %scan3A_32 to %scan3A_34 step %scan3A_35 iter_args(%scan3A_59 = %scan3A) -> (i32)  : i32 {
      %mul3A_60 = arith.constant 2 : i32
      %mul3A_61 = arith.muli %scan3A_58, %mul3A_60 : i32
      %add3A_62 = arith.constant 1 : i32
      %add3A_63 = arith.addi %mul3A_61, %add3A_62 : i32
      %mul3A_64 = arith.constant 6400 : i32
      %mul3A_65 = arith.muli %add3A_63, %mul3A_64 : i32
      %multiple_of3A_66 = tpu.assume_multiple %mul3A_65, 8 : i32
      %mul3A_67 = arith.constant 3200 : i32
      %mul3A_68 = arith.muli %add3A_63, %mul3A_67 : i32
      %multiple_of3A_69 = tpu.assume_multiple %mul3A_68, 8 : i32
      %dma_start3A_70 = arith.constant 1 : i32
      %dma_start3A_71 = arith.constant 0 : i32
      %dma_start3A_72 = tpu.memref_slice %arg12[%dma_start3A_70, %dma_start3A_71] : memref<2x6400xi32, #tpu.memory_space<vmem>> -> memref<1x6400xi32, #tpu.memory_space<vmem>>
      %dma_start3A_73 = tpu.memref_squeeze %dma_start3A_72 : memref<1x6400xi32, #tpu.memory_space<vmem>> -> memref<6400xi32, #tpu.memory_space<vmem>>
      %dma_start3A_74 = tpu.memref_slice %arg3[%multiple_of3A_66] : memref<320000xi32, #tpu.memory_space<hbm>> -> memref<6400xi32, #tpu.memory_space<hbm>>
      %dma_start3A_75 = arith.constant 0 : i32
      %dma_start3A_76 = tpu.memref_slice %arg12[%dma_start3A_70, %dma_start3A_75] : memref<2x6400xi32, #tpu.memory_space<vmem>> -> memref<1x6400xi32, #tpu.memory_space<vmem>>
      %dma_start3A_77 = tpu.memref_squeeze %dma_start3A_76 : memref<1x6400xi32, #tpu.memory_space<vmem>> -> memref<6400xi32, #tpu.memory_space<vmem>>
      %dma_start3A_78 = tpu.memref_slice %arg3[%multiple_of3A_66] : memref<320000xi32, #tpu.memory_space<hbm>> -> memref<6400xi32, #tpu.memory_space<hbm>>
      tpu.enqueue_dma source(%dma_start3A_78 : memref<6400xi32, #tpu.memory_space<hbm>>) target(%dma_start3A_77 : memref<6400xi32, #tpu.memory_space<vmem>>) target_semaphore(%arg15 : memref<!tpu.dma_semaphore, #tpu.memory_space<semaphore_mem>>)
      %dma_start3A_79 = arith.constant 1 : i32
      %dma_start3A_80 = arith.constant 0 : i32
      %dma_start3A_81 = tpu.memref_slice %arg13[%dma_start3A_79, %dma_start3A_80] : memref<2x3200xi32, #tpu.memory_space<vmem>> -> memref<1x3200xi32, #tpu.memory_space<vmem>>
      %dma_start3A_82 = tpu.memref_squeeze %dma_start3A_81 : memref<1x3200xi32, #tpu.memory_space<vmem>> -> memref<3200xi32, #tpu.memory_space<vmem>>
      %dma_start3A_83 = tpu.memref_slice %arg4[%multiple_of3A_69] : memref<160000xi32, #tpu.memory_space<hbm>> -> memref<3200xi32, #tpu.memory_space<hbm>>
      %dma_start3A_84 = arith.constant 0 : i32
      %dma_start3A_85 = tpu.memref_slice %arg13[%dma_start3A_79, %dma_start3A_84] : memref<2x3200xi32, #tpu.memory_space<vmem>> -> memref<1x3200xi32, #tpu.memory_space<vmem>>
      %dma_start3A_86 = tpu.memref_squeeze %dma_start3A_85 : memref<1x3200xi32, #tpu.memory_space<vmem>> -> memref<3200xi32, #tpu.memory_space<vmem>>
      %dma_start3A_87 = tpu.memref_slice %arg4[%multiple_of3A_69] : memref<160000xi32, #tpu.memory_space<hbm>> -> memref<3200xi32, #tpu.memory_space<hbm>>
      tpu.enqueue_dma source(%dma_start3A_87 : memref<3200xi32, #tpu.memory_space<hbm>>) target(%dma_start3A_86 : memref<3200xi32, #tpu.memory_space<vmem>>) target_semaphore(%arg17 : memref<!tpu.dma_semaphore, #tpu.memory_space<semaphore_mem>>)
      %dma_wait3A = arith.constant 0 : i32
      %dma_wait3A_88 = arith.constant 0 : i32
      %dma_wait3A_89 = tpu.memref_slice %arg12[%dma_wait3A, %dma_wait3A_88] : memref<2x6400xi32, #tpu.memory_space<vmem>> -> memref<1x6400xi32, #tpu.memory_space<vmem>>
      %dma_wait3A_90 = tpu.memref_squeeze %dma_wait3A_89 : memref<1x6400xi32, #tpu.memory_space<vmem>> -> memref<6400xi32, #tpu.memory_space<vmem>>
      %dma_wait3A_91 = arith.constant 0 : i32
      %dma_wait3A_92 = tpu.memref_slice %arg3[%dma_wait3A_91] : memref<320000xi32, #tpu.memory_space<hbm>> -> memref<6400xi32, #tpu.memory_space<hbm>>
      %dma_wait3A_93 = arith.constant 0 : i32
      %dma_wait3A_94 = tpu.memref_slice %arg12[%dma_wait3A, %dma_wait3A_93] : memref<2x6400xi32, #tpu.memory_space<vmem>> -> memref<1x6400xi32, #tpu.memory_space<vmem>>
      %dma_wait3A_95 = tpu.memref_squeeze %dma_wait3A_94 : memref<1x6400xi32, #tpu.memory_space<vmem>> -> memref<6400xi32, #tpu.memory_space<vmem>>
      %dma_wait3A_96 = arith.constant 0 : i32
      %dma_wait3A_97 = tpu.memref_slice %arg3[%dma_wait3A_96] : memref<320000xi32, #tpu.memory_space<hbm>> -> memref<6400xi32, #tpu.memory_space<hbm>>
      tpu.wait_dma2 semaphore(%arg14 : memref<!tpu.dma_semaphore, #tpu.memory_space<semaphore_mem>>) src(%dma_wait3A_97 : memref<6400xi32, #tpu.memory_space<hbm>>) dst(%dma_wait3A_95 : memref<6400xi32, #tpu.memory_space<vmem>>)
      %dma_wait3A_98 = arith.constant 0 : i32
      %dma_wait3A_99 = arith.constant 0 : i32
      %dma_wait3A_100 = tpu.memref_slice %arg13[%dma_wait3A_98, %dma_wait3A_99] : memref<2x3200xi32, #tpu.memory_space<vmem>> -> memref<1x3200xi32, #tpu.memory_space<vmem>>
      %dma_wait3A_101 = tpu.memref_squeeze %dma_wait3A_100 : memref<1x3200xi32, #tpu.memory_space<vmem>> -> memref<3200xi32, #tpu.memory_space<vmem>>
      %dma_wait3A_102 = arith.constant 0 : i32
      %dma_wait3A_103 = tpu.memref_slice %arg4[%dma_wait3A_102] : memref<160000xi32, #tpu.memory_space<hbm>> -> memref<3200xi32, #tpu.memory_space<hbm>>
      %dma_wait3A_104 = arith.constant 0 : i32
      %dma_wait3A_105 = tpu.memref_slice %arg13[%dma_wait3A_98, %dma_wait3A_104] : memref<2x3200xi32, #tpu.memory_space<vmem>> -> memref<1x3200xi32, #tpu.memory_space<vmem>>
      %dma_wait3A_106 = tpu.memref_squeeze %dma_wait3A_105 : memref<1x3200xi32, #tpu.memory_space<vmem>> -> memref<3200xi32, #tpu.memory_space<vmem>>
      %dma_wait3A_107 = arith.constant 0 : i32
      %dma_wait3A_108 = tpu.memref_slice %arg4[%dma_wait3A_107] : memref<160000xi32, #tpu.memory_space<hbm>> -> memref<3200xi32, #tpu.memory_space<hbm>>
      tpu.wait_dma2 semaphore(%arg16 : memref<!tpu.dma_semaphore, #tpu.memory_space<semaphore_mem>>) src(%dma_wait3A_108 : memref<3200xi32, #tpu.memory_space<hbm>>) dst(%dma_wait3A_106 : memref<3200xi32, #tpu.memory_space<vmem>>)
      %parallel_loop3A_109 = arith.constant 0 : i32
      %parallel_loop3A_110 = arith.constant 6400 : i32
      %parallel_loop3A_111 = arith.constant 32 : i32
      scf.for %parallel_loop3A_140 = %parallel_loop3A_109 to %parallel_loop3A_110 step %parallel_loop3A_111  : i32 {
        %parallel_loop3A_141 = arith.constant 1 : i32
        %parallel_loop3A_142 = arith.shrui %parallel_loop3A_140, %parallel_loop3A_141 : i32
        %parallel_loop3A_143 = arith.constant 0 : i32
        %parallel_loop3A_144 = arith.index_cast %parallel_loop3A_143 : i32 to index
        %parallel_loop3A_145 = arith.index_cast %parallel_loop3A_142 : i32 to index
        %parallel_loop3A_146 = tpu.vector_load %arg13[%parallel_loop3A_144, %parallel_loop3A_145] {strides = array<i32>} : memref<2x3200xi32, #tpu.memory_space<vmem>>, vector<16xi32>,
        %parallel_loop3A_147 = vector.bitcast %parallel_loop3A_146 : vector<16xi32> to vector<32xbf16>
        %parallel_loop3A_148 = tpu.unpack_subelements %parallel_loop3A_147, 0 {pack_format = #tpu.pack_format<interleaved>} : vector<32xbf16> -> vector<16xf32>
        %parallel_loop3A_149 = tpu.unpack_subelements %parallel_loop3A_147, 1 {pack_format = #tpu.pack_format<interleaved>} : vector<32xbf16> -> vector<16xf32>
        %parallel_loop3A_150 = arith.constant 0 : i32
        %parallel_loop3A_151 = arith.index_cast %parallel_loop3A_150 : i32 to index
        %parallel_loop3A_152 = arith.index_cast %parallel_loop3A_140 : i32 to index
        %parallel_loop3A_153 = tpu.vector_load %arg12[%parallel_loop3A_151, %parallel_loop3A_152] {strides = array<i32>} : memref<2x6400xi32, #tpu.memory_space<vmem>>, vector<16xi32>,
        %parallel_loop3A_154 = arith.constant 16 : i32
        %parallel_loop3A_155 = arith.addi %parallel_loop3A_140, %parallel_loop3A_154 : i32
        %parallel_loop3A_156 = arith.constant 0 : i32
        %parallel_loop3A_157 = arith.index_cast %parallel_loop3A_156 : i32 to index
        %parallel_loop3A_158 = arith.index_cast %parallel_loop3A_155 : i32 to index
        %parallel_loop3A_159 = tpu.vector_load %arg12[%parallel_loop3A_157, %parallel_loop3A_158] {strides = array<i32>} : memref<2x6400xi32, #tpu.memory_space<vmem>>, vector<16xi32>,
        %parallel_loop3A_160 = arith.andi %parallel_loop3A_153, %broadcast_in_dim3A_31 : vector<16xi32>
        %parallel_loop3A_161 = arith.constant 16 : i32
        %parallel_loop3A_162 = vector.broadcast %parallel_loop3A_161 : i32 to vector<16xi32>
        %parallel_loop3A_163 = arith.shrui %parallel_loop3A_153, %parallel_loop3A_162 : vector<16xi32>
        %parallel_loop3A_164 = tpu.vector_load_idx %arg6[%parallel_loop3A_160] : memref<10000xi32, #tpu.memory_space<vmem>>[vector<16xi32>], vector<16xi32>,
        %parallel_loop3A_165 = vector.bitcast %parallel_loop3A_164 : vector<16xi32> to vector<32xbf16>
        %parallel_loop3A_166 = tpu.unpack_subelements %parallel_loop3A_165, 0 {pack_format = #tpu.pack_format<interleaved>} : vector<32xbf16> -> vector<16xf32>
        %parallel_loop3A_167 = tpu.unpack_subelements %parallel_loop3A_165, 1 {pack_format = #tpu.pack_format<interleaved>} : vector<32xbf16> -> vector<16xf32>
        %parallel_loop3A_168 = arith.mulf %parallel_loop3A_166, %parallel_loop3A_148 : vector<16xf32>
        tpu.vector_store_idx %arg8[%parallel_loop3A_163], %parallel_loop3A_168 {add = true} : memref<10000xf32, #tpu.memory_space<vmem>>[vector<16xi32>], vector<16xf32>,
        %parallel_loop3A_169 = arith.mulf %parallel_loop3A_167, %parallel_loop3A_148 : vector<16xf32>
        tpu.vector_store_idx %arg9[%parallel_loop3A_163], %parallel_loop3A_169 {add = true} : memref<10000xf32, #tpu.memory_space<vmem>>[vector<16xi32>], vector<16xf32>,
        %parallel_loop3A_170 = tpu.vector_load_idx %arg7[%parallel_loop3A_160] : memref<10000xi32, #tpu.memory_space<vmem>>[vector<16xi32>], vector<16xi32>,
        %parallel_loop3A_171 = vector.bitcast %parallel_loop3A_170 : vector<16xi32> to vector<32xbf16>
        %parallel_loop3A_172 = tpu.unpack_subelements %parallel_loop3A_171, 0 {pack_format = #tpu.pack_format<interleaved>} : vector<32xbf16> -> vector<16xf32>
        %parallel_loop3A_173 = tpu.unpack_subelements %parallel_loop3A_171, 1 {pack_format = #tpu.pack_format<interleaved>} : vector<32xbf16> -> vector<16xf32>
        %parallel_loop3A_174 = arith.mulf %parallel_loop3A_172, %parallel_loop3A_148 : vector<16xf32>
        tpu.vector_store_idx %arg10[%parallel_loop3A_163], %parallel_loop3A_174 {add = true} : memref<10000xf32, #tpu.memory_space<vmem>>[vector<16xi32>], vector<16xf32>,
        %parallel_loop3A_175 = arith.mulf %parallel_loop3A_173, %parallel_loop3A_148 : vector<16xf32>
        tpu.vector_store_idx %arg11[%parallel_loop3A_163], %parallel_loop3A_175 {add = true} : memref<10000xf32, #tpu.memory_space<vmem>>[vector<16xi32>], vector<16xf32>,
        %parallel_loop3A_176 = arith.andi %parallel_loop3A_159, %broadcast_in_dim3A_31 : vector<16xi32>
        %parallel_loop3A_177 = arith.constant 16 : i32
        %parallel_loop3A_178 = vector.broadcast %parallel_loop3A_177 : i32 to vector<16xi32>
        %parallel_loop3A_179 = arith.shrui %parallel_loop3A_159, %parallel_loop3A_178 : vector<16xi32>
        %parallel_loop3A_180 = tpu.vector_load_idx %arg6[%parallel_loop3A_176] : memref<10000xi32, #tpu.memory_space<vmem>>[vector<16xi32>], vector<16xi32>,
        %parallel_loop3A_181 = vector.bitcast %parallel_loop3A_180 : vector<16xi32> to vector<32xbf16>
        %parallel_loop3A_182 = tpu.unpack_subelements %parallel_loop3A_181, 0 {pack_format = #tpu.pack_format<interleaved>} : vector<32xbf16> -> vector<16xf32>
        %parallel_loop3A_183 = tpu.unpack_subelements %parallel_loop3A_181, 1 {pack_format = #tpu.pack_format<interleaved>} : vector<32xbf16> -> vector<16xf32>
        %parallel_loop3A_184 = arith.mulf %parallel_loop3A_182, %parallel_loop3A_149 : vector<16xf32>
        tpu.vector_store_idx %arg8[%parallel_loop3A_179], %parallel_loop3A_184 {add = true} : memref<10000xf32, #tpu.memory_space<vmem>>[vector<16xi32>], vector<16xf32>,
        %parallel_loop3A_185 = arith.mulf %parallel_loop3A_183, %parallel_loop3A_149 : vector<16xf32>
        tpu.vector_store_idx %arg9[%parallel_loop3A_179], %parallel_loop3A_185 {add = true} : memref<10000xf32, #tpu.memory_space<vmem>>[vector<16xi32>], vector<16xf32>,
        %parallel_loop3A_186 = tpu.vector_load_idx %arg7[%parallel_loop3A_176] : memref<10000xi32, #tpu.memory_space<vmem>>[vector<16xi32>], vector<16xi32>,
        %parallel_loop3A_187 = vector.bitcast %parallel_loop3A_186 : vector<16xi32> to vector<32xbf16>
        %parallel_loop3A_188 = tpu.unpack_subelements %parallel_loop3A_187, 0 {pack_format = #tpu.pack_format<interleaved>} : vector<32xbf16> -> vector<16xf32>
        %parallel_loop3A_189 = tpu.unpack_subelements %parallel_loop3A_187, 1 {pack_format = #tpu.pack_format<interleaved>} : vector<32xbf16> -> vector<16xf32>
        %parallel_loop3A_190 = arith.mulf %parallel_loop3A_188, %parallel_loop3A_149 : vector<16xf32>
        tpu.vector_store_idx %arg10[%parallel_loop3A_179], %parallel_loop3A_190 {add = true} : memref<10000xf32, #tpu.memory_space<vmem>>[vector<16xi32>], vector<16xf32>,
        %parallel_loop3A_191 = arith.mulf %parallel_loop3A_189, %parallel_loop3A_149 : vector<16xf32>
        tpu.vector_store_idx %arg11[%parallel_loop3A_179], %parallel_loop3A_191 {add = true} : memref<10000xf32, #tpu.memory_space<vmem>>[vector<16xi32>], vector<16xf32>,
      } {sc.loop_unroll_factor = 2 : i64, sc.parallel_access}
      %lt3A = arith.constant 24 : i32
      %lt3A_112 = arith.cmpi slt, %scan3A_58, %lt3A : i32
      %convert_element_type3A = arith.extui %lt3A_112 : i1 to i32
      %cond3A = arith.constant 0 : i32
      %cond3A_113 = arith.cmpi ne, %convert_element_type3A, %cond3A : i32
      scf.if %cond3A_113 {
        %add3A_140 = arith.constant 2 : i32
        %add3A_141 = arith.addi %mul3A_61, %add3A_140 : i32
        %mul3A_142 = arith.constant 6400 : i32
        %mul3A_143 = arith.muli %add3A_141, %mul3A_142 : i32
        %multiple_of3A_144 = tpu.assume_multiple %mul3A_143, 8 : i32
        %mul3A_145 = arith.constant 3200 : i32
        %mul3A_146 = arith.muli %add3A_141, %mul3A_145 : i32
        %multiple_of3A_147 = tpu.assume_multiple %mul3A_146, 8 : i32
        %dma_start3A_148 = arith.constant 0 : i32
        %dma_start3A_149 = arith.constant 0 : i32
        %dma_start3A_150 = tpu.memref_slice %arg12[%dma_start3A_148, %dma_start3A_149] : memref<2x6400xi32, #tpu.memory_space<vmem>> -> memref<1x6400xi32, #tpu.memory_space<vmem>>
        %dma_start3A_151 = tpu.memref_squeeze %dma_start3A_150 : memref<1x6400xi32, #tpu.memory_space<vmem>> -> memref<6400xi32, #tpu.memory_space<vmem>>
        %dma_start3A_152 = tpu.memref_slice %arg3[%multiple_of3A_144] : memref<320000xi32, #tpu.memory_space<hbm>> -> memref<6400xi32, #tpu.memory_space<hbm>>
        %dma_start3A_153 = arith.constant 0 : i32
        %dma_start3A_154 = tpu.memref_slice %arg12[%dma_start3A_148, %dma_start3A_153] : memref<2x6400xi32, #tpu.memory_space<vmem>> -> memref<1x6400xi32, #tpu.memory_space<vmem>>
        %dma_start3A_155 = tpu.memref_squeeze %dma_start3A_154 : memref<1x6400xi32, #tpu.memory_space<vmem>> -> memref<6400xi32, #tpu.memory_space<vmem>>
        %dma_start3A_156 = tpu.memref_slice %arg3[%multiple_of3A_144] : memref<320000xi32, #tpu.memory_space<hbm>> -> memref<6400xi32, #tpu.memory_space<hbm>>
        tpu.enqueue_dma source(%dma_start3A_156 : memref<6400xi32, #tpu.memory_space<hbm>>) target(%dma_start3A_155 : memref<6400xi32, #tpu.memory_space<vmem>>) target_semaphore(%arg14 : memref<!tpu.dma_semaphore, #tpu.memory_space<semaphore_mem>>)
        %dma_start3A_157 = arith.constant 0 : i32
        %dma_start3A_158 = arith.constant 0 : i32
        %dma_start3A_159 = tpu.memref_slice %arg13[%dma_start3A_157, %dma_start3A_158] : memref<2x3200xi32, #tpu.memory_space<vmem>> -> memref<1x3200xi32, #tpu.memory_space<vmem>>
        %dma_start3A_160 = tpu.memref_squeeze %dma_start3A_159 : memref<1x3200xi32, #tpu.memory_space<vmem>> -> memref<3200xi32, #tpu.memory_space<vmem>>
        %dma_start3A_161 = tpu.memref_slice %arg4[%multiple_of3A_147] : memref<160000xi32, #tpu.memory_space<hbm>> -> memref<3200xi32, #tpu.memory_space<hbm>>
        %dma_start3A_162 = arith.constant 0 : i32
        %dma_start3A_163 = tpu.memref_slice %arg13[%dma_start3A_157, %dma_start3A_162] : memref<2x3200xi32, #tpu.memory_space<vmem>> -> memref<1x3200xi32, #tpu.memory_space<vmem>>
        %dma_start3A_164 = tpu.memref_squeeze %dma_start3A_163 : memref<1x3200xi32, #tpu.memory_space<vmem>> -> memref<3200xi32, #tpu.memory_space<vmem>>
        %dma_start3A_165 = tpu.memref_slice %arg4[%multiple_of3A_147] : memref<160000xi32, #tpu.memory_space<hbm>> -> memref<3200xi32, #tpu.memory_space<hbm>>
        tpu.enqueue_dma source(%dma_start3A_165 : memref<3200xi32, #tpu.memory_space<hbm>>) target(%dma_start3A_164 : memref<3200xi32, #tpu.memory_space<vmem>>) target_semaphore(%arg16 : memref<!tpu.dma_semaphore, #tpu.memory_space<semaphore_mem>>)
      } else {
      }
      %dma_wait3A_114 = arith.constant 1 : i32
      %dma_wait3A_115 = arith.constant 0 : i32
      %dma_wait3A_116 = tpu.memref_slice %arg12[%dma_wait3A_114, %dma_wait3A_115] : memref<2x6400xi32, #tpu.memory_space<vmem>> -> memref<1x6400xi32, #tpu.memory_space<vmem>>
      %dma_wait3A_117 = tpu.memref_squeeze %dma_wait3A_116 : memref<1x6400xi32, #tpu.memory_space<vmem>> -> memref<6400xi32, #tpu.memory_space<vmem>>
      %dma_wait3A_118 = arith.constant 0 : i32
      %dma_wait3A_119 = tpu.memref_slice %arg3[%dma_wait3A_118] : memref<320000xi32, #tpu.memory_space<hbm>> -> memref<6400xi32, #tpu.memory_space<hbm>>
      %dma_wait3A_120 = arith.constant 0 : i32
      %dma_wait3A_121 = tpu.memref_slice %arg12[%dma_wait3A_114, %dma_wait3A_120] : memref<2x6400xi32, #tpu.memory_space<vmem>> -> memref<1x6400xi32, #tpu.memory_space<vmem>>
      %dma_wait3A_122 = tpu.memref_squeeze %dma_wait3A_121 : memref<1x6400xi32, #tpu.memory_space<vmem>> -> memref<6400xi32, #tpu.memory_space<vmem>>
      %dma_wait3A_123 = arith.constant 0 : i32
      %dma_wait3A_124 = tpu.memref_slice %arg3[%dma_wait3A_123] : memref<320000xi32, #tpu.memory_space<hbm>> -> memref<6400xi32, #tpu.memory_space<hbm>>
      tpu.wait_dma2 semaphore(%arg15 : memref<!tpu.dma_semaphore, #tpu.memory_space<semaphore_mem>>) src(%dma_wait3A_124 : memref<6400xi32, #tpu.memory_space<hbm>>) dst(%dma_wait3A_122 : memref<6400xi32, #tpu.memory_space<vmem>>)
      %dma_wait3A_125 = arith.constant 1 : i32
      %dma_wait3A_126 = arith.constant 0 : i32
      %dma_wait3A_127 = tpu.memref_slice %arg13[%dma_wait3A_125, %dma_wait3A_126] : memref<2x3200xi32, #tpu.memory_space<vmem>> -> memref<1x3200xi32, #tpu.memory_space<vmem>>
      %dma_wait3A_128 = tpu.memref_squeeze %dma_wait3A_127 : memref<1x3200xi32, #tpu.memory_space<vmem>> -> memref<3200xi32, #tpu.memory_space<vmem>>
      %dma_wait3A_129 = arith.constant 0 : i32
      %dma_wait3A_130 = tpu.memref_slice %arg4[%dma_wait3A_129] : memref<160000xi32, #tpu.memory_space<hbm>> -> memref<3200xi32, #tpu.memory_space<hbm>>
      %dma_wait3A_131 = arith.constant 0 : i32
      %dma_wait3A_132 = tpu.memref_slice %arg13[%dma_wait3A_125, %dma_wait3A_131] : memref<2x3200xi32, #tpu.memory_space<vmem>> -> memref<1x3200xi32, #tpu.memory_space<vmem>>
      %dma_wait3A_133 = tpu.memref_squeeze %dma_wait3A_132 : memref<1x3200xi32, #tpu.memory_space<vmem>> -> memref<3200xi32, #tpu.memory_space<vmem>>
      %dma_wait3A_134 = arith.constant 0 : i32
      %dma_wait3A_135 = tpu.memref_slice %arg4[%dma_wait3A_134] : memref<160000xi32, #tpu.memory_space<hbm>> -> memref<3200xi32, #tpu.memory_space<hbm>>
      tpu.wait_dma2 semaphore(%arg17 : memref<!tpu.dma_semaphore, #tpu.memory_space<semaphore_mem>>) src(%dma_wait3A_135 : memref<3200xi32, #tpu.memory_space<hbm>>) dst(%dma_wait3A_133 : memref<3200xi32, #tpu.memory_space<vmem>>)
      %parallel_loop3A_136 = arith.constant 0 : i32
      %parallel_loop3A_137 = arith.constant 6400 : i32
      %parallel_loop3A_138 = arith.constant 32 : i32
      scf.for %parallel_loop3A_140 = %parallel_loop3A_136 to %parallel_loop3A_137 step %parallel_loop3A_138  : i32 {
        %parallel_loop3A_141 = arith.constant 1 : i32
        %parallel_loop3A_142 = arith.shrui %parallel_loop3A_140, %parallel_loop3A_141 : i32
        %parallel_loop3A_143 = arith.constant 1 : i32
        %parallel_loop3A_144 = arith.index_cast %parallel_loop3A_143 : i32 to index
        %parallel_loop3A_145 = arith.index_cast %parallel_loop3A_142 : i32 to index
        %parallel_loop3A_146 = tpu.vector_load %arg13[%parallel_loop3A_144, %parallel_loop3A_145] {strides = array<i32>} : memref<2x3200xi32, #tpu.memory_space<vmem>>, vector<16xi32>,
        %parallel_loop3A_147 = vector.bitcast %parallel_loop3A_146 : vector<16xi32> to vector<32xbf16>
        %parallel_loop3A_148 = tpu.unpack_subelements %parallel_loop3A_147, 0 {pack_format = #tpu.pack_format<interleaved>} : vector<32xbf16> -> vector<16xf32>
        %parallel_loop3A_149 = tpu.unpack_subelements %parallel_loop3A_147, 1 {pack_format = #tpu.pack_format<interleaved>} : vector<32xbf16> -> vector<16xf32>
        %parallel_loop3A_150 = arith.constant 1 : i32
        %parallel_loop3A_151 = arith.index_cast %parallel_loop3A_150 : i32 to index
        %parallel_loop3A_152 = arith.index_cast %parallel_loop3A_140 : i32 to index
        %parallel_loop3A_153 = tpu.vector_load %arg12[%parallel_loop3A_151, %parallel_loop3A_152] {strides = array<i32>} : memref<2x6400xi32, #tpu.memory_space<vmem>>, vector<16xi32>,
        %parallel_loop3A_154 = arith.constant 16 : i32
        %parallel_loop3A_155 = arith.addi %parallel_loop3A_140, %parallel_loop3A_154 : i32
        %parallel_loop3A_156 = arith.constant 1 : i32
        %parallel_loop3A_157 = arith.index_cast %parallel_loop3A_156 : i32 to index
        %parallel_loop3A_158 = arith.index_cast %parallel_loop3A_155 : i32 to index
        %parallel_loop3A_159 = tpu.vector_load %arg12[%parallel_loop3A_157, %parallel_loop3A_158] {strides = array<i32>} : memref<2x6400xi32, #tpu.memory_space<vmem>>, vector<16xi32>,
        %parallel_loop3A_160 = arith.andi %parallel_loop3A_153, %broadcast_in_dim3A_31 : vector<16xi32>
        %parallel_loop3A_161 = arith.constant 16 : i32
        %parallel_loop3A_162 = vector.broadcast %parallel_loop3A_161 : i32 to vector<16xi32>
        %parallel_loop3A_163 = arith.shrui %parallel_loop3A_153, %parallel_loop3A_162 : vector<16xi32>
        %parallel_loop3A_164 = tpu.vector_load_idx %arg6[%parallel_loop3A_160] : memref<10000xi32, #tpu.memory_space<vmem>>[vector<16xi32>], vector<16xi32>,
        %parallel_loop3A_165 = vector.bitcast %parallel_loop3A_164 : vector<16xi32> to vector<32xbf16>
        %parallel_loop3A_166 = tpu.unpack_subelements %parallel_loop3A_165, 0 {pack_format = #tpu.pack_format<interleaved>} : vector<32xbf16> -> vector<16xf32>
        %parallel_loop3A_167 = tpu.unpack_subelements %parallel_loop3A_165, 1 {pack_format = #tpu.pack_format<interleaved>} : vector<32xbf16> -> vector<16xf32>
        %parallel_loop3A_168 = arith.mulf %parallel_loop3A_166, %parallel_loop3A_148 : vector<16xf32>
        tpu.vector_store_idx %arg8[%parallel_loop3A_163], %parallel_loop3A_168 {add = true} : memref<10000xf32, #tpu.memory_space<vmem>>[vector<16xi32>], vector<16xf32>,
        %parallel_loop3A_169 = arith.mulf %parallel_loop3A_167, %parallel_loop3A_148 : vector<16xf32>
        tpu.vector_store_idx %arg9[%parallel_loop3A_163], %parallel_loop3A_169 {add = true} : memref<10000xf32, #tpu.memory_space<vmem>>[vector<16xi32>], vector<16xf32>,
        %parallel_loop3A_170 = tpu.vector_load_idx %arg7[%parallel_loop3A_160] : memref<10000xi32, #tpu.memory_space<vmem>>[vector<16xi32>], vector<16xi32>,
        %parallel_loop3A_171 = vector.bitcast %parallel_loop3A_170 : vector<16xi32> to vector<32xbf16>
        %parallel_loop3A_172 = tpu.unpack_subelements %parallel_loop3A_171, 0 {pack_format = #tpu.pack_format<interleaved>} : vector<32xbf16> -> vector<16xf32>
        %parallel_loop3A_173 = tpu.unpack_subelements %parallel_loop3A_171, 1 {pack_format = #tpu.pack_format<interleaved>} : vector<32xbf16> -> vector<16xf32>
        %parallel_loop3A_174 = arith.mulf %parallel_loop3A_172, %parallel_loop3A_148 : vector<16xf32>
        tpu.vector_store_idx %arg10[%parallel_loop3A_163], %parallel_loop3A_174 {add = true} : memref<10000xf32, #tpu.memory_space<vmem>>[vector<16xi32>], vector<16xf32>,
        %parallel_loop3A_175 = arith.mulf %parallel_loop3A_173, %parallel_loop3A_148 : vector<16xf32>
        tpu.vector_store_idx %arg11[%parallel_loop3A_163], %parallel_loop3A_175 {add = true} : memref<10000xf32, #tpu.memory_space<vmem>>[vector<16xi32>], vector<16xf32>,
        %parallel_loop3A_176 = arith.andi %parallel_loop3A_159, %broadcast_in_dim3A_31 : vector<16xi32>
        %parallel_loop3A_177 = arith.constant 16 : i32
        %parallel_loop3A_178 = vector.broadcast %parallel_loop3A_177 : i32 to vector<16xi32>
        %parallel_loop3A_179 = arith.shrui %parallel_loop3A_159, %parallel_loop3A_178 : vector<16xi32>
        %parallel_loop3A_180 = tpu.vector_load_idx %arg6[%parallel_loop3A_176] : memref<10000xi32, #tpu.memory_space<vmem>>[vector<16xi32>], vector<16xi32>,
        %parallel_loop3A_181 = vector.bitcast %parallel_loop3A_180 : vector<16xi32> to vector<32xbf16>
        %parallel_loop3A_182 = tpu.unpack_subelements %parallel_loop3A_181, 0 {pack_format = #tpu.pack_format<interleaved>} : vector<32xbf16> -> vector<16xf32>
        %parallel_loop3A_183 = tpu.unpack_subelements %parallel_loop3A_181, 1 {pack_format = #tpu.pack_format<interleaved>} : vector<32xbf16> -> vector<16xf32>
        %parallel_loop3A_184 = arith.mulf %parallel_loop3A_182, %parallel_loop3A_149 : vector<16xf32>
        tpu.vector_store_idx %arg8[%parallel_loop3A_179], %parallel_loop3A_184 {add = true} : memref<10000xf32, #tpu.memory_space<vmem>>[vector<16xi32>], vector<16xf32>,
        %parallel_loop3A_185 = arith.mulf %parallel_loop3A_183, %parallel_loop3A_149 : vector<16xf32>
        tpu.vector_store_idx %arg9[%parallel_loop3A_179], %parallel_loop3A_185 {add = true} : memref<10000xf32, #tpu.memory_space<vmem>>[vector<16xi32>], vector<16xf32>,
        %parallel_loop3A_186 = tpu.vector_load_idx %arg7[%parallel_loop3A_176] : memref<10000xi32, #tpu.memory_space<vmem>>[vector<16xi32>], vector<16xi32>,
        %parallel_loop3A_187 = vector.bitcast %parallel_loop3A_186 : vector<16xi32> to vector<32xbf16>
        %parallel_loop3A_188 = tpu.unpack_subelements %parallel_loop3A_187, 0 {pack_format = #tpu.pack_format<interleaved>} : vector<32xbf16> -> vector<16xf32>
        %parallel_loop3A_189 = tpu.unpack_subelements %parallel_loop3A_187, 1 {pack_format = #tpu.pack_format<interleaved>} : vector<32xbf16> -> vector<16xf32>
        %parallel_loop3A_190 = arith.mulf %parallel_loop3A_188, %parallel_loop3A_149 : vector<16xf32>
        tpu.vector_store_idx %arg10[%parallel_loop3A_179], %parallel_loop3A_190 {add = true} : memref<10000xf32, #tpu.memory_space<vmem>>[vector<16xi32>], vector<16xf32>,
        %parallel_loop3A_191 = arith.mulf %parallel_loop3A_189, %parallel_loop3A_149 : vector<16xf32>
        tpu.vector_store_idx %arg11[%parallel_loop3A_179], %parallel_loop3A_191 {add = true} : memref<10000xf32, #tpu.memory_space<vmem>>[vector<16xi32>], vector<16xf32>,
      } {sc.loop_unroll_factor = 2 : i64, sc.parallel_access}
      %scan3A_139 = arith.constant 0 : i32
      scf.yield %scan3A_139 : i32
    }
    %scan3A_37 = arith.constant 25 : i32
    %mul3A_38 = arith.constant 2 : i32
    %mul3A_39 = arith.muli %mul3A_38, %add3A : i32
    %add3A_40 = arith.constant 0 : i32
    %add3A_41 = arith.addi %mul3A_39, %add3A_40 : i32
    "tpu.region"() ({
      %run_scoped3A = tpu.sem_alloc : memref<!tpu.dma_semaphore, #tpu.memory_space<semaphore_mem>>
      %dma_start3A_58 = arith.constant 0 : i32
      %dma_start3A_59 = tpu.memref_slice %arg5[%add3A_41, %dma_start3A_58] : memref<128x10000xf32, #tpu.memory_space<hbm>> -> memref<1x10000xf32, #tpu.memory_space<hbm>>
      %dma_start3A_60 = tpu.memref_squeeze %dma_start3A_59 : memref<1x10000xf32, #tpu.memory_space<hbm>> -> memref<10000xf32, #tpu.memory_space<hbm>>
      %dma_start3A_61 = arith.constant 0 : i32
      %dma_start3A_62 = tpu.memref_slice %arg5[%add3A_41, %dma_start3A_61] : memref<128x10000xf32, #tpu.memory_space<hbm>> -> memref<1x10000xf32, #tpu.memory_space<hbm>>
      %dma_start3A_63 = tpu.memref_squeeze %dma_start3A_62 : memref<1x10000xf32, #tpu.memory_space<hbm>> -> memref<10000xf32, #tpu.memory_space<hbm>>
      tpu.enqueue_dma source(%arg8 : memref<10000xf32, #tpu.memory_space<vmem>>) target(%dma_start3A_63 : memref<10000xf32, #tpu.memory_space<hbm>>) target_semaphore(%run_scoped3A : memref<!tpu.dma_semaphore, #tpu.memory_space<semaphore_mem>>)
      %dma_wait3A = arith.constant 0 : i32
      %dma_wait3A_64 = tpu.memref_slice %arg5[%add3A_41, %dma_wait3A] : memref<128x10000xf32, #tpu.memory_space<hbm>> -> memref<1x10000xf32, #tpu.memory_space<hbm>>
      %dma_wait3A_65 = tpu.memref_squeeze %dma_wait3A_64 : memref<1x10000xf32, #tpu.memory_space<hbm>> -> memref<10000xf32, #tpu.memory_space<hbm>>
      %dma_wait3A_66 = arith.constant 0 : i32
      %dma_wait3A_67 = tpu.memref_slice %arg5[%add3A_41, %dma_wait3A_66] : memref<128x10000xf32, #tpu.memory_space<hbm>> -> memref<1x10000xf32, #tpu.memory_space<hbm>>
      %dma_wait3A_68 = tpu.memref_squeeze %dma_wait3A_67 : memref<1x10000xf32, #tpu.memory_space<hbm>> -> memref<10000xf32, #tpu.memory_space<hbm>>
      tpu.wait_dma2 semaphore(%run_scoped3A : memref<!tpu.dma_semaphore, #tpu.memory_space<semaphore_mem>>) src(%arg8 : memref<10000xf32, #tpu.memory_space<vmem>>) dst(%dma_wait3A_68 : memref<10000xf32, #tpu.memory_space<hbm>>)
      tpu.yield
    }) : () -> ()
    %mul3A_42 = arith.constant 2 : i32
    %mul3A_43 = arith.muli %mul3A_42, %add3A : i32
    %add3A_44 = arith.constant 64 : i32
    %add3A_45 = arith.addi %add3A_44, %mul3A_43 : i32
    %add3A_46 = arith.constant 0 : i32
    %add3A_47 = arith.addi %add3A_45, %add3A_46 : i32
    "tpu.region"() ({
      %run_scoped3A = tpu.sem_alloc : memref<!tpu.dma_semaphore, #tpu.memory_space<semaphore_mem>>
      %dma_start3A_58 = arith.constant 0 : i32
      %dma_start3A_59 = tpu.memref_slice %arg5[%add3A_47, %dma_start3A_58] : memref<128x10000xf32, #tpu.memory_space<hbm>> -> memref<1x10000xf32, #tpu.memory_space<hbm>>
      %dma_start3A_60 = tpu.memref_squeeze %dma_start3A_59 : memref<1x10000xf32, #tpu.memory_space<hbm>> -> memref<10000xf32, #tpu.memory_space<hbm>>
      %dma_start3A_61 = arith.constant 0 : i32
      %dma_start3A_62 = tpu.memref_slice %arg5[%add3A_47, %dma_start3A_61] : memref<128x10000xf32, #tpu.memory_space<hbm>> -> memref<1x10000xf32, #tpu.memory_space<hbm>>
      %dma_start3A_63 = tpu.memref_squeeze %dma_start3A_62 : memref<1x10000xf32, #tpu.memory_space<hbm>> -> memref<10000xf32, #tpu.memory_space<hbm>>
      tpu.enqueue_dma source(%arg9 : memref<10000xf32, #tpu.memory_space<vmem>>) target(%dma_start3A_63 : memref<10000xf32, #tpu.memory_space<hbm>>) target_semaphore(%run_scoped3A : memref<!tpu.dma_semaphore, #tpu.memory_space<semaphore_mem>>)
      %dma_wait3A = arith.constant 0 : i32
      %dma_wait3A_64 = tpu.memref_slice %arg5[%add3A_47, %dma_wait3A] : memref<128x10000xf32, #tpu.memory_space<hbm>> -> memref<1x10000xf32, #tpu.memory_space<hbm>>
      %dma_wait3A_65 = tpu.memref_squeeze %dma_wait3A_64 : memref<1x10000xf32, #tpu.memory_space<hbm>> -> memref<10000xf32, #tpu.memory_space<hbm>>
      %dma_wait3A_66 = arith.constant 0 : i32
      %dma_wait3A_67 = tpu.memref_slice %arg5[%add3A_47, %dma_wait3A_66] : memref<128x10000xf32, #tpu.memory_space<hbm>> -> memref<1x10000xf32, #tpu.memory_space<hbm>>
      %dma_wait3A_68 = tpu.memref_squeeze %dma_wait3A_67 : memref<1x10000xf32, #tpu.memory_space<hbm>> -> memref<10000xf32, #tpu.memory_space<hbm>>
      tpu.wait_dma2 semaphore(%run_scoped3A : memref<!tpu.dma_semaphore, #tpu.memory_space<semaphore_mem>>) src(%arg9 : memref<10000xf32, #tpu.memory_space<vmem>>) dst(%dma_wait3A_68 : memref<10000xf32, #tpu.memory_space<hbm>>)
      tpu.yield
    }) : () -> ()
    %mul3A_48 = arith.constant 2 : i32
    %mul3A_49 = arith.muli %mul3A_48, %add3A : i32
    %add3A_50 = arith.constant 1 : i32
    %add3A_51 = arith.addi %mul3A_49, %add3A_50 : i32
    "tpu.region"() ({
      %run_scoped3A = tpu.sem_alloc : memref<!tpu.dma_semaphore, #tpu.memory_space<semaphore_mem>>
      %dma_start3A_58 = arith.constant 0 : i32
      %dma_start3A_59 = tpu.memref_slice %arg5[%add3A_51, %dma_start3A_58] : memref<128x10000xf32, #tpu.memory_space<hbm>> -> memref<1x10000xf32, #tpu.memory_space<hbm>>
      %dma_start3A_60 = tpu.memref_squeeze %dma_start3A_59 : memref<1x10000xf32, #tpu.memory_space<hbm>> -> memref<10000xf32, #tpu.memory_space<hbm>>
      %dma_start3A_61 = arith.constant 0 : i32
      %dma_start3A_62 = tpu.memref_slice %arg5[%add3A_51, %dma_start3A_61] : memref<128x10000xf32, #tpu.memory_space<hbm>> -> memref<1x10000xf32, #tpu.memory_space<hbm>>
      %dma_start3A_63 = tpu.memref_squeeze %dma_start3A_62 : memref<1x10000xf32, #tpu.memory_space<hbm>> -> memref<10000xf32, #tpu.memory_space<hbm>>
      tpu.enqueue_dma source(%arg10 : memref<10000xf32, #tpu.memory_space<vmem>>) target(%dma_start3A_63 : memref<10000xf32, #tpu.memory_space<hbm>>) target_semaphore(%run_scoped3A : memref<!tpu.dma_semaphore, #tpu.memory_space<semaphore_mem>>)
      %dma_wait3A = arith.constant 0 : i32
      %dma_wait3A_64 = tpu.memref_slice %arg5[%add3A_51, %dma_wait3A] : memref<128x10000xf32, #tpu.memory_space<hbm>> -> memref<1x10000xf32, #tpu.memory_space<hbm>>
      %dma_wait3A_65 = tpu.memref_squeeze %dma_wait3A_64 : memref<1x10000xf32, #tpu.memory_space<hbm>> -> memref<10000xf32, #tpu.memory_space<hbm>>
      %dma_wait3A_66 = arith.constant 0 : i32
      %dma_wait3A_67 = tpu.memref_slice %arg5[%add3A_51, %dma_wait3A_66] : memref<128x10000xf32, #tpu.memory_space<hbm>> -> memref<1x10000xf32, #tpu.memory_space<hbm>>
      %dma_wait3A_68 = tpu.memref_squeeze %dma_wait3A_67 : memref<1x10000xf32, #tpu.memory_space<hbm>> -> memref<10000xf32, #tpu.memory_space<hbm>>
      tpu.wait_dma2 semaphore(%run_scoped3A : memref<!tpu.dma_semaphore, #tpu.memory_space<semaphore_mem>>) src(%arg10 : memref<10000xf32, #tpu.memory_space<vmem>>) dst(%dma_wait3A_68 : memref<10000xf32, #tpu.memory_space<hbm>>)
      tpu.yield
    }) : () -> ()
    %mul3A_52 = arith.constant 2 : i32
    %mul3A_53 = arith.muli %mul3A_52, %add3A : i32
    %add3A_54 = arith.constant 64 : i32
    %add3A_55 = arith.addi %add3A_54, %mul3A_53 : i32
    %add3A_56 = arith.constant 1 : i32
    %add3A_57 = arith.addi %add3A_55, %add3A_56 : i32
    "tpu.region"() ({
      %run_scoped3A = tpu.sem_alloc : memref<!tpu.dma_semaphore, #tpu.memory_space<semaphore_mem>>
      %dma_start3A_58 = arith.constant 0 : i32
      %dma_start3A_59 = tpu.memref_slice %arg5[%add3A_57, %dma_start3A_58] : memref<128x10000xf32, #tpu.memory_space<hbm>> -> memref<1x10000xf32, #tpu.memory_space<hbm>>
      %dma_start3A_60 = tpu.memref_squeeze %dma_start3A_59 : memref<1x10000xf32, #tpu.memory_space<hbm>> -> memref<10000xf32, #tpu.memory_space<hbm>>
      %dma_start3A_61 = arith.constant 0 : i32
      %dma_start3A_62 = tpu.memref_slice %arg5[%add3A_57, %dma_start3A_61] : memref<128x10000xf32, #tpu.memory_space<hbm>> -> memref<1x10000xf32, #tpu.memory_space<hbm>>
      %dma_start3A_63 = tpu.memref_squeeze %dma_start3A_62 : memref<1x10000xf32, #tpu.memory_space<hbm>> -> memref<10000xf32, #tpu.memory_space<hbm>>
      tpu.enqueue_dma source(%arg11 : memref<10000xf32, #tpu.memory_space<vmem>>) target(%dma_start3A_63 : memref<10000xf32, #tpu.memory_space<hbm>>) target_semaphore(%run_scoped3A : memref<!tpu.dma_semaphore, #tpu.memory_space<semaphore_mem>>)
      %dma_wait3A = arith.constant 0 : i32
      %dma_wait3A_64 = tpu.memref_slice %arg5[%add3A_57, %dma_wait3A] : memref<128x10000xf32, #tpu.memory_space<hbm>> -> memref<1x10000xf32, #tpu.memory_space<hbm>>
      %dma_wait3A_65 = tpu.memref_squeeze %dma_wait3A_64 : memref<1x10000xf32, #tpu.memory_space<hbm>> -> memref<10000xf32, #tpu.memory_space<hbm>>
      %dma_wait3A_66 = arith.constant 0 : i32
      %dma_wait3A_67 = tpu.memref_slice %arg5[%add3A_57, %dma_wait3A_66] : memref<128x10000xf32, #tpu.memory_space<hbm>> -> memref<1x10000xf32, #tpu.memory_space<hbm>>
      %dma_wait3A_68 = tpu.memref_squeeze %dma_wait3A_67 : memref<1x10000xf32, #tpu.memory_space<hbm>> -> memref<10000xf32, #tpu.memory_space<hbm>>
      tpu.wait_dma2 semaphore(%run_scoped3A : memref<!tpu.dma_semaphore, #tpu.memory_space<semaphore_mem>>) src(%arg11 : memref<10000xf32, #tpu.memory_space<vmem>>) dst(%dma_wait3A_68 : memref<10000xf32, #tpu.memory_space<hbm>>)
      tpu.yield
    }) : () -> ()
    return
  }
}

module attributes {stable_mosaic.version = 14 : i64} {
  func.func @_tc1_body(%arg0: memref<10000x128xf32, #tpu.memory_space<vmem>>, %arg1: memref<128x128xf32, #tpu.memory_space<vmem>>, %arg2: memref<32x10000xf32, #tpu.memory_space<vmem>>, %arg3: memref<1x10000xf32, #tpu.memory_space<vmem>>, %arg4: memref<64x10000xi32, #tpu.memory_space<vmem>>) attributes {dimension_semantics = [], scalar_prefetch = 0 : i64, scratch_operands = 0 : i64, tpu.core_type = #tpu.core_type<tc>} {
    %get3A = arith.constant 0 : index
    %get3A_0 = arith.constant 0 : index
    %get3A_1 = vector.load %arg2[%get3A, %get3A_0] : memref<32x10000xf32, #tpu.memory_space<vmem>>, vector<32x10000xf32>
    %reduce_sum3A = arith.constant dense<0.000000e+00> : vector<10000xf32>
    %reduce_sum3A_2 = vector.multi_reduction <add>, %get3A_1, %reduce_sum3A [0] : vector<32x10000xf32> to vector<10000xf32>
    %broadcast_in_dim3A = vector.shape_cast %reduce_sum3A_2 : vector<10000xf32> to vector<1x10000xf32>
    %add3A = arith.constant 1.000000e+00 : f32
    %add3A_3 = vector.broadcast %add3A : f32 to vector<1x10000xf32>
    %add3A_4 = arith.addf %add3A_3, %broadcast_in_dim3A : vector<1x10000xf32>
    %rsqrt3A = math.rsqrt %add3A_4 : vector<1x10000xf32>
    %swap3A = arith.constant 0 : index
    %swap3A_5 = arith.constant 0 : index
    %swap3A_6 = vector.load %arg3[%swap3A, %swap3A_5] : memref<1x10000xf32, #tpu.memory_space<vmem>>, vector<1x10000xf32>
    tpu.vector_store %arg3[%swap3A, %swap3A_5], %rsqrt3A {strides = array<i32>} : memref<1x10000xf32, #tpu.memory_space<vmem>>, vector<1x10000xf32>,
    %get3A_7 = arith.constant 0 : index
    %get3A_8 = arith.constant 0 : index
    %get3A_9 = vector.load %arg1[%get3A_7, %get3A_8] : memref<128x128xf32, #tpu.memory_space<vmem>>, vector<128x128xf32>
    %get3A_10 = arith.constant 0 : index
    %get3A_11 = arith.constant 0 : index
    %get3A_12 = vector.load %arg0[%get3A_10, %get3A_11] : memref<10000x128xf32, #tpu.memory_space<vmem>>, vector<10000x128xf32>
    %dot_general3A = arith.constant dense<0.000000e+00> : vector<128x10000xf32>
    %dot_general3A_13 = tpu.matmul %get3A_9, %get3A_12, %dot_general3A {dimension_numbers = #tpu.dot_dimension_numbers<[0], [1], [1], [0], [0, 1, 1, 0], [], []>, transpose_lhs_hint = false} : vector<128x128xf32>, vector<10000x128xf32>, vector<128x10000xf32> -> vector<128x10000xf32>
    %mul3A = vector.broadcast %rsqrt3A : vector<1x10000xf32> to vector<128x10000xf32>
    %mul3A_14 = arith.mulf %dot_general3A_13, %mul3A : vector<128x10000xf32>
    %slice3A = vector.extract_strided_slice %mul3A_14 {offsets = [0, 0], sizes = [64, 10000], strides = [1, 1]} : vector<128x10000xf32> to vector<64x10000xf32>
    %convert_element_type3A = arith.truncf %slice3A : vector<64x10000xf32> to vector<64x10000xbf16>
    %bitcast_convert_type3A = tpu.bitcast %convert_element_type3A : vector<64x10000xbf16> -> vector<64x10000xi16>
    %convert_element_type3A_15 = arith.extui %bitcast_convert_type3A : vector<64x10000xi16> to vector<64x10000xi32>
    %slice3A_16 = vector.extract_strided_slice %mul3A_14 {offsets = [64, 0], sizes = [64, 10000], strides = [1, 1]} : vector<128x10000xf32> to vector<64x10000xf32>
    %convert_element_type3A_17 = arith.truncf %slice3A_16 : vector<64x10000xf32> to vector<64x10000xbf16>
    %bitcast_convert_type3A_18 = tpu.bitcast %convert_element_type3A_17 : vector<64x10000xbf16> -> vector<64x10000xi16>
    %convert_element_type3A_19 = arith.extui %bitcast_convert_type3A_18 : vector<64x10000xi16> to vector<64x10000xi32>
    %shift_left3A = arith.constant 16 : i32
    %shift_left3A_20 = vector.broadcast %shift_left3A : i32 to vector<64x10000xi32>
    %shift_left3A_21 = arith.shli %convert_element_type3A_19, %shift_left3A_20 : vector<64x10000xi32>
    %or3A = arith.ori %convert_element_type3A_15, %shift_left3A_21 : vector<64x10000xi32>
    %swap3A_22 = arith.constant 0 : index
    %swap3A_23 = arith.constant 0 : index
    %swap3A_24 = vector.load %arg4[%swap3A_22, %swap3A_23] : memref<64x10000xi32, #tpu.memory_space<vmem>>, vector<64x10000xi32>
    tpu.vector_store %arg4[%swap3A_22, %swap3A_23], %or3A {strides = array<i32>} : memref<64x10000xi32, #tpu.memory_space<vmem>>, vector<64x10000xi32>,
    return
  }
}

module attributes {stable_mosaic.version = 14 : i64} {
  func.func @_tc2_body(%arg0: memref<128x10000xf32, #tpu.memory_space<vmem>>, %arg1: memref<64x10000xi32, #tpu.memory_space<vmem>>, %arg2: memref<1x10000xf32, #tpu.memory_space<vmem>>, %arg3: memref<128x1xf32, #tpu.memory_space<vmem>>, %arg4: memref<128x128xf32, #tpu.memory_space<vmem>>, %arg5: memref<64x10000xi32, #tpu.memory_space<vmem>>) attributes {dimension_semantics = [], scalar_prefetch = 0 : i64, scratch_operands = 0 : i64, tpu.core_type = #tpu.core_type<tc>} {
    %get3A = arith.constant 0 : index
    %get3A_0 = arith.constant 0 : index
    %get3A_1 = vector.load %arg2[%get3A, %get3A_0] : memref<1x10000xf32, #tpu.memory_space<vmem>>, vector<1x10000xf32>
    %get3A_2 = arith.constant 0 : index
    %get3A_3 = arith.constant 0 : index
    %get3A_4 = vector.load %arg1[%get3A_2, %get3A_3] : memref<64x10000xi32, #tpu.memory_space<vmem>>, vector<64x10000xi32>
    %shift_left3A = arith.constant 16 : i32
    %shift_left3A_5 = vector.broadcast %shift_left3A : i32 to vector<64x10000xi32>
    %shift_left3A_6 = arith.shli %get3A_4, %shift_left3A_5 : vector<64x10000xi32>
    %bitcast_convert_type3A = tpu.bitcast %shift_left3A_6 : vector<64x10000xi32> -> vector<64x10000xf32>
    %and3A = arith.constant -65536 : i32
    %and3A_7 = vector.broadcast %and3A : i32 to vector<64x10000xi32>
    %and3A_8 = arith.andi %get3A_4, %and3A_7 : vector<64x10000xi32>
    %bitcast_convert_type3A_9 = tpu.bitcast %and3A_8 : vector<64x10000xi32> -> vector<64x10000xf32>
    %concatenate3A = tpu.concatenate %bitcast_convert_type3A, %bitcast_convert_type3A_9 in 0 : vector<64x10000xf32>, vector<64x10000xf32> -> vector<128x10000xf32>
    %get3A_10 = arith.constant 0 : index
    %get3A_11 = arith.constant 0 : index
    %get3A_12 = vector.load %arg0[%get3A_10, %get3A_11] : memref<128x10000xf32, #tpu.memory_space<vmem>>, vector<128x10000xf32>
    %add3A = arith.addf %get3A_12, %concatenate3A : vector<128x10000xf32>
    %mul3A = vector.broadcast %get3A_1 : vector<1x10000xf32> to vector<128x10000xf32>
    %mul3A_13 = arith.mulf %add3A, %mul3A : vector<128x10000xf32>
    %get3A_14 = arith.constant 0 : index
    %get3A_15 = arith.constant 0 : index
    %get3A_16 = vector.load %arg3[%get3A_14, %get3A_15] : memref<128x1xf32, #tpu.memory_space<vmem>>, vector<128x1xf32>
    %add3A_17 = vector.broadcast %get3A_16 : vector<128x1xf32> to vector<128x10000xf32>
    %add3A_18 = arith.addf %mul3A_13, %add3A_17 : vector<128x10000xf32>
    %max3A = arith.constant 0.000000e+00 : f32
    %max3A_19 = vector.broadcast %max3A : f32 to vector<128x10000xf32>
    %max3A_20 = arith.maximumf %add3A_18, %max3A_19 : vector<128x10000xf32>
    %get3A_21 = arith.constant 0 : index
    %get3A_22 = arith.constant 0 : index
    %get3A_23 = vector.load %arg4[%get3A_21, %get3A_22] : memref<128x128xf32, #tpu.memory_space<vmem>>, vector<128x128xf32>
    %dot_general3A = arith.constant dense<0.000000e+00> : vector<128x10000xf32>
    %dot_general3A_24 = tpu.matmul %get3A_23, %max3A_20, %dot_general3A {dimension_numbers = #tpu.dot_dimension_numbers<[0], [0], [1], [1], [0, 1, 1, 1], [], []>, transpose_lhs_hint = false} : vector<128x128xf32>, vector<128x10000xf32>, vector<128x10000xf32> -> vector<128x10000xf32>
    %mul3A_25 = vector.broadcast %get3A_1 : vector<1x10000xf32> to vector<128x10000xf32>
    %mul3A_26 = arith.mulf %dot_general3A_24, %mul3A_25 : vector<128x10000xf32>
    %slice3A = vector.extract_strided_slice %mul3A_26 {offsets = [0, 0], sizes = [64, 10000], strides = [1, 1]} : vector<128x10000xf32> to vector<64x10000xf32>
    %convert_element_type3A = arith.truncf %slice3A : vector<64x10000xf32> to vector<64x10000xbf16>
    %bitcast_convert_type3A_27 = tpu.bitcast %convert_element_type3A : vector<64x10000xbf16> -> vector<64x10000xi16>
    %convert_element_type3A_28 = arith.extui %bitcast_convert_type3A_27 : vector<64x10000xi16> to vector<64x10000xi32>
    %slice3A_29 = vector.extract_strided_slice %mul3A_26 {offsets = [64, 0], sizes = [64, 10000], strides = [1, 1]} : vector<128x10000xf32> to vector<64x10000xf32>
    %convert_element_type3A_30 = arith.truncf %slice3A_29 : vector<64x10000xf32> to vector<64x10000xbf16>
    %bitcast_convert_type3A_31 = tpu.bitcast %convert_element_type3A_30 : vector<64x10000xbf16> -> vector<64x10000xi16>
    %convert_element_type3A_32 = arith.extui %bitcast_convert_type3A_31 : vector<64x10000xi16> to vector<64x10000xi32>
    %shift_left3A_33 = arith.constant 16 : i32
    %shift_left3A_34 = vector.broadcast %shift_left3A_33 : i32 to vector<64x10000xi32>
    %shift_left3A_35 = arith.shli %convert_element_type3A_32, %shift_left3A_34 : vector<64x10000xi32>
    %or3A = arith.ori %convert_element_type3A_28, %shift_left3A_35 : vector<64x10000xi32>
    %swap3A = arith.constant 0 : index
    %swap3A_36 = arith.constant 0 : index
    %swap3A_37 = vector.load %arg5[%swap3A, %swap3A_36] : memref<64x10000xi32, #tpu.memory_space<vmem>>, vector<64x10000xi32>
    tpu.vector_store %arg5[%swap3A, %swap3A_36], %or3A {strides = array<i32>} : memref<64x10000xi32, #tpu.memory_space<vmem>>, vector<64x10000xi32>,
    return
  }
}

module attributes {stable_mosaic.version = 14 : i64} {
  func.func @_tc3_body(%arg0: memref<128x10000xf32, #tpu.memory_space<vmem>>, %arg1: memref<64x10000xi32, #tpu.memory_space<vmem>>, %arg2: memref<1x10000xf32, #tpu.memory_space<vmem>>, %arg3: memref<128x1xf32, #tpu.memory_space<vmem>>, %arg4: memref<128x1xf32, #tpu.memory_space<vmem>>, %arg5: memref<128x1xf32, #tpu.memory_space<vmem>>, %arg6: memref<10000x128xf32, #tpu.memory_space<vmem>>) attributes {dimension_semantics = [], scalar_prefetch = 0 : i64, scratch_operands = 0 : i64, tpu.core_type = #tpu.core_type<tc>} {
    %get3A = arith.constant 0 : index
    %get3A_0 = arith.constant 0 : index
    %get3A_1 = vector.load %arg2[%get3A, %get3A_0] : memref<1x10000xf32, #tpu.memory_space<vmem>>, vector<1x10000xf32>
    %get3A_2 = arith.constant 0 : index
    %get3A_3 = arith.constant 0 : index
    %get3A_4 = vector.load %arg1[%get3A_2, %get3A_3] : memref<64x10000xi32, #tpu.memory_space<vmem>>, vector<64x10000xi32>
    %shift_left3A = arith.constant 16 : i32
    %shift_left3A_5 = vector.broadcast %shift_left3A : i32 to vector<64x10000xi32>
    %shift_left3A_6 = arith.shli %get3A_4, %shift_left3A_5 : vector<64x10000xi32>
    %bitcast_convert_type3A = tpu.bitcast %shift_left3A_6 : vector<64x10000xi32> -> vector<64x10000xf32>
    %and3A = arith.constant -65536 : i32
    %and3A_7 = vector.broadcast %and3A : i32 to vector<64x10000xi32>
    %and3A_8 = arith.andi %get3A_4, %and3A_7 : vector<64x10000xi32>
    %bitcast_convert_type3A_9 = tpu.bitcast %and3A_8 : vector<64x10000xi32> -> vector<64x10000xf32>
    %concatenate3A = tpu.concatenate %bitcast_convert_type3A, %bitcast_convert_type3A_9 in 0 : vector<64x10000xf32>, vector<64x10000xf32> -> vector<128x10000xf32>
    %get3A_10 = arith.constant 0 : index
    %get3A_11 = arith.constant 0 : index
    %get3A_12 = vector.load %arg0[%get3A_10, %get3A_11] : memref<128x10000xf32, #tpu.memory_space<vmem>>, vector<128x10000xf32>
    %add3A = arith.addf %get3A_12, %concatenate3A : vector<128x10000xf32>
    %mul3A = vector.broadcast %get3A_1 : vector<1x10000xf32> to vector<128x10000xf32>
    %mul3A_13 = arith.mulf %add3A, %mul3A : vector<128x10000xf32>
    %get3A_14 = arith.constant 0 : index
    %get3A_15 = arith.constant 0 : index
    %get3A_16 = vector.load %arg3[%get3A_14, %get3A_15] : memref<128x1xf32, #tpu.memory_space<vmem>>, vector<128x1xf32>
    %add3A_17 = vector.broadcast %get3A_16 : vector<128x1xf32> to vector<128x10000xf32>
    %add3A_18 = arith.addf %mul3A_13, %add3A_17 : vector<128x10000xf32>
    %max3A = arith.constant 0.000000e+00 : f32
    %max3A_19 = vector.broadcast %max3A : f32 to vector<128x10000xf32>
    %max3A_20 = arith.maximumf %add3A_18, %max3A_19 : vector<128x10000xf32>
    %reduce_sum3A = arith.constant dense<0.000000e+00> : vector<10000xf32>
    %reduce_sum3A_21 = vector.multi_reduction <add>, %max3A_20, %reduce_sum3A [0] : vector<128x10000xf32> to vector<10000xf32>
    %broadcast_in_dim3A = vector.shape_cast %reduce_sum3A_21 : vector<10000xf32> to vector<1x10000xf32>
    %div3A = arith.constant 1.280000e+02 : f32
    %div3A_22 = vector.broadcast %div3A : f32 to vector<1x10000xf32>
    %div3A_23 = arith.divf %broadcast_in_dim3A, %div3A_22 : vector<1x10000xf32>
    %sub3A = vector.broadcast %div3A_23 : vector<1x10000xf32> to vector<128x10000xf32>
    %sub3A_24 = arith.subf %max3A_20, %sub3A : vector<128x10000xf32>
    %mul3A_25 = arith.mulf %sub3A_24, %sub3A_24 : vector<128x10000xf32>
    %reduce_sum3A_26 = arith.constant dense<0.000000e+00> : vector<10000xf32>
    %reduce_sum3A_27 = vector.multi_reduction <add>, %mul3A_25, %reduce_sum3A_26 [0] : vector<128x10000xf32> to vector<10000xf32>
    %broadcast_in_dim3A_28 = vector.shape_cast %reduce_sum3A_27 : vector<10000xf32> to vector<1x10000xf32>
    %div3A_29 = arith.constant 1.280000e+02 : f32
    %div3A_30 = vector.broadcast %div3A_29 : f32 to vector<1x10000xf32>
    %div3A_31 = arith.divf %broadcast_in_dim3A_28, %div3A_30 : vector<1x10000xf32>
    %add3A_32 = arith.constant 9.99999974E-6 : f32
    %add3A_33 = vector.broadcast %add3A_32 : f32 to vector<1x10000xf32>
    %add3A_34 = arith.addf %div3A_31, %add3A_33 : vector<1x10000xf32>
    %rsqrt3A = math.rsqrt %add3A_34 : vector<1x10000xf32>
    %mul3A_35 = vector.broadcast %rsqrt3A : vector<1x10000xf32> to vector<128x10000xf32>
    %mul3A_36 = arith.mulf %sub3A_24, %mul3A_35 : vector<128x10000xf32>
    %get3A_37 = arith.constant 0 : index
    %get3A_38 = arith.constant 0 : index
    %get3A_39 = vector.load %arg4[%get3A_37, %get3A_38] : memref<128x1xf32, #tpu.memory_space<vmem>>, vector<128x1xf32>
    %mul3A_40 = vector.broadcast %get3A_39 : vector<128x1xf32> to vector<128x10000xf32>
    %mul3A_41 = arith.mulf %mul3A_36, %mul3A_40 : vector<128x10000xf32>
    %get3A_42 = arith.constant 0 : index
    %get3A_43 = arith.constant 0 : index
    %get3A_44 = vector.load %arg5[%get3A_42, %get3A_43] : memref<128x1xf32, #tpu.memory_space<vmem>>, vector<128x1xf32>
    %add3A_45 = vector.broadcast %get3A_44 : vector<128x1xf32> to vector<128x10000xf32>
    %add3A_46 = arith.addf %mul3A_41, %add3A_45 : vector<128x10000xf32>
    %transpose3A = tpu.transpose %add3A_46, [1, 0] : vector<128x10000xf32> -> vector<10000x128xf32>
    %swap3A = arith.constant 0 : index
    %swap3A_47 = arith.constant 0 : index
    %swap3A_48 = vector.load %arg6[%swap3A, %swap3A_47] : memref<10000x128xf32, #tpu.memory_space<vmem>>, vector<10000x128xf32>
    tpu.vector_store %arg6[%swap3A, %swap3A_47], %transpose3A {strides = array<i32>} : memref<10000x128xf32, #tpu.memory_space<vmem>>, vector<10000x128xf32>,
    return
  }
}

</mosaic_0001>

<sc_bundles>
// kernel: kernel.11.cloned.1.call-start
scs
__scs_entry_jumppad:
0x0: {  	(pc) =	sbr.rel $0x88, $3  }
0x1: {  	(tag) =	ssettag $0x0;
	lr =	simm.s32 $0x1  }
0x2: {  	[smem:$0x3F98] =	sst lr;
	_ =	strace $0xD0000000  }
0x3: {  	_ = 	snop  }
0x4: {  	_ = 	snop  }
0x5: {  	_ = 	snop  }
0x6: {  	_ = 	snop  }
0x7: {  	_ = 	snop  }
__scs_overlays_trampoline_lowered:
0x8: {  	[smem:$0x3FA7] =	sst s0  }
0x9: {  	[smem:$0x3FA8] =	sst s1  }
0xa: {  	[smem:$0x3FA9] =	sst s2  }
0xb: {  	[smem:$0x3FAA] =	sst s3  }
0xc: {  	[smem:$0x3FAB] =	sst s4  }
0xd: {  	[smem:$0x3FAC] =	sst s5  }
0xe: {  	[smem:$0x3FAD] =	sst s6  }
0xf: {  	[smem:$0x3FAE] =	sst s7  }
0x10: {  	[smem:$0x3FAF] =	sst s8  }
0x11: {  	[smem:$0x3FB0] =	sst s9;
	s0 =	simm.s32 @!p0 $0x0  }
0x12: {  	s1 =	sld [smem:$0x3F96];
	s0 =	simm.s32 @p0 $0x1  }
0x13: {  	[smem:$0x3FB1] =	sst s0;
	s0 =	simm.s32 @!p1 $0x0  }
0x14: {  	s2 =	sld [smem:$0x3F95];
	s0 =	simm.s32 @p1 $0x1  }
0x15: {  	[smem:$0x3FB2] =	sst s0;
	s0 =	simm.s32 @!p2 $0x0  }
0x16: {  	s3 =	sld [smem:$0x3FDB];
	s0 =	simm.s32 @p2 $0x1  }
0x17: {  	s4 =	simm.s32 $0x1BF5;
	[smem:$0x3FB4] =	sst s0  }
0x18: {  	s0 =	sld [smem:$0x3F97];
	_ =	swait.ge [sflag:s4], $0x0  }
0x19: {  	s7 =	sld [smem:$0x3F98]  }
0x1a: {  	s8 =	sadd.s32 $0xFFFFE003, lr  }
0x1b: {  	s9 =	sadd.s32 $0xFFFFFEF7, lr;
	s5 =	simm.s32 $0xFFFFFFFF;
	p2 =	slt.u32 s8, $0xFFFFF086  }
0x1c: {  	p1 =	slt.u32 s9, $0xF7A;
	s5 =	simm.s32 @!p2 $0x0  }
0x1d: {  	s5 =	simm.s32 @p1 $0x1;
	p0 =	seq.s32 s7, s2  }
0x1e: {  	s7 =	smul.u32 @!p0 $0xF7A, s2;
	p2 =	seq.s32 @!p0 s5, $0x0  }
0x1f: {  	s9 =	smul.u32 $0xF7A, s1;
	s8 =	simm.s32 @!p0 $0x1BF5;
	p2 =	por !p2, p0  }
0x20: {  	[sflag:s8] =	ssyncset.s32 @!p0 $0xFFFFF086;
	s6 =	sadd.s32 @!p0 s3, s7;
	s7 =	simm.s32 @!p0 $0x108  }
0x21: {  	s3 =	sadd.s32 s3, s9;
	s6 =	sadd.s32 @!p0 $0x88, s6;
	s7 =	simm.s32 @p2 $0x1082  }
0x22: {  	[simem:s7], [sflag:s8] =	dma.local @!p0 [hbm:s6], $0xF7A  }
0x23: {  	s9 =	sor.u32 $0xD0000000, s2;
	s6 =	simm.s32 $0x108;
	_ =	swait.ge @!p0 [sflag:s8], $0x0  }
0x24: {  	s3 =	sadd.s32 $0x88, s3;
	s6 =	simm.s32 @!p1 $0x1082;
	[sflag:s4] =	ssyncset.s32 $0xFFFFF086  }
0x25: {  	[simem:s6], [sflag:s4] =	dma.local [hbm:s3], $0xF7A  }
0x26: {  	[smem:$0x3F98] =	sst s1;
	(tag) =	ssettag s2;
	_ =	strace s9  }
0x27: {  	s1 =	sld [smem:$0x3FA8]  }
0x28: {  	s2 =	sld [smem:$0x3FA9]  }
0x29: {  	s4 =	sld [smem:$0x3FAB]  }
0x2a: {  	p0 =	seq.s32 s5, $0x0;
	s5 =	sld [smem:$0x3FAC]  }
0x2b: {  	s6 =	sld [smem:$0x3FAD]  }
0x2c: {  	s7 =	sld [smem:$0x3FAE]  }
0x2d: {  	s3 =	simm.s32 $0x108;
	s8 =	sld [smem:$0x3FAF]  }
0x2e: {  	s3 =	simm.s32 @!p0 $0x1082;
	s9 =	sld [smem:$0x3FB0]  }
0x2f: {  	lr =	sadd.s32 s0, s3;
	s0 =	sld [smem:$0x3FA7]  }
0x30: {  	s3 =	sld [smem:$0x3FAA]  }
0x31: {  	[smem:$0x3FB3] =	sst s10  }
0x32: {  	s10 =	sld [smem:$0x3FB1];
	_ =	sdelay $0x3  }
0x33: {  	p0 =	seq.s32 s10, $0x1;
	s10 =	sld [smem:$0x3FB3];
	_ =	sdelay $0x3  }
0x34: {  	[smem:$0x3FB3] =	sst s10  }
0x35: {  	s10 =	sld [smem:$0x3FB2];
	_ =	sdelay $0x3  }
0x36: {  	p1 =	seq.s32 s10, $0x1;
	s10 =	sld [smem:$0x3FB3];
	_ =	sdelay $0x3  }
0x37: {  	[smem:$0x3FB3] =	sst s10  }
0x38: {  	s10 =	sld [smem:$0x3FB4]  }
0x39: {  	_ = 	snop;
	(pc) =	sbr.ind lr, $3  }
0x3a: {  	_ = 	snop  }
0x3b: {  	_ = 	snop  }
0x3c: {  	p2 =	seq.s32 s10, $0x1;
	s10 =	sld [smem:$0x3FB3]  }
0x3d: {  	_ =	shalt  }
0x3e: {  	_ =	shalt  }
0x3f: {  	_ =	shalt  }
0x40: {  	_ =	shalt  }
0x41: {  	_ =	shalt  }
0x42: {  	_ =	shalt  }
0x43: {  	_ =	shalt  }
0x44: {  	_ =	shalt  }
0x45: {  	_ =	shalt  }
0x46: {  	_ =	shalt  }
0x47: {  	_ =	shalt  }
0x48: {  	_ =	shalt  }
0x49: {  	_ =	shalt  }
0x4a: {  	_ =	shalt  }
0x4b: {  	_ =	shalt  }
0x4c: {  	_ =	shalt  }
0x4d: {  	_ =	shalt  }
0x4e: {  	_ =	shalt  }
0x4f: {  	_ =	shalt  }
0x50: {  	_ =	shalt  }
0x51: {  	_ =	shalt  }
0x52: {  	_ =	shalt  }
0x53: {  	_ =	shalt  }
0x54: {  	_ =	shalt  }
0x55: {  	_ =	shalt  }
0x56: {  	_ =	shalt  }
0x57: {  	_ =	shalt  }
0x58: {  	_ =	shalt  }
0x59: {  	_ =	shalt  }
0x5a: {  	_ =	shalt  }
0x5b: {  	_ =	shalt  }
0x5c: {  	_ =	shalt  }
0x5d: {  	_ =	shalt  }
0x5e: {  	_ =	shalt  }
0x5f: {  	_ =	shalt  }
0x60: {  	_ =	shalt  }
0x61: {  	_ =	shalt  }
0x62: {  	_ =	shalt  }
0x63: {  	_ =	shalt  }
0x64: {  	_ =	shalt  }
0x65: {  	_ =	shalt  }
0x66: {  	_ =	shalt  }
0x67: {  	_ =	shalt  }
0x68: {  	_ =	shalt  }
0x69: {  	_ =	shalt  }
0x6a: {  	_ =	shalt  }
0x6b: {  	_ =	shalt  }
0x6c: {  	_ =	shalt  }
0x6d: {  	_ =	shalt  }
0x6e: {  	_ =	shalt  }
0x6f: {  	_ =	shalt  }
0x70: {  	_ =	shalt  }
0x71: {  	_ =	shalt  }
0x72: {  	_ =	shalt  }
0x73: {  	_ =	shalt  }
0x74: {  	_ =	shalt  }
0x75: {  	_ =	shalt  }
0x76: {  	_ =	shalt  }
0x77: {  	_ =	shalt  }
0x78: {  	_ =	shalt  }
0x79: {  	_ =	shalt  }
0x7a: {  	_ =	shalt  }
0x7b: {  	_ =	shalt  }
0x7c: {  	_ =	shalt  }
0x7d: {  	_ =	shalt  }
0x7e: {  	_ =	shalt  }
0x7f: {  	_ =	shalt  }
0x80: {  	_ =	shalt  }
0x81: {  	_ =	shalt  }
0x82: {  	_ =	shalt  }
0x83: {  	_ =	shalt  }
0x84: {  	_ =	shalt  }
0x85: {  	_ =	shalt  }
0x86: {  	_ =	shalt  }
0x87: {  	_ =	shalt  }
.Lfunc_end0:
.L_simem_size_0:
called_computation.1_lowered:
.L_overlay_start_0:
0x88: {  	s2 =	sld [smem:$0x3FD9]  }
0x89: {  	s3 =	sld [smem:$0x3FFE];
	_ =	sdelay $0x1  }
0x8a: {  	s1 =	srdreg.scid  }
0x8b: {  	s0 =	sand.u32 $0x1, s1  }
0x8c: {  	s17 =	sshll.u32 s0, $0xA;
	s2 =	sadd.s32 s3, s2  }
0x8d: {  	s2 =	sadd.s32 s2, s17  }
0x8e: {  	[smem:$0x3FBF] =	sst s2  }
0x8f: {  	_ = 	snop  }
0x90: {  	s2 =	sld [smem:$0x3FD0];
	(tm) =	ssettm $0x1  }
0x91: {  	s18 =	sld [smem:$0x3FFB];
	_ =	sdelay $0x3  }
0x92: {  	_ =	strace s18  }
0x93: {  	s3 =	sld [smem:$0x3FFC];
	_ =	sdelay $0x3  }
0x94: {  	_ =	strace s3  }
0x95: {  	s3 =	sld [smem:$0x3FFD];
	_ =	sdelay $0x3  }
0x96: {  	_ =	strace s3  }
0x97: {  	_ =	strace $0x8FFFFFFF  }
0x98: {  	s19 =	sld [smem:$0x3FDB];
	_ =	sdelay $0x1  }
0x99: {  	s4 =	simm.s32 $_scs_section_size  }
0x9a: {  	s5 =	simm.s32 $_size__tile_overlayer_lowered;
	s6 =	simm.s32 $_tile_overlayer_lowered  }
0x9b: {  	s22 =	simm.s32 $0x1BFF;
	s21 =	sshll.u32 s6, $0x1;
	s3 =	sadd.s32 s4, s19  }
0x9c: {  	s7 =	simm.s32 $0x0;
	s20 =	sshll.u32 s5, $0x1;
	s5 =	sadd.s32 s21, s3  }
0x9d: {  	[timem:s7], [sflag:s22] =	dma.local [hbm:s5], s20  }
0x9e: {  	_ =	swait.ge [sflag:s22], s20  }
0x9f: {  	s4 =	ssub.s32 $0x0, s20;
	[sflag:s22] =	ssyncset.done $0x0  }
0xa0: {  	[sflag:s22] =	ssyncadd.s32 s4;
	_ =	sdelay $0x1  }
0xa1: {  	s23 =	simm.s32 $0x1B8B  }
0xa2: {  	_ =	swait.ge [sflag:s23], $0x1  }
0xa3: {  	[sflag:s23] =	ssyncset.done $0x0  }
0xa4: {  	s25 =	simm.s32 $0x1B8E;
	s24 =	sld [smem:$0x3FFE];
	[sflag:s23] =	ssyncadd.s32 $0xFFFFFFFF  }
0xa5: {  	s26 =	simm.s32 $execute0_lowered;
	[smem:$0x3FD2] =	sst s25  }
0xa6: {  	s5 =	sshll.u32 s26, $0x1;
	_ =	strace $0x80000049;
	[dreg:$0x1] =	wrdreg $0xFFFFFFFF  }
0xa7: {  	s28 =	simm.s32 $_size_execute0_lowered;
	s3 =	sadd.s32 s3, s5;
	[dreg:$0x0] =	wrdreg $0x0  }
0xa8: {  	s5 =	sshll.u32 s28, $0x1;
	[dreg:$0x2] =	wrdreg s3  }
0xa9: {  	[dreg:$0x3] =	wrdreg s5  }
0xaa: {  	[dreg:$0x4] =	wrdreg $0xC0  }
0xab: {  	_ =	task [dreg:s7], $0x5FFFF  }
0xac: {  	[dreg:$0x1] =	wrdreg $0xFFFFFFFF  }
0xad: {  	[dreg:$0x0] =	wrdreg $0x60  }
0xae: {  	[dreg:$0x2] =	wrdreg s2  }
0xaf: {  	[dreg:$0x3] =	wrdreg s24  }
0xb0: {  	[dreg:$0x4] =	wrdreg $0x9  }
0xb1: {  	_ =	task.clear_ibuf [dreg:s7], $0x5FFFF;
	_ =	strace $0x90000049  }
0xb2: {  	s29 =	simm.s32 $0x9;
	_ =	strace $0x8000004B  }
0xb3: {  	_ =	swait.ge [sflag:s29], $0x1  }
0xb4: {  	[sflag:s29] =	ssyncadd.s32 $0xFFFFFFFF  }
0xb5: {  	_ =	strace $0x9000004B  }
0xb6: {  	_ =	sfence  }
0xb7: {  	s30 =	sld [smem:$0x0];
	_ =	sdelay $0x2  }
0xb8: {  	s31 =	sshll.u32 s1, $0xD;
	s1 =	sshrl.u32 s1, $0x2  }
0xb9: {  	s3 =	sand.u32 $0x4000, s31;
	s1 =	sadd.s32 s1, s30  }
0xba: {  	s0 =	sor.u32 s3, s0;
	s1 =	sshll.u32 s1, $0x11  }
0xbb: {  	s0 =	sor.u32 s1, s0  }
0xbc: {  	s0 =	sadd.s32 $0x8F2B, s0  }
0xbd: {  	[sflag:s0] =	ssyncadd.remote.s32 $0x1  }
0xbe: {  	_ =	sfence.sel $0xFFFF  }
0xbf: {  	[dreg:$0x0] =	wrdreg $0xFFFFFFFF;
	(pc) =	sbr.abs _section_cstart, $3  }
0xc0: {  	[dreg:$0x1] =	wrdreg $0xFFFFFFFF  }
0xc1: {  	_ =	task.clear_ibuf [dreg:s7], $0x2FFFF;
	_ =	strace $0x9FFFFFFF  }
0xc2: {  	(tm) =	ssettm $0x7FFFFFFF  }
0xc3: {  	_ =	shalt  }
tec
execute0_lowered:
.L_overlay_start_1:
0x0: {  	(tag) =	ssettag $0x1  }
0x1: {  	s0 =	rddreg [dreg:$0x0]  }
0x2: {  	s1 =	rddreg [dreg:$0x1];
	s2 =	srdreg.scid  }
0x3: {  	s7 =	stileid.u32;
	s13 =	simm.s32 $0x400;
	s14 =	simm.s32 $0x5  }
0x4: {  	s15 =	simm.s32 $0x2780;
	s16 =	simm.s32 $0x1;
	s17 =	simm.s32 $0x3  }
0x5: {  	s18 =	simm.s32 $0x4F00;
	s19 =	simm.s32 $0x7680;
	s20 =	simm.s32 $0x9E00  }
0x6: {  	s21 =	simm.s32 $0xC580;
	s22 =	simm.s32 $0x2;
	s23 =	simm.s32 $0x4  }
0x7: {  	s24 =	simm.s32 $0x0;
	s5 =	sand.u32 $0x1, s2;
	s2 =	simm.s32 $0x0  }
0x8: {  	s3 =	sshll.u32 s7, $0x2;
	s25 =	sshrl.u32 s7, $0x1;
	s4 =	sshll.u32 s5, $0x1  }
0x9: {  	[smem:$0x7FF] =	sst s2;
	s7 =	smul.u32 $0x13C00, s25;
	s5 =	ssub.s32 $0x2, s5  }
0xa: {  	s6 =	sor.u32 s4, s3;
	_ =	strace $0x8000004A;
	s3 =	sadd.s32 $0x2800, s1  }
0xb: {  	s4 =	sadd.s32 $0xC600, s1;
	s1 =	sadd.s32 $0x11600, s1;
	s26 =	sshrl.u32 s5, $0x1  }
0xc: {  	s8 =	sshll.u32 s6, $0x7;
	s6 =	sor.u32 $0x41, s6;
	s11 =	ssub.s32 s5, s26  }
0xd: {  	s8 =	sand.u32 $0x300, s8;
	s29 =	sshrl.u32 s6, $0x3;
	s12 =	sshll.u32 s6, $0x7  }
0xe: {  	s11 =	smax.u32 s11, $0x1;
	s7 =	sor.u32 s7, s8;
	s8 =	smul.u32 $0x13C00, s29  }
0xf: {  	s12 =	sand.u32 $0x380, s12;
	s9 =	sshrl.u32 s7, $0x3;
	s30 =	sadd.s32 $0x9E000, s7  }
0x10: {  	s28 =	sadd.s32 s0, s9;
	s10 =	sor.u32 $0x10, s9;
	s7 =	sadd.s32 s1, s9  }
0x11: {  	s12 =	sor.u32 s12, s8;
	[dreg:$0x3] =	wrdreg s28;
	s6 =	sadd.s32 s0, s10  }
0x12: {  	s0 =	sshrl.u32 s30, $0x3;
	s9 =	sadd.s32 s1, s10;
	s31 =	sshrl.u32 s12, $0x3  }
0x13: {  	v0 =	vimm.f32 $0.0e+00;
	s12 =	simm.s32 $0x80;
	s8 =	sadd.s32 s1, s0;
	s10 =	sadd.s32 s1, s31  }
.LBB2_1:
0x14: {  	s0 =	simm.s32 $0xED00;
	s1 =	simm.s32 $0x0  }
.LBB2_2:
0x15: {  	p0 =	sne.s32 s1, $0x310  }
.Ltmp0:
0x16: {  	_ = 	snop;
	(pc) =	sbr.rel @p0 .LBB2_2-.Ltmp0, $4  }
0x17: {  	_ = 	snop  }
0x18: {  	s25 =	sadd.s32 s1, s3;
	s26 =	simm.s32 $0x0  }
0x19: {  	[tilespmem:s0], [sflag:$0x1] =	stream.linear.gather [hbm4b:s25+s26], $0x80, $0x38;
	[tilespmem:$0x13800] =	vst v63  }
0x1a: {  	s1 =	sadd.s32 $0x10, s1;
	s0 =	sadd.s32 $0x100, s0  }
0x1b: {  	s0 =	simm.s32 $0x11F00  }
0x1c: {  	s25 =	simm.s32 $0x10;
	s1 =	sadd.s32 $0x0, s4;
	s26 =	simm.s32 $0x12000  }
.LBB2_4:
0x1d: {  	[tilespmem:s0], [sflag:$0x3] =	stream.linear.gather [hbm4b:s1+s2], $0x80, $0x38;
	[tilespmem:$0x13800] =	vst v63  }
0x1e: {  	s1 =	smov.u32 s25;
	s0 =	smov.u32 s26;
	p0 =	sne.s32 s25, $0x180  }
.Ltmp1:
0x1f: {  	s25 =	sadd.s32 $0x10, s25;
	(pc) =	sbr.rel @p0 .LBB2_4-.Ltmp1, $2  }
0x20: {  	_ =	sdelay $0x2  }
0x21: {  	s26 =	sadd.s32 $0x100, s26;
	s1 =	sadd.s32 s1, s4  }
0x22: {  	[tilespmem:s0], [sflag:$0x3] =	stream.linear.gather [hbm4b:s1+s2], $0x80, $0x38;
	[tilespmem:$0x13800] =	vst v63  }
0x23: {  	s30 =	rddreg [dreg:$0x3]  }
0x24: {  	[tilespmem:s2], [sflag:$0x5] =	stream.strided.gather [hbm4b:s30+s12], $0x2780, s13, s12, $0x38;
	[tilespmem:$0x13800] =	vst v63  }
0x25: {  	_ =	swait.ge [sflag:s14], $0x2780  }
0x26: {  	[sflag:s14] =	ssyncset.done $0x0  }
0x27: {  	[sflag:s14] =	ssyncadd.s32 $0xFFFFD880  }
0x28: {  	[tilespmem:s15], [sflag:$0x5] =	stream.strided.gather [hbm4b:s6+s12], $0x2780, s13, s12, $0x38;
	[tilespmem:$0x13800] =	vst v63  }
0x29: {  	_ =	swait.ge [sflag:s14], $0x2780  }
0x2a: {  	[sflag:s14] =	ssyncset.done $0x0  }
0x2b: {  	s31 =	simm.s32 $0x4F20;
	[sflag:s14] =	ssyncadd.s32 $0xFFFFD880  }
0x2c: {  	[tilespmem:s31+$0xFFFFFFF0] =	vst v0  }
0x2d: {  	[tilespmem:s31+$0x0] =	vst v0  }
0x2e: {  	[tilespmem:s31+$0x10] =	vst v0  }
0x2f: {  	s25 =	simm.s32 $0x76A0;
	[tilespmem:s31+$0xFFFFFFE0] =	vst v0  }
0x30: {  	[tilespmem:s25+$0xFFFFFFF0] =	vst v0  }
0x31: {  	[tilespmem:s25+$0x0] =	vst v0  }
0x32: {  	[tilespmem:s25+$0x10] =	vst v0  }
0x33: {  	s26 =	simm.s32 $0x9E20;
	[tilespmem:s25+$0xFFFFFFE0] =	vst v0  }
0x34: {  	[tilespmem:s26+$0xFFFFFFF0] =	vst v0  }
0x35: {  	[tilespmem:s26+$0x0] =	vst v0  }
0x36: {  	[tilespmem:s26+$0x10] =	vst v0  }
0x37: {  	s28 =	simm.s32 $0xC5A0;
	[tilespmem:s26+$0xFFFFFFE0] =	vst v0  }
0x38: {  	[tilespmem:s28+$0xFFFFFFF0] =	vst v0  }
0x39: {  	[tilespmem:s28+$0x0] =	vst v0  }
0x3a: {  	[tilespmem:s28+$0x10] =	vst v0  }
0x3b: {  	s0 =	simm.s32 $0x0;
	s29 =	simm.s32 $0x4F60;
	[tilespmem:s28+$0xFFFFFFE0] =	vst v0  }
.LBB2_6:
0x3c: {  	[tilespmem:s29+$0xFFFFFFF0] =	vst v0;
	s25 =	sadd.s32 $0x40, s25  }
0x3d: {  	s26 =	sadd.s32 $0x40, s26;
	[tilespmem:s25+$0xFFFFFFF0] =	vst v0  }
0x3e: {  	s28 =	sadd.s32 $0x40, s28;
	[tilespmem:s26+$0xFFFFFFF0] =	vst v0  }
0x3f: {  	[tilespmem:s28+$0xFFFFFFF0] =	vst v0  }
0x40: {  	[tilespmem:s29+$0x0] =	vst v0  }
0x41: {  	[tilespmem:s25+$0x0] =	vst v0  }
0x42: {  	[tilespmem:s26+$0x0] =	vst v0  }
0x43: {  	[tilespmem:s28+$0x0] =	vst v0  }
0x44: {  	[tilespmem:s29+$0x10] =	vst v0  }
0x45: {  	s0 =	sadd.s32 $0x40, s0;
	[tilespmem:s25+$0x10] =	vst v0  }
0x46: {  	p0 =	slt.u32 s0, $0x26C0;
	[tilespmem:s26+$0x10] =	vst v0  }
.Ltmp2:
0x47: {  	[tilespmem:s28+$0x10] =	vst v0;
	(pc) =	sbr.rel @p0 .LBB2_6-.Ltmp2, $4  }
0x48: {  	[tilespmem:s29+$0xFFFFFFE0] =	vst v0  }
0x49: {  	[tilespmem:s25+$0xFFFFFFE0] =	vst v0  }
0x4a: {  	[tilespmem:s26+$0xFFFFFFE0] =	vst v0  }
0x4b: {  	s29 =	sadd.s32 $0x40, s29;
	[tilespmem:s28+$0xFFFFFFE0] =	vst v0  }
0x4c: {  	[tilespmem:$0x7600] =	vst v0  }
0x4d: {  	[tilespmem:$0x9D80] =	vst v0  }
0x4e: {  	[tilespmem:$0xC500] =	vst v0  }
0x4f: {  	[tilespmem:$0xEC80] =	vst v0;
	s25 =	simm.s32 $0x0  }
.LBB2_8:
0x50: {  	s0 =	sshllo.u32 s25, $0x1  }
0x51: {  	s1 =	smul.u32 $0x320, s0;
	_ =	sdelay $0x1  }
0x52: {  	s26 =	sshll.u32 s25, $0x1;
	s29 =	simm.s32 $0xED80;
	s28 =	sadd.s32 s3, s1  }
0x53: {  	s30 =	simm.s32 $0x10;
	s31 =	simm.s32 $0xEE80;
	s1 =	sadd.s32 $0x0, s28  }
.LBB2_9:
0x54: {  	[tilespmem:s29], [sflag:$0x2] =	stream.linear.gather [hbm4b:s1+s2], $0x80, $0x38;
	[tilespmem:$0x13800] =	vst v63  }
0x55: {  	s1 =	smov.u32 s30;
	s29 =	smov.u32 s31;
	p0 =	sne.s32 s30, $0x310  }
.Ltmp3:
0x56: {  	s30 =	sadd.s32 $0x10, s30;
	(pc) =	sbr.rel @p0 .LBB2_9-.Ltmp3, $2  }
0x57: {  	_ =	sdelay $0x2  }
0x58: {  	s31 =	sadd.s32 $0x100, s31;
	s1 =	sadd.s32 s1, s28  }
0x59: {  	s0 =	smul.u32 $0x190, s0  }
0x5a: {  	[tilespmem:s29], [sflag:$0x2] =	stream.linear.gather [hbm4b:s1+s2], $0x80, $0x38;
	[tilespmem:$0x13800] =	vst v63  }
0x5b: {  	s28 =	simm.s32 $0x11F80;
	s0 =	sadd.s32 s4, s0  }
0x5c: {  	s29 =	simm.s32 $0x10;
	s30 =	simm.s32 $0x12080;
	s1 =	sadd.s32 $0x0, s0  }
.LBB2_11:
0x5d: {  	[tilespmem:s28], [sflag:$0x4] =	stream.linear.gather [hbm4b:s1+s2], $0x80, $0x38;
	[tilespmem:$0x13800] =	vst v63  }
0x5e: {  	s1 =	smov.u32 s29;
	s28 =	smov.u32 s30;
	p0 =	sne.s32 s29, $0x180  }
.Ltmp4:
0x5f: {  	s29 =	sadd.s32 $0x10, s29;
	(pc) =	sbr.rel @p0 .LBB2_11-.Ltmp4, $2  }
0x60: {  	_ =	sdelay $0x2  }
0x61: {  	s30 =	sadd.s32 $0x100, s30;
	s1 =	sadd.s32 s1, s0  }
0x62: {  	[tilespmem:s28], [sflag:$0x4] =	stream.linear.gather [hbm4b:s1+s2], $0x80, $0x38;
	[tilespmem:$0x13800] =	vst v63  }
0x63: {  	_ =	swait.ge [sflag:s16], $0x1900  }
0x64: {  	[sflag:s16] =	ssyncset.done $0x0  }
0x65: {  	s0 =	simm.s32 $0x0;
	[sflag:s16] =	ssyncadd.s32 $0xFFFFE700  }
0x66: {  	s31 =	simm.s32 $0x20;
	s0 =	sand.u32 $0x3F00, s0;
	_ =	swait.ge [sflag:s17], $0xC80  }
0x67: {  	s1 =	sand.u32 $0x60, s31;
	s0 =	sadd.s32 $0xED00, s0;
	[sflag:s17] =	ssyncset.done $0x0  }
0x68: {  	s1 =	sor.u32 s1, s0;
	[sflag:s17] =	ssyncadd.s32 $0xFFFFF380  }
0x69: {  	v1 =	vld [tilespmem:s1+$0x0];
	_ =	sdelay $0x4  }
0x6a: {  	s5 =	simm.s32 $0x0;
	v2 =	vand.u32 $0xFFFF, v1  }
0x6b: {  	s28 =	simm.s32 $0x10;
	s29 =	sand.u32 $0x1F00, s5  }
0x6c: {  	s28 =	sand.u32 $0x70, s28;
	s29 =	sadd.s32 $0x11F00, s29  }
0x6d: {  	s28 =	sor.u32 s28, s29  }
0x6e: {  	v3 =	vld [tilespmem:s28+$0x0]  }
0x6f: {  	v4 =	vld.idx.msk [tilespmem:v2+s2+$0x0], $0xffff;
	_ =	sdelay $0x2  }
0x70: {  	v1 =	vshrl.u32 v1, $0x10;
	_ =	sdelay $0x1  }
0x71: {  	s1 =	sand.u32 $0x40, s5;
	v5 =	vunpack.i.l.bf16.f32 v3;
	v6 =	vunpack.i.l.bf16.f32 v4  }
0x72: {  	s0 =	sor.u32 s1, s0;
	v4 =	vunpack.i.u.bf16.f32 v4;
	v6 =	vmul.f32 v6, v5  }
0x73: {  	v7 =	vld [tilespmem:s0+$0x30];
	v4 =	vmul.f32 v4, v5  }
0x74: {  	[tilespmem:v1+s18+$0x0] =	vst.idx.add.f32.msk $0xffff, v6  }
0x75: {  	[tilespmem:v1+s19+$0x0] =	vst.idx.add.f32.msk $0xffff, v4  }
0x76: {  	v2 =	vld.idx.msk [tilespmem:v2+s15+$0x0], $0xffff;
	_ =	sdelay $0x2  }
0x77: {  	s31 =	simm.s32 $0x80;
	v4 =	vld [tilespmem:s0+$0x0]  }
0x78: {  	s28 =	simm.s32 $0x60;
	s1 =	sand.u32 $0x3F00, s31  }
0x79: {  	s28 =	sand.u32 $0x60, s28;
	s1 =	sadd.s32 $0xED00, s1;
	v8 =	vand.u32 $0xFFFF, v7;
	v6 =	vunpack.i.l.bf16.f32 v2  }
0x7a: {  	s28 =	sor.u32 s28, s1;
	v2 =	vunpack.i.u.bf16.f32 v2;
	v6 =	vmul.f32 v6, v5  }
0x7b: {  	v9 =	vld [tilespmem:s28+$0x0];
	v2 =	vmul.f32 v2, v5  }
0x7c: {  	v5 =	vand.u32 $0xFFFF, v4;
	[tilespmem:v1+s20+$0x0] =	vst.idx.add.f32.msk $0xffff, v6  }
0x7d: {  	s28 =	simm.s32 $0x0;
	[tilespmem:v1+s21+$0x0] =	vst.idx.add.f32.msk $0xffff, v2  }
0x7e: {  	s28 =	sand.u32 $0x60, s28;
	v1 =	vld.idx.msk [tilespmem:v8+s2+$0x0], $0xffff  }
0x7f: {  	s28 =	sor.u32 s28, s29  }
0x80: {  	v6 =	vand.u32 $0xFFFF, v9;
	v2 =	vld [tilespmem:s28+$0x0];
	s28 =	simm.s32 $0x40  }
0x81: {  	s30 =	simm.s32 $0x30;
	v7 =	vshrl.u32 v7, $0x10;
	s29 =	sand.u32 $0x1F00, s28;
	v10 =	vld.idx.msk [tilespmem:v5+s2+$0x0], $0xffff  }
0x82: {  	s30 =	sand.u32 $0x70, s30;
	s29 =	sadd.s32 $0x11F00, s29  }
0x83: {  	v11 =	vld [tilespmem:s0+$0x10];
	v3 =	vunpack.i.u.bf16.f32 v3;
	s5 =	sor.u32 s30, s29;
	v12 =	vunpack.i.l.bf16.f32 v1  }
0x84: {  	v4 =	vshrl.u32 v4, $0x10;
	v13 =	vld [tilespmem:s5+$0x0];
	v1 =	vunpack.i.u.bf16.f32 v1;
	v12 =	vmul.f32 v12, v3  }
0x85: {  	v14 =	vld.idx.msk [tilespmem:v6+s2+$0x0], $0xffff;
	v1 =	vmul.f32 v1, v3  }
0x86: {  	v15 =	vunpack.i.l.bf16.f32 v2;
	v16 =	vunpack.i.l.bf16.f32 v10;
	[tilespmem:v7+s18+$0x0] =	vst.idx.add.f32.msk $0xffff, v12  }
0x87: {  	v10 =	vunpack.i.u.bf16.f32 v10;
	v12 =	vmul.f32 v16, v15;
	[tilespmem:v7+s19+$0x0] =	vst.idx.add.f32.msk $0xffff, v1  }
0x88: {  	v9 =	vshrl.u32 v9, $0x10;
	v1 =	vmul.f32 v10, v15;
	v8 =	vld.idx.msk [tilespmem:v8+s15+$0x0], $0xffff  }
0x89: {  	[tilespmem:v4+s18+$0x0] =	vst.idx.add.f32.msk $0xffff, v12  }
0x8a: {  	s31 =	sand.u32 $0x40, s28;
	v10 =	vunpack.i.l.bf16.f32 v13;
	v12 =	vunpack.i.l.bf16.f32 v14;
	[tilespmem:v4+s19+$0x0] =	vst.idx.add.f32.msk $0xffff, v1  }
0x8b: {  	s0 =	sor.u32 s31, s1;
	v1 =	vunpack.i.u.bf16.f32 v14;
	v12 =	vmul.f32 v12, v10;
	v5 =	vld.idx.msk [tilespmem:v5+s15+$0x0], $0xffff  }
0x8c: {  	v14 =	vld [tilespmem:s0+$0x30];
	v1 =	vmul.f32 v1, v10  }
0x8d: {  	s5 =	simm.s32 $0x20;
	[tilespmem:v9+s18+$0x0] =	vst.idx.add.f32.msk $0xffff, v12  }
0x8e: {  	s1 =	sand.u32 $0x60, s5;
	[tilespmem:v9+s19+$0x0] =	vst.idx.add.f32.msk $0xffff, v1;
	v12 =	vunpack.i.l.bf16.f32 v8  }
0x8f: {  	s1 =	sor.u32 s1, s29;
	v6 =	vld.idx.msk [tilespmem:v6+s15+$0x0], $0xffff;
	v1 =	vmul.f32 v12, v3  }
0x90: {  	v16 =	vld [tilespmem:s1+$0x0];
	v12 =	vand.u32 $0xFFFF, v11;
	v17 =	vunpack.i.l.bf16.f32 v5  }
0x91: {  	[tilespmem:v7+s20+$0x0] =	vst.idx.add.f32.msk $0xffff, v1;
	v1 =	vunpack.i.u.bf16.f32 v5;
	v5 =	vmul.f32 v17, v15  }
0x92: {  	s31 =	simm.s32 $0x100;
	v17 =	vld [tilespmem:s0+$0x0];
	v1 =	vmul.f32 v1, v15  }
0x93: {  	s28 =	simm.s32 $0xA0;
	s1 =	sand.u32 $0x3F00, s31;
	[tilespmem:v4+s20+$0x0] =	vst.idx.add.f32.msk $0xffff, v5  }
0x94: {  	s28 =	sand.u32 $0x60, s28;
	s1 =	sadd.s32 $0xED00, s1;
	v15 =	vand.u32 $0xFFFF, v14;
	v5 =	vunpack.i.l.bf16.f32 v6;
	[tilespmem:v4+s21+$0x0] =	vst.idx.add.f32.msk $0xffff, v1  }
0x95: {  	s28 =	sor.u32 s28, s1;
	v1 =	vunpack.i.u.bf16.f32 v6;
	v4 =	vmul.f32 v5, v10;
	v5 =	vld.idx.msk [tilespmem:v12+s2+$0x0], $0xffff  }
0x96: {  	v6 =	vld [tilespmem:s28+$0x0];
	v10 =	vmul.f32 v1, v10  }
0x97: {  	v8 =	vunpack.i.u.bf16.f32 v8;
	v18 =	vand.u32 $0xFFFF, v17;
	[tilespmem:v9+s20+$0x0] =	vst.idx.add.f32.msk $0xffff, v4  }
0x98: {  	v3 =	vmul.f32 v8, v3;
	v1 =	vshrl.u32 v11, $0x10;
	[tilespmem:v9+s21+$0x0] =	vst.idx.add.f32.msk $0xffff, v10  }
0x99: {  	v4 =	vld.idx.msk [tilespmem:v15+s2+$0x0], $0xffff  }
0x9a: {  	v8 =	vunpack.i.u.bf16.f32 v2;
	[tilespmem:v7+s21+$0x0] =	vst.idx.add.f32.msk $0xffff, v3;
	v2 =	vunpack.i.l.bf16.f32 v5  }
0x9b: {  	s5 =	simm.s32 $0x80;
	v3 =	vld [tilespmem:s0+$0x10];
	v7 =	vand.u32 $0xFFFF, v6;
	v5 =	vunpack.i.u.bf16.f32 v5;
	v2 =	vmul.f32 v2, v8  }
0x9c: {  	s29 =	simm.s32 $0x50;
	s28 =	sand.u32 $0x1F00, s5;
	v10 =	vshrl.u32 v14, $0x10;
	v9 =	vld.idx.msk [tilespmem:v18+s2+$0x0], $0xffff;
	v5 =	vmul.f32 v5, v8  }
0x9d: {  	s29 =	sand.u32 $0x70, s29;
	s28 =	sadd.s32 $0x11F00, s28;
	[tilespmem:v1+s18+$0x0] =	vst.idx.add.f32.msk $0xffff, v2  }
0x9e: {  	s29 =	sor.u32 s29, s28;
	v2 =	vunpack.i.u.bf16.f32 v13;
	v11 =	vunpack.i.l.bf16.f32 v4;
	[tilespmem:v1+s19+$0x0] =	vst.idx.add.f32.msk $0xffff, v5  }
0x9f: {  	v4 =	vunpack.i.u.bf16.f32 v4;
	v5 =	vld [tilespmem:s29+$0x0];
	v11 =	vmul.f32 v11, v2  }
0xa0: {  	v13 =	vshrl.u32 v17, $0x10;
	v14 =	vld.idx.msk [tilespmem:v7+s2+$0x0], $0xffff;
	v4 =	vmul.f32 v4, v2;
	s29 =	simm.s32 $0x40  }
0xa1: {  	s29 =	sand.u32 $0x60, s29;
	[tilespmem:v10+s18+$0x0] =	vst.idx.add.f32.msk $0xffff, v11  }
0xa2: {  	v11 =	vunpack.i.l.bf16.f32 v16;
	v17 =	vunpack.i.l.bf16.f32 v9;
	s28 =	sor.u32 s29, s28;
	[tilespmem:v10+s19+$0x0] =	vst.idx.add.f32.msk $0xffff, v4  }
0xa3: {  	v4 =	vunpack.i.u.bf16.f32 v9;
	v9 =	vmul.f32 v17, v11;
	v19 =	vld [tilespmem:s28+$0x0]  }
0xa4: {  	v6 =	vshrl.u32 v6, $0x10;
	v15 =	vld.idx.msk [tilespmem:v15+s15+$0x0], $0xffff;
	v4 =	vmul.f32 v4, v11  }
0xa5: {  	[tilespmem:v13+s18+$0x0] =	vst.idx.add.f32.msk $0xffff, v9  }
0xa6: {  	s0 =	sand.u32 $0x40, s5;
	v9 =	vunpack.i.l.bf16.f32 v5;
	v17 =	vunpack.i.l.bf16.f32 v14;
	[tilespmem:v13+s19+$0x0] =	vst.idx.add.f32.msk $0xffff, v4  }
0xa7: {  	s0 =	sor.u32 s0, s1;
	v4 =	vunpack.i.u.bf16.f32 v14;
	v14 =	vmul.f32 v17, v9;
	v17 =	vld.idx.msk [tilespmem:v18+s15+$0x0], $0xffff  }
0xa8: {  	v18 =	vld [tilespmem:s0+$0x30];
	v4 =	vmul.f32 v4, v9  }
0xa9: {  	[tilespmem:v6+s18+$0x0] =	vst.idx.add.f32.msk $0xffff, v14;
	v14 =	vunpack.i.l.bf16.f32 v15  }
0xaa: {  	[tilespmem:v6+s19+$0x0] =	vst.idx.add.f32.msk $0xffff, v4;
	v4 =	vunpack.i.u.bf16.f32 v15;
	v14 =	vmul.f32 v14, v2  }
0xab: {  	v7 =	vld.idx.msk [tilespmem:v7+s15+$0x0], $0xffff;
	v2 =	vmul.f32 v4, v2  }
0xac: {  	v4 =	vand.u32 $0xFFFF, v3;
	[tilespmem:v10+s20+$0x0] =	vst.idx.add.f32.msk $0xffff, v14;
	v14 =	vunpack.i.l.bf16.f32 v17  }
0xad: {  	v15 =	vunpack.i.u.bf16.f32 v17;
	[tilespmem:v10+s21+$0x0] =	vst.idx.add.f32.msk $0xffff, v2;
	v2 =	vmul.f32 v14, v11  }
0xae: {  	s31 =	simm.s32 $0x180;
	v10 =	vld [tilespmem:s0+$0x0];
	v11 =	vmul.f32 v15, v11  }
0xaf: {  	s1 =	sand.u32 $0x3F00, s31;
	s28 =	simm.s32 $0xE0;
	[tilespmem:v13+s20+$0x0] =	vst.idx.add.f32.msk $0xffff, v2  }
0xb0: {  	s1 =	sadd.s32 $0xED00, s1;
	s28 =	sand.u32 $0x60, s28;
	v14 =	vand.u32 $0xFFFF, v18;
	v2 =	vunpack.i.l.bf16.f32 v7;
	[tilespmem:v13+s21+$0x0] =	vst.idx.add.f32.msk $0xffff, v11  }
0xb1: {  	s28 =	sor.u32 s28, s1;
	v7 =	vunpack.i.u.bf16.f32 v7;
	v2 =	vmul.f32 v2, v9;
	v11 =	vld.idx.msk [tilespmem:v4+s2+$0x0], $0xffff  }
0xb2: {  	v13 =	vld [tilespmem:s28+$0x0];
	v7 =	vmul.f32 v7, v9  }
0xb3: {  	v15 =	vand.u32 $0xFFFF, v10;
	[tilespmem:v6+s20+$0x0] =	vst.idx.add.f32.msk $0xffff, v2  }
0xb4: {  	v2 =	vshrl.u32 v3, $0x10;
	[tilespmem:v6+s21+$0x0] =	vst.idx.add.f32.msk $0xffff, v7  }
0xb5: {  	v6 =	vld.idx.msk [tilespmem:v14+s2+$0x0], $0xffff  }
0xb6: {  	v21 =	vld [tilespmem:s0+$0x10];
	s28 =	simm.s32 $0xC0;
	v3 =	vunpack.i.u.bf16.f32 v16;
	v7 =	vunpack.i.l.bf16.f32 v11  }
0xb7: {  	v12 =	vld.idx.msk [tilespmem:v12+s15+$0x0], $0xffff;
	s29 =	simm.s32 $0x70;
	s5 =	sand.u32 $0x1F00, s28;
	v9 =	vunpack.i.u.bf16.f32 v11;
	v11 =	vand.u32 $0xFFFF, v13;
	v7 =	vmul.f32 v7, v3  }
0xb8: {  	s30 =	sand.u32 $0x70, s29;
	v22 =	vshrl.u32 v18, $0x10;
	s0 =	sadd.s32 $0x11F00, s5;
	v16 =	vld.idx.msk [tilespmem:v15+s2+$0x0], $0xffff  }
0xb9: {  	s30 =	sor.u32 s30, s0;
	v9 =	vmul.f32 v9, v3;
	[tilespmem:v2+s18+$0x0] =	vst.idx.add.f32.msk $0xffff, v7  }
0xba: {  	v5 =	vunpack.i.u.bf16.f32 v5;
	v17 =	vunpack.i.l.bf16.f32 v6;
	v7 =	vld [tilespmem:s30+$0x0]  }
0xbb: {  	s30 =	simm.s32 $0x60;
	[tilespmem:v2+s19+$0x0] =	vst.idx.add.f32.msk $0xffff, v9;
	v17 =	vmul.f32 v17, v5  }
0xbc: {  	v6 =	vunpack.i.u.bf16.f32 v6;
	v9 =	vshrl.u32 v10, $0x10;
	s30 =	sand.u32 $0x60, s30;
	v10 =	vld.idx.msk [tilespmem:v11+s2+$0x0], $0xffff  }
0xbd: {  	v6 =	vmul.f32 v6, v5;
	s0 =	sor.u32 s30, s0;
	[tilespmem:v22+s18+$0x0] =	vst.idx.add.f32.msk $0xffff, v17  }
0xbe: {  	v24 =	vunpack.i.l.bf16.f32 v19;
	v17 =	vunpack.i.l.bf16.f32 v16;
	v23 =	vld [tilespmem:s0+$0x0]  }
0xbf: {  	[tilespmem:v22+s19+$0x0] =	vst.idx.add.f32.msk $0xffff, v6;
	v6 =	vunpack.i.u.bf16.f32 v16;
	v16 =	vmul.f32 v17, v24  }
0xc0: {  	s31 =	sand.u32 $0x40, s28;
	v17 =	vshrl.u32 v13, $0x10;
	v14 =	vld.idx.msk [tilespmem:v14+s15+$0x0], $0xffff  }
0xc1: {  	s0 =	sor.u32 s31, s1;
	v6 =	vmul.f32 v6, v24;
	[tilespmem:v9+s18+$0x0] =	vst.idx.add.f32.msk $0xffff, v16  }
0xc2: {  	v18 =	vunpack.i.l.bf16.f32 v7;
	v16 =	vld [tilespmem:s0+$0x30];
	v13 =	vunpack.i.l.bf16.f32 v10  }
0xc3: {  	[tilespmem:v9+s19+$0x0] =	vst.idx.add.f32.msk $0xffff, v6;
	v6 =	vunpack.i.u.bf16.f32 v10;
	v10 =	vmul.f32 v13, v18  }
0xc4: {  	v25 =	vld.idx.msk [tilespmem:v15+s15+$0x0], $0xffff;
	v6 =	vmul.f32 v6, v18  }
0xc5: {  	[tilespmem:v17+s18+$0x0] =	vst.idx.add.f32.msk $0xffff, v10;
	v10 =	vunpack.i.l.bf16.f32 v14  }
0xc6: {  	v13 =	vunpack.i.u.bf16.f32 v14;
	[tilespmem:v17+s19+$0x0] =	vst.idx.add.f32.msk $0xffff, v6;
	v10 =	vmul.f32 v10, v5  }
0xc7: {  	v20 =	vld.idx.msk [tilespmem:v11+s15+$0x0], $0xffff;
	v11 =	vmul.f32 v13, v5  }
0xc8: {  	v13 =	vunpack.i.u.bf16.f32 v12;
	v12 =	vunpack.i.l.bf16.f32 v12;
	[tilespmem:v22+s20+$0x0] =	vst.idx.add.f32.msk $0xffff, v10  }
0xc9: {  	v15 =	vmul.f32 v12, v8;
	v12 =	vunpack.i.l.bf16.f32 v25;
	[tilespmem:v22+s21+$0x0] =	vst.idx.add.f32.msk $0xffff, v11;
	v11 =	vunpack.i.u.bf16.f32 v25  }
0xca: {  	v14 =	vunpack.i.l.bf16.f32 v23;
	v5 =	vshrl.u32 v21, $0x10;
	v10 =	vand.u32 $0xFFFF, v21  }
0xcb: {  	v13 =	vmul.f32 v13, v8;
	v8 =	vunpack.i.u.bf16.f32 v23;
	v22 =	vld [tilespmem:s0+$0x0];
	v23 =	vmul.f32 v12, v24  }
0xcc: {  	s30 =	simm.s32 $0x200;
	v6 =	vunpack.i.u.bf16.f32 v19;
	v19 =	vld [tilespmem:s0+$0x10];
	v21 =	vmul.f32 v11, v24;
	v12 =	vmovc v5;
	v11 =	vmov v5  }
.LBB2_13:
0xcd: {  	s0 =	sand.u32 $0x3F00, s30;
	s1 =	sadd.s32 $0x60, s28;
	[tilespmem:v9+s20+$0x0] =	vst.idx.add.f32.msk $0xffff, v23  }
0xce: {  	v23 =	vunpack.i.l.bf16.f32 v20;
	v24 =	vand.u32 $0xFFFF, v16;
	s31 =	sadd.s32 $0xED00, s0;
	s0 =	sand.u32 $0x60, s1;
	[tilespmem:v9+s21+$0x0] =	vst.idx.add.f32.msk $0xffff, v21  }
0xcf: {  	v20 =	vunpack.i.u.bf16.f32 v20;
	v21 =	vmul.f32 v23, v18;
	s0 =	sor.u32 s0, s31;
	v23 =	vld.idx.msk [tilespmem:v10+s2+$0x0], $0xffff  }
0xd0: {  	v18 =	vmul.f32 v20, v18;
	v25 =	vld [tilespmem:s0+$0x0];
	v9 =	vshrl.u32 v22, $0x10;
	v22 =	vand.u32 $0xFFFF, v22  }
0xd1: {  	v20 =	vshrl.u32 v19, $0x10;
	v19 =	vand.u32 $0xFFFF, v19;
	[tilespmem:v17+s20+$0x0] =	vst.idx.add.f32.msk $0xffff, v21  }
0xd2: {  	[tilespmem:v17+s21+$0x0] =	vst.idx.add.f32.msk $0xffff, v18  }
0xd3: {  	v17 =	vld.idx.msk [tilespmem:v24+s2+$0x0], $0xffff  }
0xd4: {  	v18 =	vld.idx.msk [tilespmem:v4+s15+$0x0], $0xffff;
	v4 =	vmov v10;
	v10 =	vmov v19  }
0xd5: {  	v21 =	vunpack.i.u.bf16.f32 v23;
	v23 =	vunpack.i.l.bf16.f32 v23;
	v19 =	vld.idx.msk [tilespmem:v22+s2+$0x0], $0xffff  }
0xd6: {  	s28 =	sadd.s32 $0x40, s28;
	v26 =	vand.u32 $0xFFFF, v25;
	v23 =	vmul.f32 v23, v6;
	v21 =	vmul.f32 v21, v6;
	[tilespmem:v1+s20+$0x0] =	vst.idx.add.f32.msk $0xffff, v15  }
0xd7: {  	v27 =	vshrl.u32 v16, $0x10;
	s29 =	sadd.s32 $0x20, s29;
	p0 =	slt.u32 s28, $0x18C0;
	s0 =	sand.u32 $0x1F00, s28;
	[tilespmem:v1+s21+$0x0] =	vst.idx.add.f32.msk $0xffff, v13;
	v1 =	vmovc v2;
	v2 =	vmov v5;
	v5 =	vmov v20  }
0xd8: {  	s1 =	sadd.s32 $0xFFFFFFF0, s29;
	s5 =	sand.u32 $0x70, s29;
	s0 =	sadd.s32 $0x11F00, s0;
	[tilespmem:v12+s18+$0x0] =	vst.idx.add.f32.msk $0xffff, v23;
	v12 =	vmov v20  }
0xd9: {  	s1 =	sand.u32 $0x60, s1;
	s5 =	sor.u32 s5, s0;
	v23 =	vunpack.i.u.bf16.f32 v7;
	v13 =	vunpack.i.l.bf16.f32 v17;
	[tilespmem:v11+s19+$0x0] =	vst.idx.add.f32.msk $0xffff, v21;
	v11 =	vmov v20  }
0xda: {  	s0 =	sor.u32 s1, s0;
	v15 =	vunpack.i.u.bf16.f32 v17;
	v13 =	vmul.f32 v13, v23;
	v16 =	vunpack.i.u.bf16.f32 v18;
	v7 =	vld [tilespmem:s5+$0x0]  }
0xdb: {  	v15 =	vmul.f32 v15, v23;
	v17 =	vunpack.i.u.bf16.f32 v19;
	v19 =	vunpack.i.l.bf16.f32 v19;
	v20 =	vld.idx.msk [tilespmem:v26+s2+$0x0], $0xffff  }
0xdc: {  	v19 =	vmul.f32 v19, v14;
	v21 =	vmul.f32 v17, v14;
	[tilespmem:v27+s18+$0x0] =	vst.idx.add.f32.msk $0xffff, v13;
	v13 =	vunpack.i.l.bf16.f32 v18  }
0xdd: {  	[tilespmem:v27+s19+$0x0] =	vst.idx.add.f32.msk $0xffff, v15;
	v15 =	vmul.f32 v13, v3;
	v13 =	vmul.f32 v16, v3;
	v3 =	vmov v6  }
0xde: {  	v6 =	vmov v8;
	v24 =	vld.idx.msk [tilespmem:v24+s15+$0x0], $0xffff  }
0xdf: {  	v17 =	vshrl.u32 v25, $0x10;
	v28 =	vld [tilespmem:s0+$0x0]  }
0xe0: {  	[tilespmem:v9+s18+$0x0] =	vst.idx.add.f32.msk $0xffff, v19  }
0xe1: {  	s0 =	sand.u32 $0x40, s28;
	v18 =	vunpack.i.l.bf16.f32 v7;
	v8 =	vunpack.i.l.bf16.f32 v20;
	[tilespmem:v9+s19+$0x0] =	vst.idx.add.f32.msk $0xffff, v21  }
0xe2: {  	s0 =	sor.u32 s0, s31;
	v19 =	vunpack.i.u.bf16.f32 v20;
	v20 =	vmul.f32 v8, v18;
	v21 =	vld.idx.msk [tilespmem:v22+s15+$0x0], $0xffff  }
0xe3: {  	v19 =	vmul.f32 v19, v18;
	v16 =	vld [tilespmem:s0+$0x30]  }
0xe4: {  	v8 =	vunpack.i.u.bf16.f32 v28;
	v25 =	vunpack.i.l.bf16.f32 v28;
	[tilespmem:v17+s18+$0x0] =	vst.idx.add.f32.msk $0xffff, v20;
	v20 =	vunpack.i.l.bf16.f32 v24  }
0xe5: {  	[tilespmem:v17+s19+$0x0] =	vst.idx.add.f32.msk $0xffff, v19;
	v19 =	vunpack.i.u.bf16.f32 v24;
	v22 =	vmul.f32 v20, v23  }
.Ltmp5:
0xe6: {  	v20 =	vld.idx.msk [tilespmem:v26+s15+$0x0], $0xffff;
	v19 =	vmul.f32 v19, v23;
	(pc) =	sbr.rel @p0 .LBB2_13-.Ltmp5, $4  }
0xe7: {  	[tilespmem:v27+s20+$0x0] =	vst.idx.add.f32.msk $0xffff, v22  }
0xe8: {  	v24 =	vunpack.i.u.bf16.f32 v21;
	v21 =	vunpack.i.l.bf16.f32 v21;
	[tilespmem:v27+s21+$0x0] =	vst.idx.add.f32.msk $0xffff, v19  }
0xe9: {  	v23 =	vmul.f32 v21, v14;
	v21 =	vmul.f32 v24, v14;
	v14 =	vmov v25;
	v22 =	vld [tilespmem:s0+$0x0]  }
0xea: {  	s30 =	sadd.s32 $0x80, s30;
	v19 =	vld [tilespmem:s0+$0x10]  }
0xeb: {  	_ =	sdelay $0x2  }
0xec: {  	v24 =	vand.u32 $0xFFFF, v22;
	_ =	sdelay $0x4  }
0xed: {  	v25 =	vld.idx.msk [tilespmem:v24+s2+$0x0], $0xffff;
	_ =	sdelay $0x2  }
0xee: {  	v38 =	vshrl.u32 v22, $0x10;
	_ =	sdelay $0x1  }
0xef: {  	v26 =	vunpack.i.l.bf16.f32 v25  }
0xf0: {  	v25 =	vunpack.i.u.bf16.f32 v25;
	v26 =	vmul.f32 v26, v14  }
0xf1: {  	[tilespmem:v9+s20+$0x0] =	vst.idx.add.f32.msk $0xffff, v23;
	v25 =	vmul.f32 v25, v14  }
0xf2: {  	[tilespmem:v38+s18+$0x0] =	vst.idx.add.f32.msk $0xffff, v26  }
0xf3: {  	[tilespmem:v38+s19+$0x0] =	vst.idx.add.f32.msk $0xffff, v25  }
0xf4: {  	v24 =	vld.idx.msk [tilespmem:v24+s15+$0x0], $0xffff  }
0xf5: {  	v4 =	vld.idx.msk [tilespmem:v4+s15+$0x0], $0xffff  }
0xf6: {  	v39 =	vunpack.i.l.bf16.f32 v20;
	v40 =	vand.u32 $0xFFFF, v16;
	[tilespmem:v1+s20+$0x0] =	vst.idx.add.f32.msk $0xffff, v15  }
0xf7: {  	v41 =	vunpack.i.u.bf16.f32 v20;
	[tilespmem:v9+s21+$0x0] =	vst.idx.add.f32.msk $0xffff, v21;
	v26 =	vmul.f32 v39, v18  }
0xf8: {  	v42 =	vmul.f32 v41, v18;
	v45 =	vld.idx.msk [tilespmem:v10+s2+$0x0], $0xffff  }
0xf9: {  	v43 =	vand.u32 $0xFFFF, v19;
	[tilespmem:v17+s20+$0x0] =	vst.idx.add.f32.msk $0xffff, v26;
	v44 =	vunpack.i.l.bf16.f32 v24  }
0xfa: {  	[tilespmem:v17+s21+$0x0] =	vst.idx.add.f32.msk $0xffff, v42;
	v46 =	vunpack.i.u.bf16.f32 v24;
	v18 =	vmul.f32 v44, v14  }
0xfb: {  	v17 =	vld.idx.msk [tilespmem:v40+s2+$0x0], $0xffff;
	v48 =	vmul.f32 v46, v14  }
0xfc: {  	[tilespmem:v38+s20+$0x0] =	vst.idx.add.f32.msk $0xffff, v18  }
0xfd: {  	v53 =	vunpack.i.l.bf16.f32 v45;
	[tilespmem:v38+s21+$0x0] =	vst.idx.add.f32.msk $0xffff, v48  }
0xfe: {  	v47 =	vshrl.u32 v16, $0x10;
	v55 =	vunpack.i.u.bf16.f32 v45;
	v15 =	vmul.f32 v53, v6;
	v52 =	vld.idx.msk [tilespmem:v43+s2+$0x0], $0xffff  }
0xff: {  	[tilespmem:v1+s21+$0x0] =	vst.idx.add.f32.msk $0xffff, v13;
	v56 =	vmul.f32 v55, v6  }
0x100: {  	v7 =	vunpack.i.u.bf16.f32 v7;
	[tilespmem:v12+s18+$0x0] =	vst.idx.add.f32.msk $0xffff, v15;
	v49 =	vunpack.i.l.bf16.f32 v17  }
0x101: {  	v54 =	vshrl.u32 v19, $0x10;
	[tilespmem:v11+s19+$0x0] =	vst.idx.add.f32.msk $0xffff, v56;
	v50 =	vunpack.i.u.bf16.f32 v17;
	v51 =	vmul.f32 v49, v7  }
0x102: {  	v60 =	vld.idx.msk [tilespmem:v10+s15+$0x0], $0xffff;
	v14 =	vmul.f32 v50, v7  }
0x103: {  	[tilespmem:v47+s18+$0x0] =	vst.idx.add.f32.msk $0xffff, v51;
	v58 =	vunpack.i.l.bf16.f32 v52  }
0x104: {  	[tilespmem:v47+s19+$0x0] =	vst.idx.add.f32.msk $0xffff, v14;
	v59 =	vunpack.i.u.bf16.f32 v52;
	v12 =	vmul.f32 v58, v8  }
0x105: {  	v57 =	vld.idx.msk [tilespmem:v40+s15+$0x0], $0xffff;
	v11 =	vmul.f32 v59, v8  }
0x106: {  	[tilespmem:v54+s18+$0x0] =	vst.idx.add.f32.msk $0xffff, v12  }
0x107: {  	v1 =	vunpack.i.l.bf16.f32 v4;
	[tilespmem:v54+s19+$0x0] =	vst.idx.add.f32.msk $0xffff, v11  }
0x108: {  	v4 =	vunpack.i.u.bf16.f32 v4;
	v1 =	vmul.f32 v1, v3;
	v9 =	vld.idx.msk [tilespmem:v43+s15+$0x0], $0xffff  }
0x109: {  	v3 =	vmul.f32 v4, v3;
	v63 =	vunpack.i.l.bf16.f32 v60  }
0x10a: {  	[tilespmem:v2+s20+$0x0] =	vst.idx.add.f32.msk $0xffff, v1;
	v1 =	vunpack.i.u.bf16.f32 v60;
	v4 =	vmul.f32 v63, v6  }
0x10b: {  	[tilespmem:v2+s21+$0x0] =	vst.idx.add.f32.msk $0xffff, v3;
	v1 =	vmul.f32 v1, v6;
	v61 =	vunpack.i.l.bf16.f32 v57  }
0x10c: {  	p0 =	seq.s32 s25, $0x18;
	[tilespmem:v5+s20+$0x0] =	vst.idx.add.f32.msk $0xffff, v4;
	v62 =	vunpack.i.u.bf16.f32 v57;
	v12 =	vmul.f32 v61, v7  }
.Ltmp6:
0x10d: {  	[tilespmem:v5+s21+$0x0] =	vst.idx.add.f32.msk $0xffff, v1;
	v7 =	vmul.f32 v62, v7;
	v2 =	vunpack.i.l.bf16.f32 v9;
	(pc) =	sbr.rel @p0 .LBB2_20-.Ltmp6, $4  }
0x10e: {  	[tilespmem:v47+s20+$0x0] =	vst.idx.add.f32.msk $0xffff, v12;
	v3 =	vunpack.i.u.bf16.f32 v9;
	v2 =	vmul.f32 v2, v8  }
0x10f: {  	[tilespmem:v47+s21+$0x0] =	vst.idx.add.f32.msk $0xffff, v7;
	v1 =	vmul.f32 v3, v8  }
0x110: {  	[tilespmem:v54+s20+$0x0] =	vst.idx.add.f32.msk $0xffff, v2  }
0x111: {  	[tilespmem:v54+s21+$0x0] =	vst.idx.add.f32.msk $0xffff, v1  }
0x112: {  	s0 =	sadd.s32 $0x2, s26  }
0x113: {  	s1 =	smul.u32 $0x320, s0;
	_ =	sdelay $0x1  }
0x114: {  	s28 =	simm.s32 $0xED00;
	s26 =	sadd.s32 s3, s1  }
0x115: {  	s29 =	simm.s32 $0x10;
	s30 =	simm.s32 $0xEE00;
	s1 =	sadd.s32 $0x0, s26  }
.LBB2_16:
0x116: {  	[tilespmem:s28], [sflag:$0x1] =	stream.linear.gather [hbm4b:s1+s2], $0x80, $0x38;
	[tilespmem:$0x13800] =	vst v63  }
0x117: {  	s1 =	smov.u32 s29;
	s28 =	smov.u32 s30;
	p0 =	sne.s32 s29, $0x310  }
.Ltmp7:
0x118: {  	s29 =	sadd.s32 $0x10, s29;
	(pc) =	sbr.rel @p0 .LBB2_16-.Ltmp7, $2  }
0x119: {  	_ =	sdelay $0x2  }
0x11a: {  	s30 =	sadd.s32 $0x100, s30;
	s1 =	sadd.s32 s1, s26  }
0x11b: {  	s0 =	smul.u32 $0x190, s0  }
0x11c: {  	[tilespmem:s28], [sflag:$0x1] =	stream.linear.gather [hbm4b:s1+s2], $0x80, $0x38;
	[tilespmem:$0x13800] =	vst v63  }
0x11d: {  	s26 =	simm.s32 $0x11F00;
	s0 =	sadd.s32 s4, s0  }
0x11e: {  	s28 =	simm.s32 $0x10;
	s29 =	simm.s32 $0x12000;
	s1 =	sadd.s32 $0x0, s0  }
.LBB2_18:
0x11f: {  	[tilespmem:s26], [sflag:$0x3] =	stream.linear.gather [hbm4b:s1+s2], $0x80, $0x38;
	[tilespmem:$0x13800] =	vst v63  }
0x120: {  	s1 =	smov.u32 s28;
	s26 =	smov.u32 s29;
	p0 =	sne.s32 s28, $0x180  }
.Ltmp8:
0x121: {  	s28 =	sadd.s32 $0x10, s28;
	(pc) =	sbr.rel @p0 .LBB2_18-.Ltmp8, $2  }
0x122: {  	_ =	sdelay $0x2  }
0x123: {  	s29 =	sadd.s32 $0x100, s29;
	s1 =	sadd.s32 s1, s0  }
0x124: {  	[tilespmem:s26], [sflag:$0x3] =	stream.linear.gather [hbm4b:s1+s2], $0x80, $0x38;
	[tilespmem:$0x13800] =	vst v63  }
.LBB2_20:
0x125: {  	_ =	swait.ge [sflag:s22], $0x1900  }
0x126: {  	s0 =	simm.s32 $0x0;
	[sflag:s22] =	ssyncset.done $0x0  }
0x127: {  	s0 =	sand.u32 $0x3, s0;
	[sflag:s22] =	ssyncadd.s32 $0xFFFFE700  }
0x128: {  	s0 =	sshll.u32 s0, $0x5;
	_ =	swait.ge [sflag:s23], $0xC80  }
0x129: {  	s0 =	sadd.s32 $0x20, s0;
	[sflag:s23] =	ssyncset.done $0x0  }
0x12a: {  	s0 =	sor.u32 $0x80, s0;
	[sflag:s23] =	ssyncadd.s32 $0xFFFFF380  }
0x12b: {  	v1 =	vld [tilespmem:s0+$0xED00];
	_ =	sdelay $0x4  }
0x12c: {  	s5 =	simm.s32 $0x0;
	v2 =	vand.u32 $0xFFFF, v1  }
0x12d: {  	s1 =	simm.s32 $0x10;
	s0 =	sand.u32 $0x1F00, s5  }
0x12e: {  	s1 =	sand.u32 $0x70, s1;
	s0 =	sadd.s32 $0x11F00, s0  }
0x12f: {  	s1 =	sor.u32 s1, s0  }
0x130: {  	v3 =	vld [tilespmem:s1+$0x80]  }
0x131: {  	v4 =	vld.idx.msk [tilespmem:v2+s2+$0x0], $0xffff;
	_ =	sdelay $0x1  }
0x132: {  	p0 =	por $0x0, $0x0;
	s1 =	simm.s32 $0x1  }
0x133: {  	s1 =	simm.s32 @!p0 $0x0;
	v1 =	vshrl.u32 v1, $0x10  }
0x134: {  	s1 =	sshll.u32 s1, $0x6  }
0x135: {  	s1 =	sadd.s32 $0x0, s1;
	v5 =	vunpack.i.l.bf16.f32 v3;
	v6 =	vunpack.i.l.bf16.f32 v4  }
0x136: {  	s5 =	sor.u32 $0xB0, s1;
	v4 =	vunpack.i.u.bf16.f32 v4;
	v6 =	vmul.f32 v6, v5  }
0x137: {  	v7 =	vld [tilespmem:s5+$0xED00];
	v4 =	vmul.f32 v4, v5  }
0x138: {  	[tilespmem:v1+s18+$0x0] =	vst.idx.add.f32.msk $0xffff, v6  }
0x139: {  	[tilespmem:v1+s19+$0x0] =	vst.idx.add.f32.msk $0xffff, v4  }
0x13a: {  	v2 =	vld.idx.msk [tilespmem:v2+s15+$0x0], $0xffff;
	_ =	sdelay $0x1  }
0x13b: {  	s26 =	simm.s32 $0x2;
	s5 =	sor.u32 $0x80, s1  }
0x13c: {  	s26 =	sand.u32 $0x3, s26;
	v4 =	vld [tilespmem:s5+$0xED00]  }
0x13d: {  	s5 =	sshll.u32 s26, $0x5  }
0x13e: {  	v8 =	vand.u32 $0xFFFF, v7;
	s5 =	sadd.s32 $0xA0, s5;
	v6 =	vunpack.i.l.bf16.f32 v2  }
0x13f: {  	s5 =	sor.u32 $0x80, s5;
	v2 =	vunpack.i.u.bf16.f32 v2;
	v6 =	vmul.f32 v6, v5  }
0x140: {  	v9 =	vld [tilespmem:s5+$0xED00];
	v2 =	vmul.f32 v2, v5  }
0x141: {  	v5 =	vand.u32 $0xFFFF, v4;
	[tilespmem:v1+s20+$0x0] =	vst.idx.add.f32.msk $0xffff, v6  }
0x142: {  	s26 =	simm.s32 $0x0;
	[tilespmem:v1+s21+$0x0] =	vst.idx.add.f32.msk $0xffff, v2  }
0x143: {  	s5 =	sand.u32 $0x60, s26;
	v1 =	vld.idx.msk [tilespmem:v8+s2+$0x0], $0xffff  }
0x144: {  	s0 =	sor.u32 s5, s0  }
0x145: {  	s5 =	simm.s32 $0x40;
	v6 =	vand.u32 $0xFFFF, v9;
	v2 =	vld [tilespmem:s0+$0x80]  }
0x146: {  	v7 =	vshrl.u32 v7, $0x10;
	s26 =	simm.s32 $0x30;
	s0 =	sand.u32 $0x1F00, s5;
	v10 =	vld.idx.msk [tilespmem:v5+s2+$0x0], $0xffff  }
0x147: {  	s1 =	sor.u32 $0x90, s1;
	s5 =	sand.u32 $0x70, s26;
	s0 =	sadd.s32 $0x11F00, s0  }
0x148: {  	v3 =	vunpack.i.u.bf16.f32 v3;
	v11 =	vld [tilespmem:s1+$0xED00];
	s5 =	sor.u32 s5, s0;
	v12 =	vunpack.i.l.bf16.f32 v1  }
0x149: {  	v4 =	vshrl.u32 v4, $0x10;
	v13 =	vld [tilespmem:s5+$0x80];
	v1 =	vunpack.i.u.bf16.f32 v1;
	v12 =	vmul.f32 v12, v3  }
0x14a: {  	v14 =	vld.idx.msk [tilespmem:v6+s2+$0x0], $0xffff;
	v1 =	vmul.f32 v1, v3  }
0x14b: {  	v15 =	vunpack.i.l.bf16.f32 v2;
	v16 =	vunpack.i.l.bf16.f32 v10;
	[tilespmem:v7+s18+$0x0] =	vst.idx.add.f32.msk $0xffff, v12  }
0x14c: {  	p0 =	por !p0, !p0;
	s1 =	simm.s32 $0x1;
	v10 =	vunpack.i.u.bf16.f32 v10;
	v12 =	vmul.f32 v16, v15;
	[tilespmem:v7+s19+$0x0] =	vst.idx.add.f32.msk $0xffff, v1  }
0x14d: {  	s1 =	simm.s32 @!p0 $0x0;
	v9 =	vshrl.u32 v9, $0x10;
	v1 =	vmul.f32 v10, v15;
	v8 =	vld.idx.msk [tilespmem:v8+s15+$0x0], $0xffff  }
0x14e: {  	s1 =	sshll.u32 s1, $0x6;
	[tilespmem:v4+s18+$0x0] =	vst.idx.add.f32.msk $0xffff, v12  }
0x14f: {  	s1 =	sadd.s32 $0x80, s1;
	v10 =	vunpack.i.l.bf16.f32 v13;
	v12 =	vunpack.i.l.bf16.f32 v14;
	[tilespmem:v4+s19+$0x0] =	vst.idx.add.f32.msk $0xffff, v1  }
0x150: {  	s26 =	sor.u32 $0xB0, s1;
	v1 =	vunpack.i.u.bf16.f32 v14;
	v12 =	vmul.f32 v12, v10;
	v5 =	vld.idx.msk [tilespmem:v5+s15+$0x0], $0xffff  }
0x151: {  	v14 =	vld [tilespmem:s26+$0xED00];
	v1 =	vmul.f32 v1, v10  }
0x152: {  	s26 =	simm.s32 $0x20;
	[tilespmem:v9+s18+$0x0] =	vst.idx.add.f32.msk $0xffff, v12  }
0x153: {  	s5 =	sand.u32 $0x60, s26;
	[tilespmem:v9+s19+$0x0] =	vst.idx.add.f32.msk $0xffff, v1;
	v12 =	vunpack.i.l.bf16.f32 v8  }
0x154: {  	s0 =	sor.u32 s5, s0;
	v6 =	vld.idx.msk [tilespmem:v6+s15+$0x0], $0xffff;
	v1 =	vmul.f32 v12, v3  }
0x155: {  	v16 =	vld [tilespmem:s0+$0x80];
	v12 =	vand.u32 $0xFFFF, v11;
	v17 =	vunpack.i.l.bf16.f32 v5  }
0x156: {  	s26 =	simm.s32 $0x4;
	s5 =	sor.u32 $0x80, s1;
	[tilespmem:v7+s20+$0x0] =	vst.idx.add.f32.msk $0xffff, v1;
	v1 =	vunpack.i.u.bf16.f32 v5;
	v5 =	vmul.f32 v17, v15  }
0x157: {  	v17 =	vld [tilespmem:s5+$0xED00];
	s5 =	sand.u32 $0x3, s26;
	v1 =	vmul.f32 v1, v15  }
0x158: {  	s0 =	sshll.u32 s5, $0x5;
	[tilespmem:v4+s20+$0x0] =	vst.idx.add.f32.msk $0xffff, v5  }
0x159: {  	v15 =	vand.u32 $0xFFFF, v14;
	s0 =	sadd.s32 $0x120, s0;
	v5 =	vunpack.i.l.bf16.f32 v6;
	[tilespmem:v4+s21+$0x0] =	vst.idx.add.f32.msk $0xffff, v1  }
0x15a: {  	s0 =	sor.u32 $0x80, s0;
	v1 =	vunpack.i.u.bf16.f32 v6;
	v4 =	vmul.f32 v5, v10;
	v5 =	vld.idx.msk [tilespmem:v12+s2+$0x0], $0xffff  }
0x15b: {  	v6 =	vld [tilespmem:s0+$0xED00];
	v10 =	vmul.f32 v1, v10  }
0x15c: {  	v8 =	vunpack.i.u.bf16.f32 v8;
	v18 =	vand.u32 $0xFFFF, v17;
	[tilespmem:v9+s20+$0x0] =	vst.idx.add.f32.msk $0xffff, v4  }
0x15d: {  	v3 =	vmul.f32 v8, v3;
	v1 =	vshrl.u32 v11, $0x10;
	[tilespmem:v9+s21+$0x0] =	vst.idx.add.f32.msk $0xffff, v10  }
0x15e: {  	v4 =	vld.idx.msk [tilespmem:v15+s2+$0x0], $0xffff  }
0x15f: {  	s26 =	sor.u32 $0x90, s1;
	[tilespmem:v7+s21+$0x0] =	vst.idx.add.f32.msk $0xffff, v3;
	v10 =	vunpack.i.u.bf16.f32 v2;
	v2 =	vunpack.i.l.bf16.f32 v5  }
0x160: {  	s1 =	simm.s32 $0x80;
	v3 =	vld [tilespmem:s26+$0xED00];
	v5 =	vunpack.i.u.bf16.f32 v5;
	v7 =	vand.u32 $0xFFFF, v6;
	v2 =	vmul.f32 v2, v10  }
0x161: {  	s5 =	simm.s32 $0x50;
	s0 =	sand.u32 $0x1F00, s1;
	v9 =	vshrl.u32 v14, $0x10;
	v8 =	vld.idx.msk [tilespmem:v18+s2+$0x0], $0xffff;
	v5 =	vmul.f32 v5, v10  }
0x162: {  	s1 =	sand.u32 $0x70, s5;
	s0 =	sadd.s32 $0x11F00, s0;
	[tilespmem:v1+s18+$0x0] =	vst.idx.add.f32.msk $0xffff, v2  }
0x163: {  	s1 =	sor.u32 s1, s0;
	v2 =	vunpack.i.u.bf16.f32 v13;
	v11 =	vunpack.i.l.bf16.f32 v4;
	[tilespmem:v1+s19+$0x0] =	vst.idx.add.f32.msk $0xffff, v5  }
0x164: {  	s26 =	simm.s32 $0x40;
	v5 =	vld [tilespmem:s1+$0x80];
	v11 =	vmul.f32 v11, v2  }
0x165: {  	v4 =	vunpack.i.u.bf16.f32 v4;
	v13 =	vshrl.u32 v17, $0x10;
	s1 =	sand.u32 $0x60, s26;
	v14 =	vld.idx.msk [tilespmem:v7+s2+$0x0], $0xffff  }
0x166: {  	v4 =	vmul.f32 v4, v2;
	s0 =	sor.u32 s1, s0;
	[tilespmem:v9+s18+$0x0] =	vst.idx.add.f32.msk $0xffff, v11  }
0x167: {  	v11 =	vunpack.i.l.bf16.f32 v16;
	v17 =	vunpack.i.l.bf16.f32 v8;
	v19 =	vld [tilespmem:s0+$0x80]  }
0x168: {  	p0 =	por !p0, !p0;
	s1 =	simm.s32 $0x1;
	[tilespmem:v9+s19+$0x0] =	vst.idx.add.f32.msk $0xffff, v4;
	v4 =	vunpack.i.u.bf16.f32 v8;
	v8 =	vmul.f32 v17, v11  }
0x169: {  	v6 =	vshrl.u32 v6, $0x10;
	s1 =	simm.s32 @!p0 $0x0;
	v15 =	vld.idx.msk [tilespmem:v15+s15+$0x0], $0xffff;
	v4 =	vmul.f32 v4, v11  }
0x16a: {  	s5 =	sshll.u32 s1, $0x6;
	[tilespmem:v13+s18+$0x0] =	vst.idx.add.f32.msk $0xffff, v8  }
0x16b: {  	s0 =	sadd.s32 $0x100, s5;
	v8 =	vunpack.i.l.bf16.f32 v5;
	v17 =	vunpack.i.l.bf16.f32 v14;
	[tilespmem:v13+s19+$0x0] =	vst.idx.add.f32.msk $0xffff, v4  }
0x16c: {  	s26 =	sor.u32 $0xB0, s0;
	v4 =	vunpack.i.u.bf16.f32 v14;
	v14 =	vmul.f32 v17, v8;
	v17 =	vld.idx.msk [tilespmem:v18+s15+$0x0], $0xffff  }
0x16d: {  	v18 =	vld [tilespmem:s26+$0xED00];
	v4 =	vmul.f32 v4, v8  }
0x16e: {  	[tilespmem:v6+s18+$0x0] =	vst.idx.add.f32.msk $0xffff, v14;
	v14 =	vunpack.i.l.bf16.f32 v15  }
0x16f: {  	[tilespmem:v6+s19+$0x0] =	vst.idx.add.f32.msk $0xffff, v4;
	v4 =	vunpack.i.u.bf16.f32 v15;
	v14 =	vmul.f32 v14, v2  }
0x170: {  	v7 =	vld.idx.msk [tilespmem:v7+s15+$0x0], $0xffff;
	v2 =	vmul.f32 v4, v2  }
0x171: {  	v4 =	vand.u32 $0xFFFF, v3;
	[tilespmem:v9+s20+$0x0] =	vst.idx.add.f32.msk $0xffff, v14;
	v14 =	vunpack.i.l.bf16.f32 v17  }
0x172: {  	s5 =	sor.u32 $0x80, s0;
	s26 =	simm.s32 $0x6;
	v15 =	vunpack.i.u.bf16.f32 v17;
	[tilespmem:v9+s21+$0x0] =	vst.idx.add.f32.msk $0xffff, v2;
	v2 =	vmul.f32 v14, v11  }
0x173: {  	s26 =	sand.u32 $0x3, s26;
	v9 =	vld [tilespmem:s5+$0xED00];
	v11 =	vmul.f32 v15, v11  }
0x174: {  	s1 =	sshll.u32 s26, $0x5;
	[tilespmem:v13+s20+$0x0] =	vst.idx.add.f32.msk $0xffff, v2  }
0x175: {  	s1 =	sadd.s32 $0x1A0, s1;
	[tilespmem:v13+s21+$0x0] =	vst.idx.add.f32.msk $0xffff, v11  }
0x176: {  	s1 =	sor.u32 $0x80, s1;
	v14 =	vand.u32 $0xFFFF, v18;
	v2 =	vunpack.i.l.bf16.f32 v7;
	v11 =	vld.idx.msk [tilespmem:v4+s2+$0x0], $0xffff  }
0x177: {  	v7 =	vunpack.i.u.bf16.f32 v7;
	v13 =	vld [tilespmem:s1+$0xED00];
	v2 =	vmul.f32 v2, v8  }
0x178: {  	v12 =	vld.idx.msk [tilespmem:v12+s15+$0x0], $0xffff;
	v7 =	vmul.f32 v7, v8;
	v15 =	vand.u32 $0xFFFF, v9  }
0x179: {  	[tilespmem:v6+s20+$0x0] =	vst.idx.add.f32.msk $0xffff, v2;
	v2 =	vshrl.u32 v3, $0x10  }
0x17a: {  	[tilespmem:v6+s21+$0x0] =	vst.idx.add.f32.msk $0xffff, v7  }
0x17b: {  	s0 =	sor.u32 $0x90, s0;
	s26 =	simm.s32 $0xC0;
	v3 =	vunpack.i.u.bf16.f32 v16;
	v6 =	vld.idx.msk [tilespmem:v14+s2+$0x0], $0xffff;
	v7 =	vunpack.i.l.bf16.f32 v11  }
0x17c: {  	s28 =	simm.s32 $0x70;
	v20 =	vld [tilespmem:s0+$0xED00];
	s1 =	sand.u32 $0x1F00, s26;
	v8 =	vunpack.i.u.bf16.f32 v11;
	v11 =	vand.u32 $0xFFFF, v13;
	v7 =	vmul.f32 v7, v3  }
0x17d: {  	s5 =	sand.u32 $0x70, s28;
	s0 =	sadd.s32 $0x11F00, s1;
	v16 =	vld.idx.msk [tilespmem:v15+s2+$0x0], $0xffff  }
0x17e: {  	v21 =	vshrl.u32 v18, $0x10;
	s1 =	sor.u32 s5, s0;
	v8 =	vmul.f32 v8, v3;
	[tilespmem:v2+s18+$0x0] =	vst.idx.add.f32.msk $0xffff, v7  }
0x17f: {  	s5 =	simm.s32 $0x60;
	v7 =	vld [tilespmem:s1+$0x80]  }
0x180: {  	v22 =	vunpack.i.u.bf16.f32 v5;
	s1 =	sand.u32 $0x60, s5;
	v5 =	vunpack.i.l.bf16.f32 v6;
	[tilespmem:v2+s19+$0x0] =	vst.idx.add.f32.msk $0xffff, v8  }
0x181: {  	v6 =	vunpack.i.u.bf16.f32 v6;
	v8 =	vshrl.u32 v9, $0x10;
	s0 =	sor.u32 s1, s0;
	v5 =	vmul.f32 v5, v22;
	v9 =	vld.idx.msk [tilespmem:v11+s2+$0x0], $0xffff  }
0x182: {  	v6 =	vmul.f32 v6, v22;
	v24 =	vld [tilespmem:s0+$0x80]  }
0x183: {  	v23 =	vunpack.i.l.bf16.f32 v19;
	[tilespmem:v21+s18+$0x0] =	vst.idx.add.f32.msk $0xffff, v5;
	v5 =	vunpack.i.l.bf16.f32 v16  }
0x184: {  	p0 =	por !p0, !p0;
	s1 =	simm.s32 $0x1;
	[tilespmem:v21+s19+$0x0] =	vst.idx.add.f32.msk $0xffff, v6;
	v6 =	vunpack.i.u.bf16.f32 v16;
	v5 =	vmul.f32 v5, v23  }
0x185: {  	v17 =	vshrl.u32 v13, $0x10;
	s1 =	simm.s32 @!p0 $0x0;
	v14 =	vld.idx.msk [tilespmem:v14+s15+$0x0], $0xffff;
	v6 =	vmul.f32 v6, v23  }
0x186: {  	s1 =	sshll.u32 s1, $0x6;
	[tilespmem:v8+s18+$0x0] =	vst.idx.add.f32.msk $0xffff, v5  }
0x187: {  	s0 =	sadd.s32 $0x180, s1;
	v18 =	vunpack.i.l.bf16.f32 v7;
	v5 =	vunpack.i.l.bf16.f32 v9;
	[tilespmem:v8+s19+$0x0] =	vst.idx.add.f32.msk $0xffff, v6  }
0x188: {  	s5 =	sor.u32 $0xB0, s0;
	v6 =	vunpack.i.u.bf16.f32 v9;
	v5 =	vmul.f32 v5, v18;
	v25 =	vld.idx.msk [tilespmem:v15+s15+$0x0], $0xffff  }
0x189: {  	v16 =	vld [tilespmem:s5+$0xED00];
	v9 =	vmul.f32 v6, v18  }
0x18a: {  	[tilespmem:v17+s18+$0x0] =	vst.idx.add.f32.msk $0xffff, v5;
	v13 =	vunpack.i.l.bf16.f32 v14  }
0x18b: {  	v6 =	vunpack.i.u.bf16.f32 v19;
	[tilespmem:v17+s19+$0x0] =	vst.idx.add.f32.msk $0xffff, v9;
	v9 =	vunpack.i.u.bf16.f32 v14;
	v14 =	vmul.f32 v13, v22  }
0x18c: {  	v13 =	vunpack.i.u.bf16.f32 v12;
	v12 =	vunpack.i.l.bf16.f32 v12;
	v19 =	vld.idx.msk [tilespmem:v11+s15+$0x0], $0xffff;
	v11 =	vmul.f32 v9, v22  }
0x18d: {  	v15 =	vmul.f32 v12, v10;
	v12 =	vunpack.i.u.bf16.f32 v25  }
0x18e: {  	v5 =	vshrl.u32 v20, $0x10;
	v9 =	vand.u32 $0xFFFF, v20;
	[tilespmem:v21+s20+$0x0] =	vst.idx.add.f32.msk $0xffff, v14  }
0x18f: {  	s29 =	simm.s32 $0x1A0;
	s5 =	sor.u32 $0x80, s0;
	v13 =	vmul.f32 v13, v10;
	v10 =	vunpack.i.u.bf16.f32 v24;
	v20 =	vunpack.i.l.bf16.f32 v25;
	[tilespmem:v21+s21+$0x0] =	vst.idx.add.f32.msk $0xffff, v11  }
0x190: {  	s30 =	simm.s32 $0x180;
	s31 =	simm.s32 $0x8;
	s0 =	sor.u32 $0x90, s0;
	v14 =	vunpack.i.l.bf16.f32 v24;
	v21 =	vld [tilespmem:s5+$0xED00];
	v22 =	vmul.f32 v20, v23;
	v20 =	vmul.f32 v12, v23;
	v11 =	vmovc v5;
	v12 =	vmovc v5  }
.LBB2_21:
0x191: {  	s1 =	sand.u32 $0x3, s31;
	v23 =	vld [tilespmem:s0+$0xED00]  }
0x192: {  	s29 =	sadd.s32 $0x80, s29;
	s0 =	sshll.u32 s1, $0x5;
	[tilespmem:v8+s20+$0x0] =	vst.idx.add.f32.msk $0xffff, v22  }
0x193: {  	v24 =	vand.u32 $0xFFFF, v16;
	v22 =	vunpack.i.l.bf16.f32 v19;
	s0 =	sadd.s32 s0, s29;
	[tilespmem:v8+s21+$0x0] =	vst.idx.add.f32.msk $0xffff, v20  }
0x194: {  	v19 =	vunpack.i.u.bf16.f32 v19;
	v20 =	vmul.f32 v22, v18;
	s0 =	sor.u32 $0x80, s0;
	v22 =	vld.idx.msk [tilespmem:v9+s2+$0x0], $0xffff  }
0x195: {  	v18 =	vmul.f32 v19, v18;
	v25 =	vld [tilespmem:s0+$0xED00];
	v8 =	vshrl.u32 v21, $0x10;
	v21 =	vand.u32 $0xFFFF, v21  }
0x196: {  	v19 =	vshrl.u32 v23, $0x10;
	v23 =	vand.u32 $0xFFFF, v23;
	[tilespmem:v17+s20+$0x0] =	vst.idx.add.f32.msk $0xffff, v20  }
0x197: {  	[tilespmem:v17+s21+$0x0] =	vst.idx.add.f32.msk $0xffff, v18  }
0x198: {  	v17 =	vld.idx.msk [tilespmem:v24+s2+$0x0], $0xffff  }
0x199: {  	v18 =	vld.idx.msk [tilespmem:v4+s15+$0x0], $0xffff;
	v4 =	vmov v9;
	v9 =	vmov v23  }
0x19a: {  	v23 =	vunpack.i.u.bf16.f32 v22;
	v22 =	vunpack.i.l.bf16.f32 v22;
	v20 =	vld.idx.msk [tilespmem:v21+s2+$0x0], $0xffff  }
0x19b: {  	s26 =	sadd.s32 $0x40, s26;
	v26 =	vand.u32 $0xFFFF, v25;
	v22 =	vmul.f32 v22, v6;
	v23 =	vmul.f32 v23, v6;
	[tilespmem:v1+s20+$0x0] =	vst.idx.add.f32.msk $0xffff, v15  }
0x19c: {  	v27 =	vshrl.u32 v16, $0x10;
	s28 =	sadd.s32 $0x20, s28;
	p1 =	slt.u32 s26, $0x18C0;
	s0 =	sand.u32 $0x1F00, s26;
	[tilespmem:v1+s21+$0x0] =	vst.idx.add.f32.msk $0xffff, v13;
	v1 =	vmovc v2;
	v2 =	vmov v5;
	v5 =	vmov v19  }
0x19d: {  	s1 =	sadd.s32 $0xFFFFFFF0, s28;
	s5 =	sand.u32 $0x70, s28;
	s0 =	sadd.s32 $0x11F00, s0;
	[tilespmem:v12+s18+$0x0] =	vst.idx.add.f32.msk $0xffff, v22;
	v12 =	vmov v19  }
0x19e: {  	s1 =	sand.u32 $0x60, s1;
	s5 =	sor.u32 s5, s0;
	v22 =	vunpack.i.u.bf16.f32 v7;
	v13 =	vunpack.i.l.bf16.f32 v17;
	[tilespmem:v11+s19+$0x0] =	vst.idx.add.f32.msk $0xffff, v23;
	v11 =	vmov v19  }
0x19f: {  	s0 =	sor.u32 s1, s0;
	v15 =	vunpack.i.u.bf16.f32 v17;
	v13 =	vmul.f32 v13, v22;
	v16 =	vunpack.i.u.bf16.f32 v18;
	v7 =	vld [tilespmem:s5+$0x80]  }
0x1a0: {  	v15 =	vmul.f32 v15, v22;
	v17 =	vunpack.i.u.bf16.f32 v20;
	v20 =	vunpack.i.l.bf16.f32 v20;
	v19 =	vld.idx.msk [tilespmem:v26+s2+$0x0], $0xffff  }
0x1a1: {  	v20 =	vmul.f32 v20, v14;
	v23 =	vmul.f32 v17, v14;
	[tilespmem:v27+s18+$0x0] =	vst.idx.add.f32.msk $0xffff, v13;
	v13 =	vunpack.i.l.bf16.f32 v18  }
0x1a2: {  	[tilespmem:v27+s19+$0x0] =	vst.idx.add.f32.msk $0xffff, v15;
	v15 =	vmul.f32 v13, v3;
	v13 =	vmul.f32 v16, v3;
	v3 =	vmov v6  }
0x1a3: {  	p0 =	por !p0, !p0;
	s1 =	simm.s32 $0x1;
	v6 =	vmov v10;
	v24 =	vld.idx.msk [tilespmem:v24+s15+$0x0], $0xffff  }
0x1a4: {  	s1 =	simm.s32 @!p0 $0x0;
	v17 =	vshrl.u32 v25, $0x10;
	v28 =	vld [tilespmem:s0+$0x80]  }
0x1a5: {  	s30 =	sadd.s32 $0x80, s30;
	s0 =	sshll.u32 s1, $0x6;
	[tilespmem:v8+s18+$0x0] =	vst.idx.add.f32.msk $0xffff, v20  }
0x1a6: {  	v18 =	vunpack.i.l.bf16.f32 v7;
	s1 =	sadd.s32 s0, s30;
	v10 =	vunpack.i.l.bf16.f32 v19;
	[tilespmem:v8+s19+$0x0] =	vst.idx.add.f32.msk $0xffff, v23  }
0x1a7: {  	v19 =	vunpack.i.u.bf16.f32 v19;
	s5 =	sor.u32 $0x80, s1;
	s0 =	sor.u32 $0x90, s1;
	s1 =	sor.u32 $0xB0, s1;
	v20 =	vmul.f32 v10, v18;
	v21 =	vld.idx.msk [tilespmem:v21+s15+$0x0], $0xffff  }
0x1a8: {  	v19 =	vmul.f32 v19, v18;
	v16 =	vld [tilespmem:s1+$0xED00]  }
0x1a9: {  	v10 =	vunpack.i.u.bf16.f32 v28;
	v23 =	vunpack.i.l.bf16.f32 v28;
	[tilespmem:v17+s18+$0x0] =	vst.idx.add.f32.msk $0xffff, v20;
	v20 =	vunpack.i.l.bf16.f32 v24  }
.Ltmp9:
0x1aa: {  	v24 =	vunpack.i.u.bf16.f32 v24;
	[tilespmem:v17+s19+$0x0] =	vst.idx.add.f32.msk $0xffff, v19;
	v20 =	vmul.f32 v20, v22;
	(pc) =	sbr.rel @p1 .LBB2_21-.Ltmp9, $4  }
0x1ab: {  	v22 =	vmul.f32 v24, v22;
	v19 =	vld.idx.msk [tilespmem:v26+s15+$0x0], $0xffff  }
0x1ac: {  	[tilespmem:v27+s20+$0x0] =	vst.idx.add.f32.msk $0xffff, v20  }
0x1ad: {  	v20 =	vunpack.i.u.bf16.f32 v21;
	v24 =	vunpack.i.l.bf16.f32 v21;
	[tilespmem:v27+s21+$0x0] =	vst.idx.add.f32.msk $0xffff, v22  }
0x1ae: {  	s31 =	sadd.s32 $0x2, s31;
	v22 =	vmul.f32 v24, v14;
	v20 =	vmul.f32 v20, v14;
	v14 =	vmov v23;
	v21 =	vld [tilespmem:s5+$0xED00]  }
0x1af: {  	_ =	sdelay $0x3  }
0x1b0: {  	v23 =	vand.u32 $0xFFFF, v21;
	_ =	sdelay $0x4  }
0x1b1: {  	v24 =	vld.idx.msk [tilespmem:v23+s2+$0x0], $0xffff;
	_ =	sdelay $0x2  }
0x1b2: {  	v39 =	vshrl.u32 v21, $0x10;
	_ =	sdelay $0x1  }
0x1b3: {  	v25 =	vunpack.i.l.bf16.f32 v24  }
0x1b4: {  	v26 =	vld [tilespmem:s0+$0xED00];
	v24 =	vunpack.i.u.bf16.f32 v24;
	v25 =	vmul.f32 v25, v14  }
0x1b5: {  	v4 =	vld.idx.msk [tilespmem:v4+s15+$0x0], $0xffff;
	v24 =	vmul.f32 v24, v14  }
0x1b6: {  	[tilespmem:v39+s18+$0x0] =	vst.idx.add.f32.msk $0xffff, v25  }
0x1b7: {  	[tilespmem:v39+s19+$0x0] =	vst.idx.add.f32.msk $0xffff, v24  }
0x1b8: {  	v23 =	vld.idx.msk [tilespmem:v23+s15+$0x0], $0xffff  }
0x1b9: {  	[tilespmem:v1+s20+$0x0] =	vst.idx.add.f32.msk $0xffff, v15  }
0x1ba: {  	v41 =	vand.u32 $0xFFFF, v16;
	v40 =	vunpack.i.l.bf16.f32 v19;
	[tilespmem:v8+s20+$0x0] =	vst.idx.add.f32.msk $0xffff, v22  }
0x1bb: {  	v42 =	vunpack.i.u.bf16.f32 v19;
	[tilespmem:v8+s21+$0x0] =	vst.idx.add.f32.msk $0xffff, v20;
	v25 =	vmul.f32 v40, v18  }
0x1bc: {  	v43 =	vmul.f32 v42, v18;
	v46 =	vld.idx.msk [tilespmem:v9+s2+$0x0], $0xffff  }
0x1bd: {  	v44 =	vand.u32 $0xFFFF, v26;
	[tilespmem:v17+s20+$0x0] =	vst.idx.add.f32.msk $0xffff, v25;
	v45 =	vunpack.i.l.bf16.f32 v23  }
0x1be: {  	[tilespmem:v17+s21+$0x0] =	vst.idx.add.f32.msk $0xffff, v43;
	v47 =	vunpack.i.u.bf16.f32 v23;
	v18 =	vmul.f32 v45, v14  }
0x1bf: {  	v17 =	vld.idx.msk [tilespmem:v41+s2+$0x0], $0xffff;
	v49 =	vmul.f32 v47, v14  }
0x1c0: {  	[tilespmem:v39+s20+$0x0] =	vst.idx.add.f32.msk $0xffff, v18  }
0x1c1: {  	v54 =	vunpack.i.l.bf16.f32 v46;
	[tilespmem:v39+s21+$0x0] =	vst.idx.add.f32.msk $0xffff, v49  }
0x1c2: {  	v48 =	vshrl.u32 v16, $0x10;
	v19 =	vunpack.i.u.bf16.f32 v46;
	v15 =	vmul.f32 v54, v6;
	v53 =	vld.idx.msk [tilespmem:v44+s2+$0x0], $0xffff  }
0x1c3: {  	[tilespmem:v1+s21+$0x0] =	vst.idx.add.f32.msk $0xffff, v13;
	v56 =	vmul.f32 v19, v6  }
0x1c4: {  	v7 =	vunpack.i.u.bf16.f32 v7;
	[tilespmem:v12+s18+$0x0] =	vst.idx.add.f32.msk $0xffff, v15;
	v50 =	vunpack.i.l.bf16.f32 v17  }
0x1c5: {  	v55 =	vshrl.u32 v26, $0x10;
	[tilespmem:v11+s19+$0x0] =	vst.idx.add.f32.msk $0xffff, v56;
	v51 =	vunpack.i.u.bf16.f32 v17;
	v52 =	vmul.f32 v50, v7  }
0x1c6: {  	v60 =	vld.idx.msk [tilespmem:v9+s15+$0x0], $0xffff;
	v14 =	vmul.f32 v51, v7  }
0x1c7: {  	[tilespmem:v48+s18+$0x0] =	vst.idx.add.f32.msk $0xffff, v52;
	v58 =	vunpack.i.l.bf16.f32 v53  }
0x1c8: {  	[tilespmem:v48+s19+$0x0] =	vst.idx.add.f32.msk $0xffff, v14;
	v59 =	vunpack.i.u.bf16.f32 v53;
	v12 =	vmul.f32 v58, v10  }
0x1c9: {  	v57 =	vld.idx.msk [tilespmem:v41+s15+$0x0], $0xffff;
	v11 =	vmul.f32 v59, v10  }
0x1ca: {  	[tilespmem:v55+s18+$0x0] =	vst.idx.add.f32.msk $0xffff, v12  }
0x1cb: {  	v1 =	vunpack.i.l.bf16.f32 v4;
	[tilespmem:v55+s19+$0x0] =	vst.idx.add.f32.msk $0xffff, v11  }
0x1cc: {  	v4 =	vunpack.i.u.bf16.f32 v4;
	v1 =	vmul.f32 v1, v3;
	v8 =	vld.idx.msk [tilespmem:v44+s15+$0x0], $0xffff  }
0x1cd: {  	v3 =	vmul.f32 v4, v3;
	v63 =	vunpack.i.l.bf16.f32 v60  }
0x1ce: {  	[tilespmem:v2+s20+$0x0] =	vst.idx.add.f32.msk $0xffff, v1;
	v1 =	vunpack.i.u.bf16.f32 v60;
	v4 =	vmul.f32 v63, v6  }
0x1cf: {  	s25 =	sadd.s32 $0x1, s25;
	[tilespmem:v2+s21+$0x0] =	vst.idx.add.f32.msk $0xffff, v3;
	v1 =	vmul.f32 v1, v6;
	v61 =	vunpack.i.l.bf16.f32 v57  }
0x1d0: {  	p0 =	sne.s32 s25, $0x19;
	[tilespmem:v5+s20+$0x0] =	vst.idx.add.f32.msk $0xffff, v4;
	v62 =	vunpack.i.u.bf16.f32 v57;
	v12 =	vmul.f32 v61, v7  }
.Ltmp10:
0x1d1: {  	[tilespmem:v5+s21+$0x0] =	vst.idx.add.f32.msk $0xffff, v1;
	v7 =	vmul.f32 v62, v7;
	v2 =	vunpack.i.l.bf16.f32 v8;
	(pc) =	sbr.rel @p0 .LBB2_8-.Ltmp10, $4  }
0x1d2: {  	[tilespmem:v48+s20+$0x0] =	vst.idx.add.f32.msk $0xffff, v12;
	v3 =	vunpack.i.u.bf16.f32 v8;
	v2 =	vmul.f32 v2, v10  }
0x1d3: {  	[tilespmem:v48+s21+$0x0] =	vst.idx.add.f32.msk $0xffff, v7;
	v1 =	vmul.f32 v3, v10  }
0x1d4: {  	[tilespmem:v55+s20+$0x0] =	vst.idx.add.f32.msk $0xffff, v2  }
0x1d5: {  	[tilespmem:v55+s21+$0x0] =	vst.idx.add.f32.msk $0xffff, v1  }
0x1d6: {  	[hbm4b:s7+s12] =	stream.strided.scatter [tilespmem:s18], [sflag:$0x5], $0x2780, s13, s12, $0x38;
	[tilespmem:$0x13800] =	vst v63  }
0x1d7: {  	_ =	swait.ge [sflag:s14], $0x2780  }
0x1d8: {  	[sflag:s14] =	ssyncset.done $0x0  }
0x1d9: {  	[sflag:s14] =	ssyncadd.s32 $0xFFFFD880  }
0x1da: {  	[hbm4b:s8+s12] =	stream.strided.scatter [tilespmem:s19], [sflag:$0x5], $0x2780, s13, s12, $0x38;
	[tilespmem:$0x13800] =	vst v63  }
0x1db: {  	_ =	swait.ge [sflag:s14], $0x2780  }
0x1dc: {  	[sflag:s14] =	ssyncset.done $0x0  }
0x1dd: {  	[sflag:s14] =	ssyncadd.s32 $0xFFFFD880  }
0x1de: {  	[hbm4b:s9+s12] =	stream.strided.scatter [tilespmem:s20], [sflag:$0x5], $0x2780, s13, s12, $0x38;
	[tilespmem:$0x13800] =	vst v63  }
0x1df: {  	s24 =	sadd.s32 $0x1, s24;
	_ =	swait.ge [sflag:s14], $0x2780  }
0x1e0: {  	p0 =	sne.s32 s24, s11;
	[sflag:s14] =	ssyncset.done $0x0  }
.Ltmp11:
0x1e1: {  	[sflag:s14] =	ssyncadd.s32 $0xFFFFD880;
	(pc) =	sbr.rel @p0 .LBB2_1-.Ltmp11, $4  }
0x1e2: {  	[hbm4b:s10+s12] =	stream.strided.scatter [tilespmem:s21], [sflag:$0x5], $0x2780, s13, s12, $0x38;
	[tilespmem:$0x13800] =	vst v63  }
0x1e3: {  	_ =	swait.ge [sflag:s14], $0x2780  }
0x1e4: {  	[sflag:s14] =	ssyncset.done $0x0  }
0x1e5: {  	[sflag:s14] =	ssyncadd.s32 $0xFFFFD880  }
0x1e6: {  	_ =	sfence.sel $0x180000  }
0x1e7: {  	[bflag:$0x0] =	sbarrier.arrive $0xFFFF  }
0x1e8: {  	_ =	strace $0x9000004A  }
0x1e9: {  	s0 =	stileid.u32;
	[bflag:$0x2] =	sbarrier.arrive $0xFFFF  }
0x1ea: {  	p0 =	sne.s32 s0, $0x0;
	s0 =	rddreg [dreg:$0x2]  }
0x1eb: {  	s0 =	sadd.s32 @!p0 $0x100000, s0  }
0x1ec: {  	[sflag:s0] =	ssyncadd.tile.s32 @!p0 $0x1;
	_ =	shalt  }
.Lfunc_end2:
_tile_overlayer_lowered:
.L_overlay_start_2:
0x1ed: {  	(tag) =	ssettag $0x2  }
0x1ee: {  	s0 =	rddreg [dreg:$0x0];
	s2 =	stileid.u32  }
0x1ef: {  	s1 =	rddreg [dreg:$0x1];
	p0 =	sne.s32 s2, $0x0  }
0x1f0: {  	s3 =	rddreg [dreg:$0x2];
	[bflag:$0x3] =	sbarrier.arrive $0xFFFF;
	s2 =	simm.s32 @!p0 $0x1C05  }
0x1f1: {  	[timem:s3], [sflag:s2] =	dma.local @!p0 [hbm:s0], s1  }
0x1f2: {  	s0 =	simm.s32 @!p0 $0x5  }
0x1f3: {  	_ =	swait.ge @!p0 [sflag:s0], s1  }
0x1f4: {  	s1 =	ssub.s32 @!p0 $0x0, s1;
	[sflag:s0] =	ssyncset.done @!p0 $0x0  }
0x1f5: {  	[sflag:s0] =	ssyncadd.s32 @!p0 s1  }
0x1f6: {  	[bflag:$0x3] =	sbarrier.arrive $0xFFFF  }
0x1f7: {  	_ =	shalt  }

// kernel: kernel.14.cloned.1.call-start
scs
__scs_entry_jumppad:
0x0: {  	(pc) =	sbr.rel $0x88, $3  }
0x1: {  	(tag) =	ssettag $0x0;
	lr =	simm.s32 $0x1  }
0x2: {  	[smem:$0x3F98] =	sst lr;
	_ =	strace $0xD0000000  }
0x3: {  	_ = 	snop  }
0x4: {  	_ = 	snop  }
0x5: {  	_ = 	snop  }
0x6: {  	_ = 	snop  }
0x7: {  	_ = 	snop  }
__scs_overlays_trampoline_lowered:
0x8: {  	[smem:$0x3FA7] =	sst s0  }
0x9: {  	[smem:$0x3FA8] =	sst s1  }
0xa: {  	[smem:$0x3FA9] =	sst s2  }
0xb: {  	[smem:$0x3FAA] =	sst s3  }
0xc: {  	[smem:$0x3FAB] =	sst s4  }
0xd: {  	[smem:$0x3FAC] =	sst s5  }
0xe: {  	[smem:$0x3FAD] =	sst s6  }
0xf: {  	[smem:$0x3FAE] =	sst s7  }
0x10: {  	[smem:$0x3FAF] =	sst s8  }
0x11: {  	[smem:$0x3FB0] =	sst s9;
	s0 =	simm.s32 @!p0 $0x0  }
0x12: {  	s1 =	sld [smem:$0x3F96];
	s0 =	simm.s32 @p0 $0x1  }
0x13: {  	[smem:$0x3FB1] =	sst s0;
	s0 =	simm.s32 @!p1 $0x0  }
0x14: {  	s2 =	sld [smem:$0x3F95];
	s0 =	simm.s32 @p1 $0x1  }
0x15: {  	[smem:$0x3FB2] =	sst s0;
	s0 =	simm.s32 @!p2 $0x0  }
0x16: {  	s3 =	sld [smem:$0x3FDB];
	s0 =	simm.s32 @p2 $0x1  }
0x17: {  	s4 =	simm.s32 $0x1BF5;
	[smem:$0x3FB4] =	sst s0  }
0x18: {  	s0 =	sld [smem:$0x3F97];
	_ =	swait.ge [sflag:s4], $0x0  }
0x19: {  	s7 =	sld [smem:$0x3F98]  }
0x1a: {  	s8 =	sadd.s32 $0xFFFFE003, lr  }
0x1b: {  	s9 =	sadd.s32 $0xFFFFFEF7, lr;
	s5 =	simm.s32 $0xFFFFFFFF;
	p2 =	slt.u32 s8, $0xFFFFF086  }
0x1c: {  	p1 =	slt.u32 s9, $0xF7A;
	s5 =	simm.s32 @!p2 $0x0  }
0x1d: {  	s5 =	simm.s32 @p1 $0x1;
	p0 =	seq.s32 s7, s2  }
0x1e: {  	s7 =	smul.u32 @!p0 $0xF7A, s2;
	p2 =	seq.s32 @!p0 s5, $0x0  }
0x1f: {  	s9 =	smul.u32 $0xF7A, s1;
	s8 =	simm.s32 @!p0 $0x1BF5;
	p2 =	por !p2, p0  }
0x20: {  	[sflag:s8] =	ssyncset.s32 @!p0 $0xFFFFF086;
	s6 =	sadd.s32 @!p0 s3, s7;
	s7 =	simm.s32 @!p0 $0x108  }
0x21: {  	s3 =	sadd.s32 s3, s9;
	s6 =	sadd.s32 @!p0 $0x88, s6;
	s7 =	simm.s32 @p2 $0x1082  }
0x22: {  	[simem:s7], [sflag:s8] =	dma.local @!p0 [hbm:s6], $0xF7A  }
0x23: {  	s9 =	sor.u32 $0xD0000000, s2;
	s6 =	simm.s32 $0x108;
	_ =	swait.ge @!p0 [sflag:s8], $0x0  }
0x24: {  	s3 =	sadd.s32 $0x88, s3;
	s6 =	simm.s32 @!p1 $0x1082;
	[sflag:s4] =	ssyncset.s32 $0xFFFFF086  }
0x25: {  	[simem:s6], [sflag:s4] =	dma.local [hbm:s3], $0xF7A  }
0x26: {  	[smem:$0x3F98] =	sst s1;
	(tag) =	ssettag s2;
	_ =	strace s9  }
0x27: {  	s1 =	sld [smem:$0x3FA8]  }
0x28: {  	s2 =	sld [smem:$0x3FA9]  }
0x29: {  	s4 =	sld [smem:$0x3FAB]  }
0x2a: {  	p0 =	seq.s32 s5, $0x0;
	s5 =	sld [smem:$0x3FAC]  }
0x2b: {  	s6 =	sld [smem:$0x3FAD]  }
0x2c: {  	s7 =	sld [smem:$0x3FAE]  }
0x2d: {  	s3 =	simm.s32 $0x108;
	s8 =	sld [smem:$0x3FAF]  }
0x2e: {  	s3 =	simm.s32 @!p0 $0x1082;
	s9 =	sld [smem:$0x3FB0]  }
0x2f: {  	lr =	sadd.s32 s0, s3;
	s0 =	sld [smem:$0x3FA7]  }
0x30: {  	s3 =	sld [smem:$0x3FAA]  }
0x31: {  	[smem:$0x3FB3] =	sst s10  }
0x32: {  	s10 =	sld [smem:$0x3FB1];
	_ =	sdelay $0x3  }
0x33: {  	p0 =	seq.s32 s10, $0x1;
	s10 =	sld [smem:$0x3FB3];
	_ =	sdelay $0x3  }
0x34: {  	[smem:$0x3FB3] =	sst s10  }
0x35: {  	s10 =	sld [smem:$0x3FB2];
	_ =	sdelay $0x3  }
0x36: {  	p1 =	seq.s32 s10, $0x1;
	s10 =	sld [smem:$0x3FB3];
	_ =	sdelay $0x3  }
0x37: {  	[smem:$0x3FB3] =	sst s10  }
0x38: {  	s10 =	sld [smem:$0x3FB4]  }
0x39: {  	_ = 	snop;
	(pc) =	sbr.ind lr, $3  }
0x3a: {  	_ = 	snop  }
0x3b: {  	_ = 	snop  }
0x3c: {  	p2 =	seq.s32 s10, $0x1;
	s10 =	sld [smem:$0x3FB3]  }
0x3d: {  	_ =	shalt  }
0x3e: {  	_ =	shalt  }
0x3f: {  	_ =	shalt  }
0x40: {  	_ =	shalt  }
0x41: {  	_ =	shalt  }
0x42: {  	_ =	shalt  }
0x43: {  	_ =	shalt  }
0x44: {  	_ =	shalt  }
0x45: {  	_ =	shalt  }
0x46: {  	_ =	shalt  }
0x47: {  	_ =	shalt  }
0x48: {  	_ =	shalt  }
0x49: {  	_ =	shalt  }
0x4a: {  	_ =	shalt  }
0x4b: {  	_ =	shalt  }
0x4c: {  	_ =	shalt  }
0x4d: {  	_ =	shalt  }
0x4e: {  	_ =	shalt  }
0x4f: {  	_ =	shalt  }
0x50: {  	_ =	shalt  }
0x51: {  	_ =	shalt  }
0x52: {  	_ =	shalt  }
0x53: {  	_ =	shalt  }
0x54: {  	_ =	shalt  }
0x55: {  	_ =	shalt  }
0x56: {  	_ =	shalt  }
0x57: {  	_ =	shalt  }
0x58: {  	_ =	shalt  }
0x59: {  	_ =	shalt  }
0x5a: {  	_ =	shalt  }
0x5b: {  	_ =	shalt  }
0x5c: {  	_ =	shalt  }
0x5d: {  	_ =	shalt  }
0x5e: {  	_ =	shalt  }
0x5f: {  	_ =	shalt  }
0x60: {  	_ =	shalt  }
0x61: {  	_ =	shalt  }
0x62: {  	_ =	shalt  }
0x63: {  	_ =	shalt  }
0x64: {  	_ =	shalt  }
0x65: {  	_ =	shalt  }
0x66: {  	_ =	shalt  }
0x67: {  	_ =	shalt  }
0x68: {  	_ =	shalt  }
0x69: {  	_ =	shalt  }
0x6a: {  	_ =	shalt  }
0x6b: {  	_ =	shalt  }
0x6c: {  	_ =	shalt  }
0x6d: {  	_ =	shalt  }
0x6e: {  	_ =	shalt  }
0x6f: {  	_ =	shalt  }
0x70: {  	_ =	shalt  }
0x71: {  	_ =	shalt  }
0x72: {  	_ =	shalt  }
0x73: {  	_ =	shalt  }
0x74: {  	_ =	shalt  }
0x75: {  	_ =	shalt  }
0x76: {  	_ =	shalt  }
0x77: {  	_ =	shalt  }
0x78: {  	_ =	shalt  }
0x79: {  	_ =	shalt  }
0x7a: {  	_ =	shalt  }
0x7b: {  	_ =	shalt  }
0x7c: {  	_ =	shalt  }
0x7d: {  	_ =	shalt  }
0x7e: {  	_ =	shalt  }
0x7f: {  	_ =	shalt  }
0x80: {  	_ =	shalt  }
0x81: {  	_ =	shalt  }
0x82: {  	_ =	shalt  }
0x83: {  	_ =	shalt  }
0x84: {  	_ =	shalt  }
0x85: {  	_ =	shalt  }
0x86: {  	_ =	shalt  }
0x87: {  	_ =	shalt  }
.Lfunc_end0:
.L_simem_size_0:
called_computation.2_lowered:
.L_overlay_start_0:
0x88: {  	s2 =	sld [smem:$0x3FD9]  }
0x89: {  	s3 =	sld [smem:$0x3FFE];
	_ =	sdelay $0x1  }
0x8a: {  	s1 =	srdreg.scid  }
0x8b: {  	s0 =	sand.u32 $0x1, s1  }
0x8c: {  	s17 =	sshll.u32 s0, $0xA;
	s2 =	sadd.s32 s3, s2  }
0x8d: {  	s2 =	sadd.s32 s2, s17  }
0x8e: {  	[smem:$0x3FBF] =	sst s2  }
0x8f: {  	_ = 	snop  }
0x90: {  	s2 =	sld [smem:$0x3FD0];
	(tm) =	ssettm $0x1  }
0x91: {  	s18 =	sld [smem:$0x3FFB];
	_ =	sdelay $0x3  }
0x92: {  	_ =	strace s18  }
0x93: {  	s3 =	sld [smem:$0x3FFC];
	_ =	sdelay $0x3  }
0x94: {  	_ =	strace s3  }
0x95: {  	s3 =	sld [smem:$0x3FFD];
	_ =	sdelay $0x3  }
0x96: {  	_ =	strace s3  }
0x97: {  	_ =	strace $0x8FFFFFFF  }
0x98: {  	s19 =	sld [smem:$0x3FDB];
	_ =	sdelay $0x1  }
0x99: {  	s4 =	simm.s32 $_scs_section_size  }
0x9a: {  	s5 =	simm.s32 $_size__tile_overlayer_lowered;
	s6 =	simm.s32 $_tile_overlayer_lowered  }
0x9b: {  	s22 =	simm.s32 $0x1BFF;
	s21 =	sshll.u32 s6, $0x1;
	s3 =	sadd.s32 s4, s19  }
0x9c: {  	s7 =	simm.s32 $0x0;
	s20 =	sshll.u32 s5, $0x1;
	s5 =	sadd.s32 s21, s3  }
0x9d: {  	[timem:s7], [sflag:s22] =	dma.local [hbm:s5], s20  }
0x9e: {  	_ =	swait.ge [sflag:s22], s20  }
0x9f: {  	s4 =	ssub.s32 $0x0, s20;
	[sflag:s22] =	ssyncset.done $0x0  }
0xa0: {  	[sflag:s22] =	ssyncadd.s32 s4;
	_ =	sdelay $0x1  }
0xa1: {  	s23 =	simm.s32 $0x1B8B  }
0xa2: {  	_ =	swait.ge [sflag:s23], $0x1  }
0xa3: {  	[sflag:s23] =	ssyncset.done $0x0  }
0xa4: {  	s25 =	simm.s32 $0x1B8E;
	s24 =	sld [smem:$0x3FFE];
	[sflag:s23] =	ssyncadd.s32 $0xFFFFFFFF  }
0xa5: {  	s26 =	simm.s32 $execute0_lowered;
	[smem:$0x3FD2] =	sst s25  }
0xa6: {  	s5 =	sshll.u32 s26, $0x1;
	_ =	strace $0x8000004C;
	[dreg:$0x1] =	wrdreg $0xFFFFFFFF  }
0xa7: {  	s28 =	simm.s32 $_size_execute0_lowered;
	s3 =	sadd.s32 s3, s5;
	[dreg:$0x0] =	wrdreg $0x0  }
0xa8: {  	s5 =	sshll.u32 s28, $0x1;
	[dreg:$0x2] =	wrdreg s3  }
0xa9: {  	[dreg:$0x3] =	wrdreg s5  }
0xaa: {  	[dreg:$0x4] =	wrdreg $0xC0  }
0xab: {  	_ =	task [dreg:s7], $0x5FFFF  }
0xac: {  	[dreg:$0x1] =	wrdreg $0xFFFFFFFF  }
0xad: {  	[dreg:$0x0] =	wrdreg $0x60  }
0xae: {  	[dreg:$0x2] =	wrdreg s2  }
0xaf: {  	[dreg:$0x3] =	wrdreg s24  }
0xb0: {  	[dreg:$0x4] =	wrdreg $0x9  }
0xb1: {  	_ =	task.clear_ibuf [dreg:s7], $0x5FFFF;
	_ =	strace $0x9000004C  }
0xb2: {  	s29 =	simm.s32 $0x9;
	_ =	strace $0x8000004E  }
0xb3: {  	_ =	swait.ge [sflag:s29], $0x1  }
0xb4: {  	[sflag:s29] =	ssyncadd.s32 $0xFFFFFFFF  }
0xb5: {  	_ =	strace $0x9000004E  }
0xb6: {  	_ =	sfence  }
0xb7: {  	s30 =	sld [smem:$0x0];
	_ =	sdelay $0x2  }
0xb8: {  	s31 =	sshll.u32 s1, $0xD;
	s1 =	sshrl.u32 s1, $0x2  }
0xb9: {  	s3 =	sand.u32 $0x4000, s31;
	s1 =	sadd.s32 s1, s30  }
0xba: {  	s0 =	sor.u32 s3, s0;
	s1 =	sshll.u32 s1, $0x11  }
0xbb: {  	s0 =	sor.u32 s1, s0  }
0xbc: {  	s0 =	sadd.s32 $0x8F2B, s0  }
0xbd: {  	[sflag:s0] =	ssyncadd.remote.s32 $0x1  }
0xbe: {  	_ =	sfence.sel $0xFFFF  }
0xbf: {  	[dreg:$0x0] =	wrdreg $0xFFFFFFFF;
	(pc) =	sbr.abs _section_cstart, $3  }
0xc0: {  	[dreg:$0x1] =	wrdreg $0xFFFFFFFF  }
0xc1: {  	_ =	task.clear_ibuf [dreg:s7], $0x2FFFF;
	_ =	strace $0x9FFFFFFF  }
0xc2: {  	(tm) =	ssettm $0x7FFFFFFF  }
0xc3: {  	_ =	shalt  }
tec
execute0_lowered:
.L_overlay_start_1:
0x0: {  	(tag) =	ssettag $0x1  }
0x1: {  	s0 =	rddreg [dreg:$0x0]  }
0x2: {  	s1 =	rddreg [dreg:$0x1];
	s2 =	srdreg.scid  }
0x3: {  	s7 =	stileid.u32;
	s13 =	simm.s32 $0x400;
	s14 =	simm.s32 $0x5  }
0x4: {  	s15 =	simm.s32 $0x2780;
	s16 =	simm.s32 $0x1;
	s17 =	simm.s32 $0x3  }
0x5: {  	s18 =	simm.s32 $0x4F00;
	s19 =	simm.s32 $0x7680;
	s20 =	simm.s32 $0x9E00  }
0x6: {  	s21 =	simm.s32 $0xC580;
	s22 =	simm.s32 $0x2;
	s23 =	simm.s32 $0x4  }
0x7: {  	s24 =	simm.s32 $0x0;
	s5 =	sand.u32 $0x1, s2;
	s2 =	simm.s32 $0x0  }
0x8: {  	s3 =	sshll.u32 s7, $0x2;
	s25 =	sshrl.u32 s7, $0x1;
	s4 =	sshll.u32 s5, $0x1  }
0x9: {  	[smem:$0x7FF] =	sst s2;
	s7 =	smul.u32 $0x13C00, s25;
	s5 =	ssub.s32 $0x2, s5  }
0xa: {  	s6 =	sor.u32 s4, s3;
	_ =	strace $0x8000004D;
	s3 =	sadd.s32 $0x2800, s1  }
0xb: {  	s4 =	sadd.s32 $0xC600, s1;
	s1 =	sadd.s32 $0x11600, s1;
	s26 =	sshrl.u32 s5, $0x1  }
0xc: {  	s8 =	sshll.u32 s6, $0x7;
	s6 =	sor.u32 $0x41, s6;
	s11 =	ssub.s32 s5, s26  }
0xd: {  	s8 =	sand.u32 $0x300, s8;
	s29 =	sshrl.u32 s6, $0x3;
	s12 =	sshll.u32 s6, $0x7  }
0xe: {  	s11 =	smax.u32 s11, $0x1;
	s7 =	sor.u32 s7, s8;
	s8 =	smul.u32 $0x13C00, s29  }
0xf: {  	s12 =	sand.u32 $0x380, s12;
	s9 =	sshrl.u32 s7, $0x3;
	s30 =	sadd.s32 $0x9E000, s7  }
0x10: {  	s28 =	sadd.s32 s0, s9;
	s10 =	sor.u32 $0x10, s9;
	s7 =	sadd.s32 s1, s9  }
0x11: {  	s12 =	sor.u32 s12, s8;
	[dreg:$0x3] =	wrdreg s28;
	s6 =	sadd.s32 s0, s10  }
0x12: {  	s0 =	sshrl.u32 s30, $0x3;
	s9 =	sadd.s32 s1, s10;
	s31 =	sshrl.u32 s12, $0x3  }
0x13: {  	v0 =	vimm.f32 $0.0e+00;
	s12 =	simm.s32 $0x80;
	s8 =	sadd.s32 s1, s0;
	s10 =	sadd.s32 s1, s31  }
.LBB2_1:
0x14: {  	s0 =	simm.s32 $0xED00;
	s1 =	simm.s32 $0x0  }
.LBB2_2:
0x15: {  	p0 =	sne.s32 s1, $0x310  }
.Ltmp0:
0x16: {  	_ = 	snop;
	(pc) =	sbr.rel @p0 .LBB2_2-.Ltmp0, $4  }
0x17: {  	_ = 	snop  }
0x18: {  	s25 =	sadd.s32 s1, s3;
	s26 =	simm.s32 $0x0  }
0x19: {  	[tilespmem:s0], [sflag:$0x1] =	stream.linear.gather [hbm4b:s25+s26], $0x80, $0x38;
	[tilespmem:$0x13800] =	vst v63  }
0x1a: {  	s1 =	sadd.s32 $0x10, s1;
	s0 =	sadd.s32 $0x100, s0  }
0x1b: {  	s0 =	simm.s32 $0x11F00  }
0x1c: {  	s25 =	simm.s32 $0x10;
	s1 =	sadd.s32 $0x0, s4;
	s26 =	simm.s32 $0x12000  }
.LBB2_4:
0x1d: {  	[tilespmem:s0], [sflag:$0x3] =	stream.linear.gather [hbm4b:s1+s2], $0x80, $0x38;
	[tilespmem:$0x13800] =	vst v63  }
0x1e: {  	s1 =	smov.u32 s25;
	s0 =	smov.u32 s26;
	p0 =	sne.s32 s25, $0x180  }
.Ltmp1:
0x1f: {  	s25 =	sadd.s32 $0x10, s25;
	(pc) =	sbr.rel @p0 .LBB2_4-.Ltmp1, $2  }
0x20: {  	_ =	sdelay $0x2  }
0x21: {  	s26 =	sadd.s32 $0x100, s26;
	s1 =	sadd.s32 s1, s4  }
0x22: {  	[tilespmem:s0], [sflag:$0x3] =	stream.linear.gather [hbm4b:s1+s2], $0x80, $0x38;
	[tilespmem:$0x13800] =	vst v63  }
0x23: {  	s30 =	rddreg [dreg:$0x3]  }
0x24: {  	[tilespmem:s2], [sflag:$0x5] =	stream.strided.gather [hbm4b:s30+s12], $0x2780, s13, s12, $0x38;
	[tilespmem:$0x13800] =	vst v63  }
0x25: {  	_ =	swait.ge [sflag:s14], $0x2780  }
0x26: {  	[sflag:s14] =	ssyncset.done $0x0  }
0x27: {  	[sflag:s14] =	ssyncadd.s32 $0xFFFFD880  }
0x28: {  	[tilespmem:s15], [sflag:$0x5] =	stream.strided.gather [hbm4b:s6+s12], $0x2780, s13, s12, $0x38;
	[tilespmem:$0x13800] =	vst v63  }
0x29: {  	_ =	swait.ge [sflag:s14], $0x2780  }
0x2a: {  	[sflag:s14] =	ssyncset.done $0x0  }
0x2b: {  	s31 =	simm.s32 $0x4F20;
	[sflag:s14] =	ssyncadd.s32 $0xFFFFD880  }
0x2c: {  	[tilespmem:s31+$0xFFFFFFF0] =	vst v0  }
0x2d: {  	[tilespmem:s31+$0x0] =	vst v0  }
0x2e: {  	[tilespmem:s31+$0x10] =	vst v0  }
0x2f: {  	s25 =	simm.s32 $0x76A0;
	[tilespmem:s31+$0xFFFFFFE0] =	vst v0  }
0x30: {  	[tilespmem:s25+$0xFFFFFFF0] =	vst v0  }
0x31: {  	[tilespmem:s25+$0x0] =	vst v0  }
0x32: {  	[tilespmem:s25+$0x10] =	vst v0  }
0x33: {  	s26 =	simm.s32 $0x9E20;
	[tilespmem:s25+$0xFFFFFFE0] =	vst v0  }
0x34: {  	[tilespmem:s26+$0xFFFFFFF0] =	vst v0  }
0x35: {  	[tilespmem:s26+$0x0] =	vst v0  }
0x36: {  	[tilespmem:s26+$0x10] =	vst v0  }
0x37: {  	s28 =	simm.s32 $0xC5A0;
	[tilespmem:s26+$0xFFFFFFE0] =	vst v0  }
0x38: {  	[tilespmem:s28+$0xFFFFFFF0] =	vst v0  }
0x39: {  	[tilespmem:s28+$0x0] =	vst v0  }
0x3a: {  	[tilespmem:s28+$0x10] =	vst v0  }
0x3b: {  	s0 =	simm.s32 $0x0;
	s29 =	simm.s32 $0x4F60;
	[tilespmem:s28+$0xFFFFFFE0] =	vst v0  }
.LBB2_6:
0x3c: {  	[tilespmem:s29+$0xFFFFFFF0] =	vst v0;
	s25 =	sadd.s32 $0x40, s25  }
0x3d: {  	s26 =	sadd.s32 $0x40, s26;
	[tilespmem:s25+$0xFFFFFFF0] =	vst v0  }
0x3e: {  	s28 =	sadd.s32 $0x40, s28;
	[tilespmem:s26+$0xFFFFFFF0] =	vst v0  }
0x3f: {  	[tilespmem:s28+$0xFFFFFFF0] =	vst v0  }
0x40: {  	[tilespmem:s29+$0x0] =	vst v0  }
0x41: {  	[tilespmem:s25+$0x0] =	vst v0  }
0x42: {  	[tilespmem:s26+$0x0] =	vst v0  }
0x43: {  	[tilespmem:s28+$0x0] =	vst v0  }
0x44: {  	[tilespmem:s29+$0x10] =	vst v0  }
0x45: {  	s0 =	sadd.s32 $0x40, s0;
	[tilespmem:s25+$0x10] =	vst v0  }
0x46: {  	p0 =	slt.u32 s0, $0x26C0;
	[tilespmem:s26+$0x10] =	vst v0  }
.Ltmp2:
0x47: {  	[tilespmem:s28+$0x10] =	vst v0;
	(pc) =	sbr.rel @p0 .LBB2_6-.Ltmp2, $4  }
0x48: {  	[tilespmem:s29+$0xFFFFFFE0] =	vst v0  }
0x49: {  	[tilespmem:s25+$0xFFFFFFE0] =	vst v0  }
0x4a: {  	[tilespmem:s26+$0xFFFFFFE0] =	vst v0  }
0x4b: {  	s29 =	sadd.s32 $0x40, s29;
	[tilespmem:s28+$0xFFFFFFE0] =	vst v0  }
0x4c: {  	[tilespmem:$0x7600] =	vst v0  }
0x4d: {  	[tilespmem:$0x9D80] =	vst v0  }
0x4e: {  	[tilespmem:$0xC500] =	vst v0  }
0x4f: {  	[tilespmem:$0xEC80] =	vst v0;
	s25 =	simm.s32 $0x0  }
.LBB2_8:
0x50: {  	s0 =	sshllo.u32 s25, $0x1  }
0x51: {  	s1 =	smul.u32 $0x320, s0;
	_ =	sdelay $0x1  }
0x52: {  	s26 =	sshll.u32 s25, $0x1;
	s29 =	simm.s32 $0xED80;
	s28 =	sadd.s32 s3, s1  }
0x53: {  	s30 =	simm.s32 $0x10;
	s31 =	simm.s32 $0xEE80;
	s1 =	sadd.s32 $0x0, s28  }
.LBB2_9:
0x54: {  	[tilespmem:s29], [sflag:$0x2] =	stream.linear.gather [hbm4b:s1+s2], $0x80, $0x38;
	[tilespmem:$0x13800] =	vst v63  }
0x55: {  	s1 =	smov.u32 s30;
	s29 =	smov.u32 s31;
	p0 =	sne.s32 s30, $0x310  }
.Ltmp3:
0x56: {  	s30 =	sadd.s32 $0x10, s30;
	(pc) =	sbr.rel @p0 .LBB2_9-.Ltmp3, $2  }
0x57: {  	_ =	sdelay $0x2  }
0x58: {  	s31 =	sadd.s32 $0x100, s31;
	s1 =	sadd.s32 s1, s28  }
0x59: {  	s0 =	smul.u32 $0x190, s0  }
0x5a: {  	[tilespmem:s29], [sflag:$0x2] =	stream.linear.gather [hbm4b:s1+s2], $0x80, $0x38;
	[tilespmem:$0x13800] =	vst v63  }
0x5b: {  	s28 =	simm.s32 $0x11F80;
	s0 =	sadd.s32 s4, s0  }
0x5c: {  	s29 =	simm.s32 $0x10;
	s30 =	simm.s32 $0x12080;
	s1 =	sadd.s32 $0x0, s0  }
.LBB2_11:
0x5d: {  	[tilespmem:s28], [sflag:$0x4] =	stream.linear.gather [hbm4b:s1+s2], $0x80, $0x38;
	[tilespmem:$0x13800] =	vst v63  }
0x5e: {  	s1 =	smov.u32 s29;
	s28 =	smov.u32 s30;
	p0 =	sne.s32 s29, $0x180  }
.Ltmp4:
0x5f: {  	s29 =	sadd.s32 $0x10, s29;
	(pc) =	sbr.rel @p0 .LBB2_11-.Ltmp4, $2  }
0x60: {  	_ =	sdelay $0x2  }
0x61: {  	s30 =	sadd.s32 $0x100, s30;
	s1 =	sadd.s32 s1, s0  }
0x62: {  	[tilespmem:s28], [sflag:$0x4] =	stream.linear.gather [hbm4b:s1+s2], $0x80, $0x38;
	[tilespmem:$0x13800] =	vst v63  }
0x63: {  	_ =	swait.ge [sflag:s16], $0x1900  }
0x64: {  	[sflag:s16] =	ssyncset.done $0x0  }
0x65: {  	s0 =	simm.s32 $0x0;
	[sflag:s16] =	ssyncadd.s32 $0xFFFFE700  }
0x66: {  	s31 =	simm.s32 $0x20;
	s0 =	sand.u32 $0x3F00, s0;
	_ =	swait.ge [sflag:s17], $0xC80  }
0x67: {  	s1 =	sand.u32 $0x60, s31;
	s0 =	sadd.s32 $0xED00, s0;
	[sflag:s17] =	ssyncset.done $0x0  }
0x68: {  	s1 =	sor.u32 s1, s0;
	[sflag:s17] =	ssyncadd.s32 $0xFFFFF380  }
0x69: {  	v1 =	vld [tilespmem:s1+$0x0];
	_ =	sdelay $0x4  }
0x6a: {  	s5 =	simm.s32 $0x0;
	v2 =	vand.u32 $0xFFFF, v1  }
0x6b: {  	s28 =	simm.s32 $0x10;
	s29 =	sand.u32 $0x1F00, s5  }
0x6c: {  	s28 =	sand.u32 $0x70, s28;
	s29 =	sadd.s32 $0x11F00, s29  }
0x6d: {  	s28 =	sor.u32 s28, s29  }
0x6e: {  	v3 =	vld [tilespmem:s28+$0x0]  }
0x6f: {  	v4 =	vld.idx.msk [tilespmem:v2+s2+$0x0], $0xffff;
	_ =	sdelay $0x2  }
0x70: {  	v1 =	vshrl.u32 v1, $0x10;
	_ =	sdelay $0x1  }
0x71: {  	s1 =	sand.u32 $0x40, s5;
	v5 =	vunpack.i.l.bf16.f32 v3;
	v6 =	vunpack.i.l.bf16.f32 v4  }
0x72: {  	s0 =	sor.u32 s1, s0;
	v4 =	vunpack.i.u.bf16.f32 v4;
	v6 =	vmul.f32 v6, v5  }
0x73: {  	v7 =	vld [tilespmem:s0+$0x30];
	v4 =	vmul.f32 v4, v5  }
0x74: {  	[tilespmem:v1+s18+$0x0] =	vst.idx.add.f32.msk $0xffff, v6  }
0x75: {  	[tilespmem:v1+s19+$0x0] =	vst.idx.add.f32.msk $0xffff, v4  }
0x76: {  	v2 =	vld.idx.msk [tilespmem:v2+s15+$0x0], $0xffff;
	_ =	sdelay $0x2  }
0x77: {  	s31 =	simm.s32 $0x80;
	v4 =	vld [tilespmem:s0+$0x0]  }
0x78: {  	s28 =	simm.s32 $0x60;
	s1 =	sand.u32 $0x3F00, s31  }
0x79: {  	s28 =	sand.u32 $0x60, s28;
	s1 =	sadd.s32 $0xED00, s1;
	v8 =	vand.u32 $0xFFFF, v7;
	v6 =	vunpack.i.l.bf16.f32 v2  }
0x7a: {  	s28 =	sor.u32 s28, s1;
	v2 =	vunpack.i.u.bf16.f32 v2;
	v6 =	vmul.f32 v6, v5  }
0x7b: {  	v9 =	vld [tilespmem:s28+$0x0];
	v2 =	vmul.f32 v2, v5  }
0x7c: {  	v5 =	vand.u32 $0xFFFF, v4;
	[tilespmem:v1+s20+$0x0] =	vst.idx.add.f32.msk $0xffff, v6  }
0x7d: {  	s28 =	simm.s32 $0x0;
	[tilespmem:v1+s21+$0x0] =	vst.idx.add.f32.msk $0xffff, v2  }
0x7e: {  	s28 =	sand.u32 $0x60, s28;
	v1 =	vld.idx.msk [tilespmem:v8+s2+$0x0], $0xffff  }
0x7f: {  	s28 =	sor.u32 s28, s29  }
0x80: {  	v6 =	vand.u32 $0xFFFF, v9;
	v2 =	vld [tilespmem:s28+$0x0];
	s28 =	simm.s32 $0x40  }
0x81: {  	s30 =	simm.s32 $0x30;
	v7 =	vshrl.u32 v7, $0x10;
	s29 =	sand.u32 $0x1F00, s28;
	v10 =	vld.idx.msk [tilespmem:v5+s2+$0x0], $0xffff  }
0x82: {  	s30 =	sand.u32 $0x70, s30;
	s29 =	sadd.s32 $0x11F00, s29  }
0x83: {  	v11 =	vld [tilespmem:s0+$0x10];
	v3 =	vunpack.i.u.bf16.f32 v3;
	s5 =	sor.u32 s30, s29;
	v12 =	vunpack.i.l.bf16.f32 v1  }
0x84: {  	v4 =	vshrl.u32 v4, $0x10;
	v13 =	vld [tilespmem:s5+$0x0];
	v1 =	vunpack.i.u.bf16.f32 v1;
	v12 =	vmul.f32 v12, v3  }
0x85: {  	v14 =	vld.idx.msk [tilespmem:v6+s2+$0x0], $0xffff;
	v1 =	vmul.f32 v1, v3  }
0x86: {  	v15 =	vunpack.i.l.bf16.f32 v2;
	v16 =	vunpack.i.l.bf16.f32 v10;
	[tilespmem:v7+s18+$0x0] =	vst.idx.add.f32.msk $0xffff, v12  }
0x87: {  	v10 =	vunpack.i.u.bf16.f32 v10;
	v12 =	vmul.f32 v16, v15;
	[tilespmem:v7+s19+$0x0] =	vst.idx.add.f32.msk $0xffff, v1  }
0x88: {  	v9 =	vshrl.u32 v9, $0x10;
	v1 =	vmul.f32 v10, v15;
	v8 =	vld.idx.msk [tilespmem:v8+s15+$0x0], $0xffff  }
0x89: {  	[tilespmem:v4+s18+$0x0] =	vst.idx.add.f32.msk $0xffff, v12  }
0x8a: {  	s31 =	sand.u32 $0x40, s28;
	v10 =	vunpack.i.l.bf16.f32 v13;
	v12 =	vunpack.i.l.bf16.f32 v14;
	[tilespmem:v4+s19+$0x0] =	vst.idx.add.f32.msk $0xffff, v1  }
0x8b: {  	s0 =	sor.u32 s31, s1;
	v1 =	vunpack.i.u.bf16.f32 v14;
	v12 =	vmul.f32 v12, v10;
	v5 =	vld.idx.msk [tilespmem:v5+s15+$0x0], $0xffff  }
0x8c: {  	v14 =	vld [tilespmem:s0+$0x30];
	v1 =	vmul.f32 v1, v10  }
0x8d: {  	s5 =	simm.s32 $0x20;
	[tilespmem:v9+s18+$0x0] =	vst.idx.add.f32.msk $0xffff, v12  }
0x8e: {  	s1 =	sand.u32 $0x60, s5;
	[tilespmem:v9+s19+$0x0] =	vst.idx.add.f32.msk $0xffff, v1;
	v12 =	vunpack.i.l.bf16.f32 v8  }
0x8f: {  	s1 =	sor.u32 s1, s29;
	v6 =	vld.idx.msk [tilespmem:v6+s15+$0x0], $0xffff;
	v1 =	vmul.f32 v12, v3  }
0x90: {  	v16 =	vld [tilespmem:s1+$0x0];
	v12 =	vand.u32 $0xFFFF, v11;
	v17 =	vunpack.i.l.bf16.f32 v5  }
0x91: {  	[tilespmem:v7+s20+$0x0] =	vst.idx.add.f32.msk $0xffff, v1;
	v1 =	vunpack.i.u.bf16.f32 v5;
	v5 =	vmul.f32 v17, v15  }
0x92: {  	s31 =	simm.s32 $0x100;
	v17 =	vld [tilespmem:s0+$0x0];
	v1 =	vmul.f32 v1, v15  }
0x93: {  	s28 =	simm.s32 $0xA0;
	s1 =	sand.u32 $0x3F00, s31;
	[tilespmem:v4+s20+$0x0] =	vst.idx.add.f32.msk $0xffff, v5  }
0x94: {  	s28 =	sand.u32 $0x60, s28;
	s1 =	sadd.s32 $0xED00, s1;
	v15 =	vand.u32 $0xFFFF, v14;
	v5 =	vunpack.i.l.bf16.f32 v6;
	[tilespmem:v4+s21+$0x0] =	vst.idx.add.f32.msk $0xffff, v1  }
0x95: {  	s28 =	sor.u32 s28, s1;
	v1 =	vunpack.i.u.bf16.f32 v6;
	v4 =	vmul.f32 v5, v10;
	v5 =	vld.idx.msk [tilespmem:v12+s2+$0x0], $0xffff  }
0x96: {  	v6 =	vld [tilespmem:s28+$0x0];
	v10 =	vmul.f32 v1, v10  }
0x97: {  	v8 =	vunpack.i.u.bf16.f32 v8;
	v18 =	vand.u32 $0xFFFF, v17;
	[tilespmem:v9+s20+$0x0] =	vst.idx.add.f32.msk $0xffff, v4  }
0x98: {  	v3 =	vmul.f32 v8, v3;
	v1 =	vshrl.u32 v11, $0x10;
	[tilespmem:v9+s21+$0x0] =	vst.idx.add.f32.msk $0xffff, v10  }
0x99: {  	v4 =	vld.idx.msk [tilespmem:v15+s2+$0x0], $0xffff  }
0x9a: {  	v8 =	vunpack.i.u.bf16.f32 v2;
	[tilespmem:v7+s21+$0x0] =	vst.idx.add.f32.msk $0xffff, v3;
	v2 =	vunpack.i.l.bf16.f32 v5  }
0x9b: {  	s5 =	simm.s32 $0x80;
	v3 =	vld [tilespmem:s0+$0x10];
	v7 =	vand.u32 $0xFFFF, v6;
	v5 =	vunpack.i.u.bf16.f32 v5;
	v2 =	vmul.f32 v2, v8  }
0x9c: {  	s29 =	simm.s32 $0x50;
	s28 =	sand.u32 $0x1F00, s5;
	v10 =	vshrl.u32 v14, $0x10;
	v9 =	vld.idx.msk [tilespmem:v18+s2+$0x0], $0xffff;
	v5 =	vmul.f32 v5, v8  }
0x9d: {  	s29 =	sand.u32 $0x70, s29;
	s28 =	sadd.s32 $0x11F00, s28;
	[tilespmem:v1+s18+$0x0] =	vst.idx.add.f32.msk $0xffff, v2  }
0x9e: {  	s29 =	sor.u32 s29, s28;
	v2 =	vunpack.i.u.bf16.f32 v13;
	v11 =	vunpack.i.l.bf16.f32 v4;
	[tilespmem:v1+s19+$0x0] =	vst.idx.add.f32.msk $0xffff, v5  }
0x9f: {  	v4 =	vunpack.i.u.bf16.f32 v4;
	v5 =	vld [tilespmem:s29+$0x0];
	v11 =	vmul.f32 v11, v2  }
0xa0: {  	v13 =	vshrl.u32 v17, $0x10;
	v14 =	vld.idx.msk [tilespmem:v7+s2+$0x0], $0xffff;
	v4 =	vmul.f32 v4, v2;
	s29 =	simm.s32 $0x40  }
0xa1: {  	s29 =	sand.u32 $0x60, s29;
	[tilespmem:v10+s18+$0x0] =	vst.idx.add.f32.msk $0xffff, v11  }
0xa2: {  	v11 =	vunpack.i.l.bf16.f32 v16;
	v17 =	vunpack.i.l.bf16.f32 v9;
	s28 =	sor.u32 s29, s28;
	[tilespmem:v10+s19+$0x0] =	vst.idx.add.f32.msk $0xffff, v4  }
0xa3: {  	v4 =	vunpack.i.u.bf16.f32 v9;
	v9 =	vmul.f32 v17, v11;
	v19 =	vld [tilespmem:s28+$0x0]  }
0xa4: {  	v6 =	vshrl.u32 v6, $0x10;
	v15 =	vld.idx.msk [tilespmem:v15+s15+$0x0], $0xffff;
	v4 =	vmul.f32 v4, v11  }
0xa5: {  	[tilespmem:v13+s18+$0x0] =	vst.idx.add.f32.msk $0xffff, v9  }
0xa6: {  	s0 =	sand.u32 $0x40, s5;
	v9 =	vunpack.i.l.bf16.f32 v5;
	v17 =	vunpack.i.l.bf16.f32 v14;
	[tilespmem:v13+s19+$0x0] =	vst.idx.add.f32.msk $0xffff, v4  }
0xa7: {  	s0 =	sor.u32 s0, s1;
	v4 =	vunpack.i.u.bf16.f32 v14;
	v14 =	vmul.f32 v17, v9;
	v17 =	vld.idx.msk [tilespmem:v18+s15+$0x0], $0xffff  }
0xa8: {  	v18 =	vld [tilespmem:s0+$0x30];
	v4 =	vmul.f32 v4, v9  }
0xa9: {  	[tilespmem:v6+s18+$0x0] =	vst.idx.add.f32.msk $0xffff, v14;
	v14 =	vunpack.i.l.bf16.f32 v15  }
0xaa: {  	[tilespmem:v6+s19+$0x0] =	vst.idx.add.f32.msk $0xffff, v4;
	v4 =	vunpack.i.u.bf16.f32 v15;
	v14 =	vmul.f32 v14, v2  }
0xab: {  	v7 =	vld.idx.msk [tilespmem:v7+s15+$0x0], $0xffff;
	v2 =	vmul.f32 v4, v2  }
0xac: {  	v4 =	vand.u32 $0xFFFF, v3;
	[tilespmem:v10+s20+$0x0] =	vst.idx.add.f32.msk $0xffff, v14;
	v14 =	vunpack.i.l.bf16.f32 v17  }
0xad: {  	v15 =	vunpack.i.u.bf16.f32 v17;
	[tilespmem:v10+s21+$0x0] =	vst.idx.add.f32.msk $0xffff, v2;
	v2 =	vmul.f32 v14, v11  }
0xae: {  	s31 =	simm.s32 $0x180;
	v10 =	vld [tilespmem:s0+$0x0];
	v11 =	vmul.f32 v15, v11  }
0xaf: {  	s1 =	sand.u32 $0x3F00, s31;
	s28 =	simm.s32 $0xE0;
	[tilespmem:v13+s20+$0x0] =	vst.idx.add.f32.msk $0xffff, v2  }
0xb0: {  	s1 =	sadd.s32 $0xED00, s1;
	s28 =	sand.u32 $0x60, s28;
	v14 =	vand.u32 $0xFFFF, v18;
	v2 =	vunpack.i.l.bf16.f32 v7;
	[tilespmem:v13+s21+$0x0] =	vst.idx.add.f32.msk $0xffff, v11  }
0xb1: {  	s28 =	sor.u32 s28, s1;
	v7 =	vunpack.i.u.bf16.f32 v7;
	v2 =	vmul.f32 v2, v9;
	v11 =	vld.idx.msk [tilespmem:v4+s2+$0x0], $0xffff  }
0xb2: {  	v13 =	vld [tilespmem:s28+$0x0];
	v7 =	vmul.f32 v7, v9  }
0xb3: {  	v15 =	vand.u32 $0xFFFF, v10;
	[tilespmem:v6+s20+$0x0] =	vst.idx.add.f32.msk $0xffff, v2  }
0xb4: {  	v2 =	vshrl.u32 v3, $0x10;
	[tilespmem:v6+s21+$0x0] =	vst.idx.add.f32.msk $0xffff, v7  }
0xb5: {  	v6 =	vld.idx.msk [tilespmem:v14+s2+$0x0], $0xffff  }
0xb6: {  	v21 =	vld [tilespmem:s0+$0x10];
	s28 =	simm.s32 $0xC0;
	v3 =	vunpack.i.u.bf16.f32 v16;
	v7 =	vunpack.i.l.bf16.f32 v11  }
0xb7: {  	v12 =	vld.idx.msk [tilespmem:v12+s15+$0x0], $0xffff;
	s29 =	simm.s32 $0x70;
	s5 =	sand.u32 $0x1F00, s28;
	v9 =	vunpack.i.u.bf16.f32 v11;
	v11 =	vand.u32 $0xFFFF, v13;
	v7 =	vmul.f32 v7, v3  }
0xb8: {  	s30 =	sand.u32 $0x70, s29;
	v22 =	vshrl.u32 v18, $0x10;
	s0 =	sadd.s32 $0x11F00, s5;
	v16 =	vld.idx.msk [tilespmem:v15+s2+$0x0], $0xffff  }
0xb9: {  	s30 =	sor.u32 s30, s0;
	v9 =	vmul.f32 v9, v3;
	[tilespmem:v2+s18+$0x0] =	vst.idx.add.f32.msk $0xffff, v7  }
0xba: {  	v5 =	vunpack.i.u.bf16.f32 v5;
	v17 =	vunpack.i.l.bf16.f32 v6;
	v7 =	vld [tilespmem:s30+$0x0]  }
0xbb: {  	s30 =	simm.s32 $0x60;
	[tilespmem:v2+s19+$0x0] =	vst.idx.add.f32.msk $0xffff, v9;
	v17 =	vmul.f32 v17, v5  }
0xbc: {  	v6 =	vunpack.i.u.bf16.f32 v6;
	v9 =	vshrl.u32 v10, $0x10;
	s30 =	sand.u32 $0x60, s30;
	v10 =	vld.idx.msk [tilespmem:v11+s2+$0x0], $0xffff  }
0xbd: {  	v6 =	vmul.f32 v6, v5;
	s0 =	sor.u32 s30, s0;
	[tilespmem:v22+s18+$0x0] =	vst.idx.add.f32.msk $0xffff, v17  }
0xbe: {  	v24 =	vunpack.i.l.bf16.f32 v19;
	v17 =	vunpack.i.l.bf16.f32 v16;
	v23 =	vld [tilespmem:s0+$0x0]  }
0xbf: {  	[tilespmem:v22+s19+$0x0] =	vst.idx.add.f32.msk $0xffff, v6;
	v6 =	vunpack.i.u.bf16.f32 v16;
	v16 =	vmul.f32 v17, v24  }
0xc0: {  	s31 =	sand.u32 $0x40, s28;
	v17 =	vshrl.u32 v13, $0x10;
	v14 =	vld.idx.msk [tilespmem:v14+s15+$0x0], $0xffff  }
0xc1: {  	s0 =	sor.u32 s31, s1;
	v6 =	vmul.f32 v6, v24;
	[tilespmem:v9+s18+$0x0] =	vst.idx.add.f32.msk $0xffff, v16  }
0xc2: {  	v18 =	vunpack.i.l.bf16.f32 v7;
	v16 =	vld [tilespmem:s0+$0x30];
	v13 =	vunpack.i.l.bf16.f32 v10  }
0xc3: {  	[tilespmem:v9+s19+$0x0] =	vst.idx.add.f32.msk $0xffff, v6;
	v6 =	vunpack.i.u.bf16.f32 v10;
	v10 =	vmul.f32 v13, v18  }
0xc4: {  	v25 =	vld.idx.msk [tilespmem:v15+s15+$0x0], $0xffff;
	v6 =	vmul.f32 v6, v18  }
0xc5: {  	[tilespmem:v17+s18+$0x0] =	vst.idx.add.f32.msk $0xffff, v10;
	v10 =	vunpack.i.l.bf16.f32 v14  }
0xc6: {  	v13 =	vunpack.i.u.bf16.f32 v14;
	[tilespmem:v17+s19+$0x0] =	vst.idx.add.f32.msk $0xffff, v6;
	v10 =	vmul.f32 v10, v5  }
0xc7: {  	v20 =	vld.idx.msk [tilespmem:v11+s15+$0x0], $0xffff;
	v11 =	vmul.f32 v13, v5  }
0xc8: {  	v13 =	vunpack.i.u.bf16.f32 v12;
	v12 =	vunpack.i.l.bf16.f32 v12;
	[tilespmem:v22+s20+$0x0] =	vst.idx.add.f32.msk $0xffff, v10  }
0xc9: {  	v15 =	vmul.f32 v12, v8;
	v12 =	vunpack.i.l.bf16.f32 v25;
	[tilespmem:v22+s21+$0x0] =	vst.idx.add.f32.msk $0xffff, v11;
	v11 =	vunpack.i.u.bf16.f32 v25  }
0xca: {  	v14 =	vunpack.i.l.bf16.f32 v23;
	v5 =	vshrl.u32 v21, $0x10;
	v10 =	vand.u32 $0xFFFF, v21  }
0xcb: {  	v13 =	vmul.f32 v13, v8;
	v8 =	vunpack.i.u.bf16.f32 v23;
	v22 =	vld [tilespmem:s0+$0x0];
	v23 =	vmul.f32 v12, v24  }
0xcc: {  	s30 =	simm.s32 $0x200;
	v6 =	vunpack.i.u.bf16.f32 v19;
	v19 =	vld [tilespmem:s0+$0x10];
	v21 =	vmul.f32 v11, v24;
	v12 =	vmovc v5;
	v11 =	vmov v5  }
.LBB2_13:
0xcd: {  	s0 =	sand.u32 $0x3F00, s30;
	s1 =	sadd.s32 $0x60, s28;
	[tilespmem:v9+s20+$0x0] =	vst.idx.add.f32.msk $0xffff, v23  }
0xce: {  	v23 =	vunpack.i.l.bf16.f32 v20;
	v24 =	vand.u32 $0xFFFF, v16;
	s31 =	sadd.s32 $0xED00, s0;
	s0 =	sand.u32 $0x60, s1;
	[tilespmem:v9+s21+$0x0] =	vst.idx.add.f32.msk $0xffff, v21  }
0xcf: {  	v20 =	vunpack.i.u.bf16.f32 v20;
	v21 =	vmul.f32 v23, v18;
	s0 =	sor.u32 s0, s31;
	v23 =	vld.idx.msk [tilespmem:v10+s2+$0x0], $0xffff  }
0xd0: {  	v18 =	vmul.f32 v20, v18;
	v25 =	vld [tilespmem:s0+$0x0];
	v9 =	vshrl.u32 v22, $0x10;
	v22 =	vand.u32 $0xFFFF, v22  }
0xd1: {  	v20 =	vshrl.u32 v19, $0x10;
	v19 =	vand.u32 $0xFFFF, v19;
	[tilespmem:v17+s20+$0x0] =	vst.idx.add.f32.msk $0xffff, v21  }
0xd2: {  	[tilespmem:v17+s21+$0x0] =	vst.idx.add.f32.msk $0xffff, v18  }
0xd3: {  	v17 =	vld.idx.msk [tilespmem:v24+s2+$0x0], $0xffff  }
0xd4: {  	v18 =	vld.idx.msk [tilespmem:v4+s15+$0x0], $0xffff;
	v4 =	vmov v10;
	v10 =	vmov v19  }
0xd5: {  	v21 =	vunpack.i.u.bf16.f32 v23;
	v23 =	vunpack.i.l.bf16.f32 v23;
	v19 =	vld.idx.msk [tilespmem:v22+s2+$0x0], $0xffff  }
0xd6: {  	s28 =	sadd.s32 $0x40, s28;
	v26 =	vand.u32 $0xFFFF, v25;
	v23 =	vmul.f32 v23, v6;
	v21 =	vmul.f32 v21, v6;
	[tilespmem:v1+s20+$0x0] =	vst.idx.add.f32.msk $0xffff, v15  }
0xd7: {  	v27 =	vshrl.u32 v16, $0x10;
	s29 =	sadd.s32 $0x20, s29;
	p0 =	slt.u32 s28, $0x18C0;
	s0 =	sand.u32 $0x1F00, s28;
	[tilespmem:v1+s21+$0x0] =	vst.idx.add.f32.msk $0xffff, v13;
	v1 =	vmovc v2;
	v2 =	vmov v5;
	v5 =	vmov v20  }
0xd8: {  	s1 =	sadd.s32 $0xFFFFFFF0, s29;
	s5 =	sand.u32 $0x70, s29;
	s0 =	sadd.s32 $0x11F00, s0;
	[tilespmem:v12+s18+$0x0] =	vst.idx.add.f32.msk $0xffff, v23;
	v12 =	vmov v20  }
0xd9: {  	s1 =	sand.u32 $0x60, s1;
	s5 =	sor.u32 s5, s0;
	v23 =	vunpack.i.u.bf16.f32 v7;
	v13 =	vunpack.i.l.bf16.f32 v17;
	[tilespmem:v11+s19+$0x0] =	vst.idx.add.f32.msk $0xffff, v21;
	v11 =	vmov v20  }
0xda: {  	s0 =	sor.u32 s1, s0;
	v15 =	vunpack.i.u.bf16.f32 v17;
	v13 =	vmul.f32 v13, v23;
	v16 =	vunpack.i.u.bf16.f32 v18;
	v7 =	vld [tilespmem:s5+$0x0]  }
0xdb: {  	v15 =	vmul.f32 v15, v23;
	v17 =	vunpack.i.u.bf16.f32 v19;
	v19 =	vunpack.i.l.bf16.f32 v19;
	v20 =	vld.idx.msk [tilespmem:v26+s2+$0x0], $0xffff  }
0xdc: {  	v19 =	vmul.f32 v19, v14;
	v21 =	vmul.f32 v17, v14;
	[tilespmem:v27+s18+$0x0] =	vst.idx.add.f32.msk $0xffff, v13;
	v13 =	vunpack.i.l.bf16.f32 v18  }
0xdd: {  	[tilespmem:v27+s19+$0x0] =	vst.idx.add.f32.msk $0xffff, v15;
	v15 =	vmul.f32 v13, v3;
	v13 =	vmul.f32 v16, v3;
	v3 =	vmov v6  }
0xde: {  	v6 =	vmov v8;
	v24 =	vld.idx.msk [tilespmem:v24+s15+$0x0], $0xffff  }
0xdf: {  	v17 =	vshrl.u32 v25, $0x10;
	v28 =	vld [tilespmem:s0+$0x0]  }
0xe0: {  	[tilespmem:v9+s18+$0x0] =	vst.idx.add.f32.msk $0xffff, v19  }
0xe1: {  	s0 =	sand.u32 $0x40, s28;
	v18 =	vunpack.i.l.bf16.f32 v7;
	v8 =	vunpack.i.l.bf16.f32 v20;
	[tilespmem:v9+s19+$0x0] =	vst.idx.add.f32.msk $0xffff, v21  }
0xe2: {  	s0 =	sor.u32 s0, s31;
	v19 =	vunpack.i.u.bf16.f32 v20;
	v20 =	vmul.f32 v8, v18;
	v21 =	vld.idx.msk [tilespmem:v22+s15+$0x0], $0xffff  }
0xe3: {  	v19 =	vmul.f32 v19, v18;
	v16 =	vld [tilespmem:s0+$0x30]  }
0xe4: {  	v8 =	vunpack.i.u.bf16.f32 v28;
	v25 =	vunpack.i.l.bf16.f32 v28;
	[tilespmem:v17+s18+$0x0] =	vst.idx.add.f32.msk $0xffff, v20;
	v20 =	vunpack.i.l.bf16.f32 v24  }
0xe5: {  	[tilespmem:v17+s19+$0x0] =	vst.idx.add.f32.msk $0xffff, v19;
	v19 =	vunpack.i.u.bf16.f32 v24;
	v22 =	vmul.f32 v20, v23  }
.Ltmp5:
0xe6: {  	v20 =	vld.idx.msk [tilespmem:v26+s15+$0x0], $0xffff;
	v19 =	vmul.f32 v19, v23;
	(pc) =	sbr.rel @p0 .LBB2_13-.Ltmp5, $4  }
0xe7: {  	[tilespmem:v27+s20+$0x0] =	vst.idx.add.f32.msk $0xffff, v22  }
0xe8: {  	v24 =	vunpack.i.u.bf16.f32 v21;
	v21 =	vunpack.i.l.bf16.f32 v21;
	[tilespmem:v27+s21+$0x0] =	vst.idx.add.f32.msk $0xffff, v19  }
0xe9: {  	v23 =	vmul.f32 v21, v14;
	v21 =	vmul.f32 v24, v14;
	v14 =	vmov v25;
	v22 =	vld [tilespmem:s0+$0x0]  }
0xea: {  	s30 =	sadd.s32 $0x80, s30;
	v19 =	vld [tilespmem:s0+$0x10]  }
0xeb: {  	_ =	sdelay $0x2  }
0xec: {  	v24 =	vand.u32 $0xFFFF, v22;
	_ =	sdelay $0x4  }
0xed: {  	v25 =	vld.idx.msk [tilespmem:v24+s2+$0x0], $0xffff;
	_ =	sdelay $0x2  }
0xee: {  	v38 =	vshrl.u32 v22, $0x10;
	_ =	sdelay $0x1  }
0xef: {  	v26 =	vunpack.i.l.bf16.f32 v25  }
0xf0: {  	v25 =	vunpack.i.u.bf16.f32 v25;
	v26 =	vmul.f32 v26, v14  }
0xf1: {  	[tilespmem:v9+s20+$0x0] =	vst.idx.add.f32.msk $0xffff, v23;
	v25 =	vmul.f32 v25, v14  }
0xf2: {  	[tilespmem:v38+s18+$0x0] =	vst.idx.add.f32.msk $0xffff, v26  }
0xf3: {  	[tilespmem:v38+s19+$0x0] =	vst.idx.add.f32.msk $0xffff, v25  }
0xf4: {  	v24 =	vld.idx.msk [tilespmem:v24+s15+$0x0], $0xffff  }
0xf5: {  	v4 =	vld.idx.msk [tilespmem:v4+s15+$0x0], $0xffff  }
0xf6: {  	v39 =	vunpack.i.l.bf16.f32 v20;
	v40 =	vand.u32 $0xFFFF, v16;
	[tilespmem:v1+s20+$0x0] =	vst.idx.add.f32.msk $0xffff, v15  }
0xf7: {  	v41 =	vunpack.i.u.bf16.f32 v20;
	[tilespmem:v9+s21+$0x0] =	vst.idx.add.f32.msk $0xffff, v21;
	v26 =	vmul.f32 v39, v18  }
0xf8: {  	v42 =	vmul.f32 v41, v18;
	v45 =	vld.idx.msk [tilespmem:v10+s2+$0x0], $0xffff  }
0xf9: {  	v43 =	vand.u32 $0xFFFF, v19;
	[tilespmem:v17+s20+$0x0] =	vst.idx.add.f32.msk $0xffff, v26;
	v44 =	vunpack.i.l.bf16.f32 v24  }
0xfa: {  	[tilespmem:v17+s21+$0x0] =	vst.idx.add.f32.msk $0xffff, v42;
	v46 =	vunpack.i.u.bf16.f32 v24;
	v18 =	vmul.f32 v44, v14  }
0xfb: {  	v17 =	vld.idx.msk [tilespmem:v40+s2+$0x0], $0xffff;
	v48 =	vmul.f32 v46, v14  }
0xfc: {  	[tilespmem:v38+s20+$0x0] =	vst.idx.add.f32.msk $0xffff, v18  }
0xfd: {  	v53 =	vunpack.i.l.bf16.f32 v45;
	[tilespmem:v38+s21+$0x0] =	vst.idx.add.f32.msk $0xffff, v48  }
0xfe: {  	v47 =	vshrl.u32 v16, $0x10;
	v55 =	vunpack.i.u.bf16.f32 v45;
	v15 =	vmul.f32 v53, v6;
	v52 =	vld.idx.msk [tilespmem:v43+s2+$0x0], $0xffff  }
0xff: {  	[tilespmem:v1+s21+$0x0] =	vst.idx.add.f32.msk $0xffff, v13;
	v56 =	vmul.f32 v55, v6  }
0x100: {  	v7 =	vunpack.i.u.bf16.f32 v7;
	[tilespmem:v12+s18+$0x0] =	vst.idx.add.f32.msk $0xffff, v15;
	v49 =	vunpack.i.l.bf16.f32 v17  }
0x101: {  	v54 =	vshrl.u32 v19, $0x10;
	[tilespmem:v11+s19+$0x0] =	vst.idx.add.f32.msk $0xffff, v56;
	v50 =	vunpack.i.u.bf16.f32 v17;
	v51 =	vmul.f32 v49, v7  }
0x102: {  	v60 =	vld.idx.msk [tilespmem:v10+s15+$0x0], $0xffff;
	v14 =	vmul.f32 v50, v7  }
0x103: {  	[tilespmem:v47+s18+$0x0] =	vst.idx.add.f32.msk $0xffff, v51;
	v58 =	vunpack.i.l.bf16.f32 v52  }
0x104: {  	[tilespmem:v47+s19+$0x0] =	vst.idx.add.f32.msk $0xffff, v14;
	v59 =	vunpack.i.u.bf16.f32 v52;
	v12 =	vmul.f32 v58, v8  }
0x105: {  	v57 =	vld.idx.msk [tilespmem:v40+s15+$0x0], $0xffff;
	v11 =	vmul.f32 v59, v8  }
0x106: {  	[tilespmem:v54+s18+$0x0] =	vst.idx.add.f32.msk $0xffff, v12  }
0x107: {  	v1 =	vunpack.i.l.bf16.f32 v4;
	[tilespmem:v54+s19+$0x0] =	vst.idx.add.f32.msk $0xffff, v11  }
0x108: {  	v4 =	vunpack.i.u.bf16.f32 v4;
	v1 =	vmul.f32 v1, v3;
	v9 =	vld.idx.msk [tilespmem:v43+s15+$0x0], $0xffff  }
0x109: {  	v3 =	vmul.f32 v4, v3;
	v63 =	vunpack.i.l.bf16.f32 v60  }
0x10a: {  	[tilespmem:v2+s20+$0x0] =	vst.idx.add.f32.msk $0xffff, v1;
	v1 =	vunpack.i.u.bf16.f32 v60;
	v4 =	vmul.f32 v63, v6  }
0x10b: {  	[tilespmem:v2+s21+$0x0] =	vst.idx.add.f32.msk $0xffff, v3;
	v1 =	vmul.f32 v1, v6;
	v61 =	vunpack.i.l.bf16.f32 v57  }
0x10c: {  	p0 =	seq.s32 s25, $0x18;
	[tilespmem:v5+s20+$0x0] =	vst.idx.add.f32.msk $0xffff, v4;
	v62 =	vunpack.i.u.bf16.f32 v57;
	v12 =	vmul.f32 v61, v7  }
.Ltmp6:
0x10d: {  	[tilespmem:v5+s21+$0x0] =	vst.idx.add.f32.msk $0xffff, v1;
	v7 =	vmul.f32 v62, v7;
	v2 =	vunpack.i.l.bf16.f32 v9;
	(pc) =	sbr.rel @p0 .LBB2_20-.Ltmp6, $4  }
0x10e: {  	[tilespmem:v47+s20+$0x0] =	vst.idx.add.f32.msk $0xffff, v12;
	v3 =	vunpack.i.u.bf16.f32 v9;
	v2 =	vmul.f32 v2, v8  }
0x10f: {  	[tilespmem:v47+s21+$0x0] =	vst.idx.add.f32.msk $0xffff, v7;
	v1 =	vmul.f32 v3, v8  }
0x110: {  	[tilespmem:v54+s20+$0x0] =	vst.idx.add.f32.msk $0xffff, v2  }
0x111: {  	[tilespmem:v54+s21+$0x0] =	vst.idx.add.f32.msk $0xffff, v1  }
0x112: {  	s0 =	sadd.s32 $0x2, s26  }
0x113: {  	s1 =	smul.u32 $0x320, s0;
	_ =	sdelay $0x1  }
0x114: {  	s28 =	simm.s32 $0xED00;
	s26 =	sadd.s32 s3, s1  }
0x115: {  	s29 =	simm.s32 $0x10;
	s30 =	simm.s32 $0xEE00;
	s1 =	sadd.s32 $0x0, s26  }
.LBB2_16:
0x116: {  	[tilespmem:s28], [sflag:$0x1] =	stream.linear.gather [hbm4b:s1+s2], $0x80, $0x38;
	[tilespmem:$0x13800] =	vst v63  }
0x117: {  	s1 =	smov.u32 s29;
	s28 =	smov.u32 s30;
	p0 =	sne.s32 s29, $0x310  }
.Ltmp7:
0x118: {  	s29 =	sadd.s32 $0x10, s29;
	(pc) =	sbr.rel @p0 .LBB2_16-.Ltmp7, $2  }
0x119: {  	_ =	sdelay $0x2  }
0x11a: {  	s30 =	sadd.s32 $0x100, s30;
	s1 =	sadd.s32 s1, s26  }
0x11b: {  	s0 =	smul.u32 $0x190, s0  }
0x11c: {  	[tilespmem:s28], [sflag:$0x1] =	stream.linear.gather [hbm4b:s1+s2], $0x80, $0x38;
	[tilespmem:$0x13800] =	vst v63  }
0x11d: {  	s26 =	simm.s32 $0x11F00;
	s0 =	sadd.s32 s4, s0  }
0x11e: {  	s28 =	simm.s32 $0x10;
	s29 =	simm.s32 $0x12000;
	s1 =	sadd.s32 $0x0, s0  }
.LBB2_18:
0x11f: {  	[tilespmem:s26], [sflag:$0x3] =	stream.linear.gather [hbm4b:s1+s2], $0x80, $0x38;
	[tilespmem:$0x13800] =	vst v63  }
0x120: {  	s1 =	smov.u32 s28;
	s26 =	smov.u32 s29;
	p0 =	sne.s32 s28, $0x180  }
.Ltmp8:
0x121: {  	s28 =	sadd.s32 $0x10, s28;
	(pc) =	sbr.rel @p0 .LBB2_18-.Ltmp8, $2  }
0x122: {  	_ =	sdelay $0x2  }
0x123: {  	s29 =	sadd.s32 $0x100, s29;
	s1 =	sadd.s32 s1, s0  }
0x124: {  	[tilespmem:s26], [sflag:$0x3] =	stream.linear.gather [hbm4b:s1+s2], $0x80, $0x38;
	[tilespmem:$0x13800] =	vst v63  }
.LBB2_20:
0x125: {  	_ =	swait.ge [sflag:s22], $0x1900  }
0x126: {  	s0 =	simm.s32 $0x0;
	[sflag:s22] =	ssyncset.done $0x0  }
0x127: {  	s0 =	sand.u32 $0x3, s0;
	[sflag:s22] =	ssyncadd.s32 $0xFFFFE700  }
0x128: {  	s0 =	sshll.u32 s0, $0x5;
	_ =	swait.ge [sflag:s23], $0xC80  }
0x129: {  	s0 =	sadd.s32 $0x20, s0;
	[sflag:s23] =	ssyncset.done $0x0  }
0x12a: {  	s0 =	sor.u32 $0x80, s0;
	[sflag:s23] =	ssyncadd.s32 $0xFFFFF380  }
0x12b: {  	v1 =	vld [tilespmem:s0+$0xED00];
	_ =	sdelay $0x4  }
0x12c: {  	s5 =	simm.s32 $0x0;
	v2 =	vand.u32 $0xFFFF, v1  }
0x12d: {  	s1 =	simm.s32 $0x10;
	s0 =	sand.u32 $0x1F00, s5  }
0x12e: {  	s1 =	sand.u32 $0x70, s1;
	s0 =	sadd.s32 $0x11F00, s0  }
0x12f: {  	s1 =	sor.u32 s1, s0  }
0x130: {  	v3 =	vld [tilespmem:s1+$0x80]  }
0x131: {  	v4 =	vld.idx.msk [tilespmem:v2+s2+$0x0], $0xffff;
	_ =	sdelay $0x1  }
0x132: {  	p0 =	por $0x0, $0x0;
	s1 =	simm.s32 $0x1  }
0x133: {  	s1 =	simm.s32 @!p0 $0x0;
	v1 =	vshrl.u32 v1, $0x10  }
0x134: {  	s1 =	sshll.u32 s1, $0x6  }
0x135: {  	s1 =	sadd.s32 $0x0, s1;
	v5 =	vunpack.i.l.bf16.f32 v3;
	v6 =	vunpack.i.l.bf16.f32 v4  }
0x136: {  	s5 =	sor.u32 $0xB0, s1;
	v4 =	vunpack.i.u.bf16.f32 v4;
	v6 =	vmul.f32 v6, v5  }
0x137: {  	v7 =	vld [tilespmem:s5+$0xED00];
	v4 =	vmul.f32 v4, v5  }
0x138: {  	[tilespmem:v1+s18+$0x0] =	vst.idx.add.f32.msk $0xffff, v6  }
0x139: {  	[tilespmem:v1+s19+$0x0] =	vst.idx.add.f32.msk $0xffff, v4  }
0x13a: {  	v2 =	vld.idx.msk [tilespmem:v2+s15+$0x0], $0xffff;
	_ =	sdelay $0x1  }
0x13b: {  	s26 =	simm.s32 $0x2;
	s5 =	sor.u32 $0x80, s1  }
0x13c: {  	s26 =	sand.u32 $0x3, s26;
	v4 =	vld [tilespmem:s5+$0xED00]  }
0x13d: {  	s5 =	sshll.u32 s26, $0x5  }
0x13e: {  	v8 =	vand.u32 $0xFFFF, v7;
	s5 =	sadd.s32 $0xA0, s5;
	v6 =	vunpack.i.l.bf16.f32 v2  }
0x13f: {  	s5 =	sor.u32 $0x80, s5;
	v2 =	vunpack.i.u.bf16.f32 v2;
	v6 =	vmul.f32 v6, v5  }
0x140: {  	v9 =	vld [tilespmem:s5+$0xED00];
	v2 =	vmul.f32 v2, v5  }
0x141: {  	v5 =	vand.u32 $0xFFFF, v4;
	[tilespmem:v1+s20+$0x0] =	vst.idx.add.f32.msk $0xffff, v6  }
0x142: {  	s26 =	simm.s32 $0x0;
	[tilespmem:v1+s21+$0x0] =	vst.idx.add.f32.msk $0xffff, v2  }
0x143: {  	s5 =	sand.u32 $0x60, s26;
	v1 =	vld.idx.msk [tilespmem:v8+s2+$0x0], $0xffff  }
0x144: {  	s0 =	sor.u32 s5, s0  }
0x145: {  	s5 =	simm.s32 $0x40;
	v6 =	vand.u32 $0xFFFF, v9;
	v2 =	vld [tilespmem:s0+$0x80]  }
0x146: {  	v7 =	vshrl.u32 v7, $0x10;
	s26 =	simm.s32 $0x30;
	s0 =	sand.u32 $0x1F00, s5;
	v10 =	vld.idx.msk [tilespmem:v5+s2+$0x0], $0xffff  }
0x147: {  	s1 =	sor.u32 $0x90, s1;
	s5 =	sand.u32 $0x70, s26;
	s0 =	sadd.s32 $0x11F00, s0  }
0x148: {  	v3 =	vunpack.i.u.bf16.f32 v3;
	v11 =	vld [tilespmem:s1+$0xED00];
	s5 =	sor.u32 s5, s0;
	v12 =	vunpack.i.l.bf16.f32 v1  }
0x149: {  	v4 =	vshrl.u32 v4, $0x10;
	v13 =	vld [tilespmem:s5+$0x80];
	v1 =	vunpack.i.u.bf16.f32 v1;
	v12 =	vmul.f32 v12, v3  }
0x14a: {  	v14 =	vld.idx.msk [tilespmem:v6+s2+$0x0], $0xffff;
	v1 =	vmul.f32 v1, v3  }
0x14b: {  	v15 =	vunpack.i.l.bf16.f32 v2;
	v16 =	vunpack.i.l.bf16.f32 v10;
	[tilespmem:v7+s18+$0x0] =	vst.idx.add.f32.msk $0xffff, v12  }
0x14c: {  	p0 =	por !p0, !p0;
	s1 =	simm.s32 $0x1;
	v10 =	vunpack.i.u.bf16.f32 v10;
	v12 =	vmul.f32 v16, v15;
	[tilespmem:v7+s19+$0x0] =	vst.idx.add.f32.msk $0xffff, v1  }
0x14d: {  	s1 =	simm.s32 @!p0 $0x0;
	v9 =	vshrl.u32 v9, $0x10;
	v1 =	vmul.f32 v10, v15;
	v8 =	vld.idx.msk [tilespmem:v8+s15+$0x0], $0xffff  }
0x14e: {  	s1 =	sshll.u32 s1, $0x6;
	[tilespmem:v4+s18+$0x0] =	vst.idx.add.f32.msk $0xffff, v12  }
0x14f: {  	s1 =	sadd.s32 $0x80, s1;
	v10 =	vunpack.i.l.bf16.f32 v13;
	v12 =	vunpack.i.l.bf16.f32 v14;
	[tilespmem:v4+s19+$0x0] =	vst.idx.add.f32.msk $0xffff, v1  }
0x150: {  	s26 =	sor.u32 $0xB0, s1;
	v1 =	vunpack.i.u.bf16.f32 v14;
	v12 =	vmul.f32 v12, v10;
	v5 =	vld.idx.msk [tilespmem:v5+s15+$0x0], $0xffff  }
0x151: {  	v14 =	vld [tilespmem:s26+$0xED00];
	v1 =	vmul.f32 v1, v10  }
0x152: {  	s26 =	simm.s32 $0x20;
	[tilespmem:v9+s18+$0x0] =	vst.idx.add.f32.msk $0xffff, v12  }
0x153: {  	s5 =	sand.u32 $0x60, s26;
	[tilespmem:v9+s19+$0x0] =	vst.idx.add.f32.msk $0xffff, v1;
	v12 =	vunpack.i.l.bf16.f32 v8  }
0x154: {  	s0 =	sor.u32 s5, s0;
	v6 =	vld.idx.msk [tilespmem:v6+s15+$0x0], $0xffff;
	v1 =	vmul.f32 v12, v3  }
0x155: {  	v16 =	vld [tilespmem:s0+$0x80];
	v12 =	vand.u32 $0xFFFF, v11;
	v17 =	vunpack.i.l.bf16.f32 v5  }
0x156: {  	s26 =	simm.s32 $0x4;
	s5 =	sor.u32 $0x80, s1;
	[tilespmem:v7+s20+$0x0] =	vst.idx.add.f32.msk $0xffff, v1;
	v1 =	vunpack.i.u.bf16.f32 v5;
	v5 =	vmul.f32 v17, v15  }
0x157: {  	v17 =	vld [tilespmem:s5+$0xED00];
	s5 =	sand.u32 $0x3, s26;
	v1 =	vmul.f32 v1, v15  }
0x158: {  	s0 =	sshll.u32 s5, $0x5;
	[tilespmem:v4+s20+$0x0] =	vst.idx.add.f32.msk $0xffff, v5  }
0x159: {  	v15 =	vand.u32 $0xFFFF, v14;
	s0 =	sadd.s32 $0x120, s0;
	v5 =	vunpack.i.l.bf16.f32 v6;
	[tilespmem:v4+s21+$0x0] =	vst.idx.add.f32.msk $0xffff, v1  }
0x15a: {  	s0 =	sor.u32 $0x80, s0;
	v1 =	vunpack.i.u.bf16.f32 v6;
	v4 =	vmul.f32 v5, v10;
	v5 =	vld.idx.msk [tilespmem:v12+s2+$0x0], $0xffff  }
0x15b: {  	v6 =	vld [tilespmem:s0+$0xED00];
	v10 =	vmul.f32 v1, v10  }
0x15c: {  	v8 =	vunpack.i.u.bf16.f32 v8;
	v18 =	vand.u32 $0xFFFF, v17;
	[tilespmem:v9+s20+$0x0] =	vst.idx.add.f32.msk $0xffff, v4  }
0x15d: {  	v3 =	vmul.f32 v8, v3;
	v1 =	vshrl.u32 v11, $0x10;
	[tilespmem:v9+s21+$0x0] =	vst.idx.add.f32.msk $0xffff, v10  }
0x15e: {  	v4 =	vld.idx.msk [tilespmem:v15+s2+$0x0], $0xffff  }
0x15f: {  	s26 =	sor.u32 $0x90, s1;
	[tilespmem:v7+s21+$0x0] =	vst.idx.add.f32.msk $0xffff, v3;
	v10 =	vunpack.i.u.bf16.f32 v2;
	v2 =	vunpack.i.l.bf16.f32 v5  }
0x160: {  	s1 =	simm.s32 $0x80;
	v3 =	vld [tilespmem:s26+$0xED00];
	v5 =	vunpack.i.u.bf16.f32 v5;
	v7 =	vand.u32 $0xFFFF, v6;
	v2 =	vmul.f32 v2, v10  }
0x161: {  	s5 =	simm.s32 $0x50;
	s0 =	sand.u32 $0x1F00, s1;
	v9 =	vshrl.u32 v14, $0x10;
	v8 =	vld.idx.msk [tilespmem:v18+s2+$0x0], $0xffff;
	v5 =	vmul.f32 v5, v10  }
0x162: {  	s1 =	sand.u32 $0x70, s5;
	s0 =	sadd.s32 $0x11F00, s0;
	[tilespmem:v1+s18+$0x0] =	vst.idx.add.f32.msk $0xffff, v2  }
0x163: {  	s1 =	sor.u32 s1, s0;
	v2 =	vunpack.i.u.bf16.f32 v13;
	v11 =	vunpack.i.l.bf16.f32 v4;
	[tilespmem:v1+s19+$0x0] =	vst.idx.add.f32.msk $0xffff, v5  }
0x164: {  	s26 =	simm.s32 $0x40;
	v5 =	vld [tilespmem:s1+$0x80];
	v11 =	vmul.f32 v11, v2  }
0x165: {  	v4 =	vunpack.i.u.bf16.f32 v4;
	v13 =	vshrl.u32 v17, $0x10;
	s1 =	sand.u32 $0x60, s26;
	v14 =	vld.idx.msk [tilespmem:v7+s2+$0x0], $0xffff  }
0x166: {  	v4 =	vmul.f32 v4, v2;
	s0 =	sor.u32 s1, s0;
	[tilespmem:v9+s18+$0x0] =	vst.idx.add.f32.msk $0xffff, v11  }
0x167: {  	v11 =	vunpack.i.l.bf16.f32 v16;
	v17 =	vunpack.i.l.bf16.f32 v8;
	v19 =	vld [tilespmem:s0+$0x80]  }
0x168: {  	p0 =	por !p0, !p0;
	s1 =	simm.s32 $0x1;
	[tilespmem:v9+s19+$0x0] =	vst.idx.add.f32.msk $0xffff, v4;
	v4 =	vunpack.i.u.bf16.f32 v8;
	v8 =	vmul.f32 v17, v11  }
0x169: {  	v6 =	vshrl.u32 v6, $0x10;
	s1 =	simm.s32 @!p0 $0x0;
	v15 =	vld.idx.msk [tilespmem:v15+s15+$0x0], $0xffff;
	v4 =	vmul.f32 v4, v11  }
0x16a: {  	s5 =	sshll.u32 s1, $0x6;
	[tilespmem:v13+s18+$0x0] =	vst.idx.add.f32.msk $0xffff, v8  }
0x16b: {  	s0 =	sadd.s32 $0x100, s5;
	v8 =	vunpack.i.l.bf16.f32 v5;
	v17 =	vunpack.i.l.bf16.f32 v14;
	[tilespmem:v13+s19+$0x0] =	vst.idx.add.f32.msk $0xffff, v4  }
0x16c: {  	s26 =	sor.u32 $0xB0, s0;
	v4 =	vunpack.i.u.bf16.f32 v14;
	v14 =	vmul.f32 v17, v8;
	v17 =	vld.idx.msk [tilespmem:v18+s15+$0x0], $0xffff  }
0x16d: {  	v18 =	vld [tilespmem:s26+$0xED00];
	v4 =	vmul.f32 v4, v8  }
0x16e: {  	[tilespmem:v6+s18+$0x0] =	vst.idx.add.f32.msk $0xffff, v14;
	v14 =	vunpack.i.l.bf16.f32 v15  }
0x16f: {  	[tilespmem:v6+s19+$0x0] =	vst.idx.add.f32.msk $0xffff, v4;
	v4 =	vunpack.i.u.bf16.f32 v15;
	v14 =	vmul.f32 v14, v2  }
0x170: {  	v7 =	vld.idx.msk [tilespmem:v7+s15+$0x0], $0xffff;
	v2 =	vmul.f32 v4, v2  }
0x171: {  	v4 =	vand.u32 $0xFFFF, v3;
	[tilespmem:v9+s20+$0x0] =	vst.idx.add.f32.msk $0xffff, v14;
	v14 =	vunpack.i.l.bf16.f32 v17  }
0x172: {  	s5 =	sor.u32 $0x80, s0;
	s26 =	simm.s32 $0x6;
	v15 =	vunpack.i.u.bf16.f32 v17;
	[tilespmem:v9+s21+$0x0] =	vst.idx.add.f32.msk $0xffff, v2;
	v2 =	vmul.f32 v14, v11  }
0x173: {  	s26 =	sand.u32 $0x3, s26;
	v9 =	vld [tilespmem:s5+$0xED00];
	v11 =	vmul.f32 v15, v11  }
0x174: {  	s1 =	sshll.u32 s26, $0x5;
	[tilespmem:v13+s20+$0x0] =	vst.idx.add.f32.msk $0xffff, v2  }
0x175: {  	s1 =	sadd.s32 $0x1A0, s1;
	[tilespmem:v13+s21+$0x0] =	vst.idx.add.f32.msk $0xffff, v11  }
0x176: {  	s1 =	sor.u32 $0x80, s1;
	v14 =	vand.u32 $0xFFFF, v18;
	v2 =	vunpack.i.l.bf16.f32 v7;
	v11 =	vld.idx.msk [tilespmem:v4+s2+$0x0], $0xffff  }
0x177: {  	v7 =	vunpack.i.u.bf16.f32 v7;
	v13 =	vld [tilespmem:s1+$0xED00];
	v2 =	vmul.f32 v2, v8  }
0x178: {  	v12 =	vld.idx.msk [tilespmem:v12+s15+$0x0], $0xffff;
	v7 =	vmul.f32 v7, v8;
	v15 =	vand.u32 $0xFFFF, v9  }
0x179: {  	[tilespmem:v6+s20+$0x0] =	vst.idx.add.f32.msk $0xffff, v2;
	v2 =	vshrl.u32 v3, $0x10  }
0x17a: {  	[tilespmem:v6+s21+$0x0] =	vst.idx.add.f32.msk $0xffff, v7  }
0x17b: {  	s0 =	sor.u32 $0x90, s0;
	s26 =	simm.s32 $0xC0;
	v3 =	vunpack.i.u.bf16.f32 v16;
	v6 =	vld.idx.msk [tilespmem:v14+s2+$0x0], $0xffff;
	v7 =	vunpack.i.l.bf16.f32 v11  }
0x17c: {  	s28 =	simm.s32 $0x70;
	v20 =	vld [tilespmem:s0+$0xED00];
	s1 =	sand.u32 $0x1F00, s26;
	v8 =	vunpack.i.u.bf16.f32 v11;
	v11 =	vand.u32 $0xFFFF, v13;
	v7 =	vmul.f32 v7, v3  }
0x17d: {  	s5 =	sand.u32 $0x70, s28;
	s0 =	sadd.s32 $0x11F00, s1;
	v16 =	vld.idx.msk [tilespmem:v15+s2+$0x0], $0xffff  }
0x17e: {  	v21 =	vshrl.u32 v18, $0x10;
	s1 =	sor.u32 s5, s0;
	v8 =	vmul.f32 v8, v3;
	[tilespmem:v2+s18+$0x0] =	vst.idx.add.f32.msk $0xffff, v7  }
0x17f: {  	s5 =	simm.s32 $0x60;
	v7 =	vld [tilespmem:s1+$0x80]  }
0x180: {  	v22 =	vunpack.i.u.bf16.f32 v5;
	s1 =	sand.u32 $0x60, s5;
	v5 =	vunpack.i.l.bf16.f32 v6;
	[tilespmem:v2+s19+$0x0] =	vst.idx.add.f32.msk $0xffff, v8  }
0x181: {  	v6 =	vunpack.i.u.bf16.f32 v6;
	v8 =	vshrl.u32 v9, $0x10;
	s0 =	sor.u32 s1, s0;
	v5 =	vmul.f32 v5, v22;
	v9 =	vld.idx.msk [tilespmem:v11+s2+$0x0], $0xffff  }
0x182: {  	v6 =	vmul.f32 v6, v22;
	v24 =	vld [tilespmem:s0+$0x80]  }
0x183: {  	v23 =	vunpack.i.l.bf16.f32 v19;
	[tilespmem:v21+s18+$0x0] =	vst.idx.add.f32.msk $0xffff, v5;
	v5 =	vunpack.i.l.bf16.f32 v16  }
0x184: {  	p0 =	por !p0, !p0;
	s1 =	simm.s32 $0x1;
	[tilespmem:v21+s19+$0x0] =	vst.idx.add.f32.msk $0xffff, v6;
	v6 =	vunpack.i.u.bf16.f32 v16;
	v5 =	vmul.f32 v5, v23  }
0x185: {  	v17 =	vshrl.u32 v13, $0x10;
	s1 =	simm.s32 @!p0 $0x0;
	v14 =	vld.idx.msk [tilespmem:v14+s15+$0x0], $0xffff;
	v6 =	vmul.f32 v6, v23  }
0x186: {  	s1 =	sshll.u32 s1, $0x6;
	[tilespmem:v8+s18+$0x0] =	vst.idx.add.f32.msk $0xffff, v5  }
0x187: {  	s0 =	sadd.s32 $0x180, s1;
	v18 =	vunpack.i.l.bf16.f32 v7;
	v5 =	vunpack.i.l.bf16.f32 v9;
	[tilespmem:v8+s19+$0x0] =	vst.idx.add.f32.msk $0xffff, v6  }
0x188: {  	s5 =	sor.u32 $0xB0, s0;
	v6 =	vunpack.i.u.bf16.f32 v9;
	v5 =	vmul.f32 v5, v18;
	v25 =	vld.idx.msk [tilespmem:v15+s15+$0x0], $0xffff  }
0x189: {  	v16 =	vld [tilespmem:s5+$0xED00];
	v9 =	vmul.f32 v6, v18  }
0x18a: {  	[tilespmem:v17+s18+$0x0] =	vst.idx.add.f32.msk $0xffff, v5;
	v13 =	vunpack.i.l.bf16.f32 v14  }
0x18b: {  	v6 =	vunpack.i.u.bf16.f32 v19;
	[tilespmem:v17+s19+$0x0] =	vst.idx.add.f32.msk $0xffff, v9;
	v9 =	vunpack.i.u.bf16.f32 v14;
	v14 =	vmul.f32 v13, v22  }
0x18c: {  	v13 =	vunpack.i.u.bf16.f32 v12;
	v12 =	vunpack.i.l.bf16.f32 v12;
	v19 =	vld.idx.msk [tilespmem:v11+s15+$0x0], $0xffff;
	v11 =	vmul.f32 v9, v22  }
0x18d: {  	v15 =	vmul.f32 v12, v10;
	v12 =	vunpack.i.u.bf16.f32 v25  }
0x18e: {  	v5 =	vshrl.u32 v20, $0x10;
	v9 =	vand.u32 $0xFFFF, v20;
	[tilespmem:v21+s20+$0x0] =	vst.idx.add.f32.msk $0xffff, v14  }
0x18f: {  	s29 =	simm.s32 $0x1A0;
	s5 =	sor.u32 $0x80, s0;
	v13 =	vmul.f32 v13, v10;
	v10 =	vunpack.i.u.bf16.f32 v24;
	v20 =	vunpack.i.l.bf16.f32 v25;
	[tilespmem:v21+s21+$0x0] =	vst.idx.add.f32.msk $0xffff, v11  }
0x190: {  	s30 =	simm.s32 $0x180;
	s31 =	simm.s32 $0x8;
	s0 =	sor.u32 $0x90, s0;
	v14 =	vunpack.i.l.bf16.f32 v24;
	v21 =	vld [tilespmem:s5+$0xED00];
	v22 =	vmul.f32 v20, v23;
	v20 =	vmul.f32 v12, v23;
	v11 =	vmovc v5;
	v12 =	vmovc v5  }
.LBB2_21:
0x191: {  	s1 =	sand.u32 $0x3, s31;
	v23 =	vld [tilespmem:s0+$0xED00]  }
0x192: {  	s29 =	sadd.s32 $0x80, s29;
	s0 =	sshll.u32 s1, $0x5;
	[tilespmem:v8+s20+$0x0] =	vst.idx.add.f32.msk $0xffff, v22  }
0x193: {  	v24 =	vand.u32 $0xFFFF, v16;
	v22 =	vunpack.i.l.bf16.f32 v19;
	s0 =	sadd.s32 s0, s29;
	[tilespmem:v8+s21+$0x0] =	vst.idx.add.f32.msk $0xffff, v20  }
0x194: {  	v19 =	vunpack.i.u.bf16.f32 v19;
	v20 =	vmul.f32 v22, v18;
	s0 =	sor.u32 $0x80, s0;
	v22 =	vld.idx.msk [tilespmem:v9+s2+$0x0], $0xffff  }
0x195: {  	v18 =	vmul.f32 v19, v18;
	v25 =	vld [tilespmem:s0+$0xED00];
	v8 =	vshrl.u32 v21, $0x10;
	v21 =	vand.u32 $0xFFFF, v21  }
0x196: {  	v19 =	vshrl.u32 v23, $0x10;
	v23 =	vand.u32 $0xFFFF, v23;
	[tilespmem:v17+s20+$0x0] =	vst.idx.add.f32.msk $0xffff, v20  }
0x197: {  	[tilespmem:v17+s21+$0x0] =	vst.idx.add.f32.msk $0xffff, v18  }
0x198: {  	v17 =	vld.idx.msk [tilespmem:v24+s2+$0x0], $0xffff  }
0x199: {  	v18 =	vld.idx.msk [tilespmem:v4+s15+$0x0], $0xffff;
	v4 =	vmov v9;
	v9 =	vmov v23  }
0x19a: {  	v23 =	vunpack.i.u.bf16.f32 v22;
	v22 =	vunpack.i.l.bf16.f32 v22;
	v20 =	vld.idx.msk [tilespmem:v21+s2+$0x0], $0xffff  }
0x19b: {  	s26 =	sadd.s32 $0x40, s26;
	v26 =	vand.u32 $0xFFFF, v25;
	v22 =	vmul.f32 v22, v6;
	v23 =	vmul.f32 v23, v6;
	[tilespmem:v1+s20+$0x0] =	vst.idx.add.f32.msk $0xffff, v15  }
0x19c: {  	v27 =	vshrl.u32 v16, $0x10;
	s28 =	sadd.s32 $0x20, s28;
	p1 =	slt.u32 s26, $0x18C0;
	s0 =	sand.u32 $0x1F00, s26;
	[tilespmem:v1+s21+$0x0] =	vst.idx.add.f32.msk $0xffff, v13;
	v1 =	vmovc v2;
	v2 =	vmov v5;
	v5 =	vmov v19  }
0x19d: {  	s1 =	sadd.s32 $0xFFFFFFF0, s28;
	s5 =	sand.u32 $0x70, s28;
	s0 =	sadd.s32 $0x11F00, s0;
	[tilespmem:v12+s18+$0x0] =	vst.idx.add.f32.msk $0xffff, v22;
	v12 =	vmov v19  }
0x19e: {  	s1 =	sand.u32 $0x60, s1;
	s5 =	sor.u32 s5, s0;
	v22 =	vunpack.i.u.bf16.f32 v7;
	v13 =	vunpack.i.l.bf16.f32 v17;
	[tilespmem:v11+s19+$0x0] =	vst.idx.add.f32.msk $0xffff, v23;
	v11 =	vmov v19  }
0x19f: {  	s0 =	sor.u32 s1, s0;
	v15 =	vunpack.i.u.bf16.f32 v17;
	v13 =	vmul.f32 v13, v22;
	v16 =	vunpack.i.u.bf16.f32 v18;
	v7 =	vld [tilespmem:s5+$0x80]  }
0x1a0: {  	v15 =	vmul.f32 v15, v22;
	v17 =	vunpack.i.u.bf16.f32 v20;
	v20 =	vunpack.i.l.bf16.f32 v20;
	v19 =	vld.idx.msk [tilespmem:v26+s2+$0x0], $0xffff  }
0x1a1: {  	v20 =	vmul.f32 v20, v14;
	v23 =	vmul.f32 v17, v14;
	[tilespmem:v27+s18+$0x0] =	vst.idx.add.f32.msk $0xffff, v13;
	v13 =	vunpack.i.l.bf16.f32 v18  }
0x1a2: {  	[tilespmem:v27+s19+$0x0] =	vst.idx.add.f32.msk $0xffff, v15;
	v15 =	vmul.f32 v13, v3;
	v13 =	vmul.f32 v16, v3;
	v3 =	vmov v6  }
0x1a3: {  	p0 =	por !p0, !p0;
	s1 =	simm.s32 $0x1;
	v6 =	vmov v10;
	v24 =	vld.idx.msk [tilespmem:v24+s15+$0x0], $0xffff  }
0x1a4: {  	s1 =	simm.s32 @!p0 $0x0;
	v17 =	vshrl.u32 v25, $0x10;
	v28 =	vld [tilespmem:s0+$0x80]  }
0x1a5: {  	s30 =	sadd.s32 $0x80, s30;
	s0 =	sshll.u32 s1, $0x6;
	[tilespmem:v8+s18+$0x0] =	vst.idx.add.f32.msk $0xffff, v20  }
0x1a6: {  	v18 =	vunpack.i.l.bf16.f32 v7;
	s1 =	sadd.s32 s0, s30;
	v10 =	vunpack.i.l.bf16.f32 v19;
	[tilespmem:v8+s19+$0x0] =	vst.idx.add.f32.msk $0xffff, v23  }
0x1a7: {  	v19 =	vunpack.i.u.bf16.f32 v19;
	s5 =	sor.u32 $0x80, s1;
	s0 =	sor.u32 $0x90, s1;
	s1 =	sor.u32 $0xB0, s1;
	v20 =	vmul.f32 v10, v18;
	v21 =	vld.idx.msk [tilespmem:v21+s15+$0x0], $0xffff  }
0x1a8: {  	v19 =	vmul.f32 v19, v18;
	v16 =	vld [tilespmem:s1+$0xED00]  }
0x1a9: {  	v10 =	vunpack.i.u.bf16.f32 v28;
	v23 =	vunpack.i.l.bf16.f32 v28;
	[tilespmem:v17+s18+$0x0] =	vst.idx.add.f32.msk $0xffff, v20;
	v20 =	vunpack.i.l.bf16.f32 v24  }
.Ltmp9:
0x1aa: {  	v24 =	vunpack.i.u.bf16.f32 v24;
	[tilespmem:v17+s19+$0x0] =	vst.idx.add.f32.msk $0xffff, v19;
	v20 =	vmul.f32 v20, v22;
	(pc) =	sbr.rel @p1 .LBB2_21-.Ltmp9, $4  }
0x1ab: {  	v22 =	vmul.f32 v24, v22;
	v19 =	vld.idx.msk [tilespmem:v26+s15+$0x0], $0xffff  }
0x1ac: {  	[tilespmem:v27+s20+$0x0] =	vst.idx.add.f32.msk $0xffff, v20  }
0x1ad: {  	v20 =	vunpack.i.u.bf16.f32 v21;
	v24 =	vunpack.i.l.bf16.f32 v21;
	[tilespmem:v27+s21+$0x0] =	vst.idx.add.f32.msk $0xffff, v22  }
0x1ae: {  	s31 =	sadd.s32 $0x2, s31;
	v22 =	vmul.f32 v24, v14;
	v20 =	vmul.f32 v20, v14;
	v14 =	vmov v23;
	v21 =	vld [tilespmem:s5+$0xED00]  }
0x1af: {  	_ =	sdelay $0x3  }
0x1b0: {  	v23 =	vand.u32 $0xFFFF, v21;
	_ =	sdelay $0x4  }
0x1b1: {  	v24 =	vld.idx.msk [tilespmem:v23+s2+$0x0], $0xffff;
	_ =	sdelay $0x2  }
0x1b2: {  	v39 =	vshrl.u32 v21, $0x10;
	_ =	sdelay $0x1  }
0x1b3: {  	v25 =	vunpack.i.l.bf16.f32 v24  }
0x1b4: {  	v26 =	vld [tilespmem:s0+$0xED00];
	v24 =	vunpack.i.u.bf16.f32 v24;
	v25 =	vmul.f32 v25, v14  }
0x1b5: {  	v4 =	vld.idx.msk [tilespmem:v4+s15+$0x0], $0xffff;
	v24 =	vmul.f32 v24, v14  }
0x1b6: {  	[tilespmem:v39+s18+$0x0] =	vst.idx.add.f32.msk $0xffff, v25  }
0x1b7: {  	[tilespmem:v39+s19+$0x0] =	vst.idx.add.f32.msk $0xffff, v24  }
0x1b8: {  	v23 =	vld.idx.msk [tilespmem:v23+s15+$0x0], $0xffff  }
0x1b9: {  	[tilespmem:v1+s20+$0x0] =	vst.idx.add.f32.msk $0xffff, v15  }
0x1ba: {  	v41 =	vand.u32 $0xFFFF, v16;
	v40 =	vunpack.i.l.bf16.f32 v19;
	[tilespmem:v8+s20+$0x0] =	vst.idx.add.f32.msk $0xffff, v22  }
0x1bb: {  	v42 =	vunpack.i.u.bf16.f32 v19;
	[tilespmem:v8+s21+$0x0] =	vst.idx.add.f32.msk $0xffff, v20;
	v25 =	vmul.f32 v40, v18  }
0x1bc: {  	v43 =	vmul.f32 v42, v18;
	v46 =	vld.idx.msk [tilespmem:v9+s2+$0x0], $0xffff  }
0x1bd: {  	v44 =	vand.u32 $0xFFFF, v26;
	[tilespmem:v17+s20+$0x0] =	vst.idx.add.f32.msk $0xffff, v25;
	v45 =	vunpack.i.l.bf16.f32 v23  }
0x1be: {  	[tilespmem:v17+s21+$0x0] =	vst.idx.add.f32.msk $0xffff, v43;
	v47 =	vunpack.i.u.bf16.f32 v23;
	v18 =	vmul.f32 v45, v14  }
0x1bf: {  	v17 =	vld.idx.msk [tilespmem:v41+s2+$0x0], $0xffff;
	v49 =	vmul.f32 v47, v14  }
0x1c0: {  	[tilespmem:v39+s20+$0x0] =	vst.idx.add.f32.msk $0xffff, v18  }
0x1c1: {  	v54 =	vunpack.i.l.bf16.f32 v46;
	[tilespmem:v39+s21+$0x0] =	vst.idx.add.f32.msk $0xffff, v49  }
0x1c2: {  	v48 =	vshrl.u32 v16, $0x10;
	v19 =	vunpack.i.u.bf16.f32 v46;
	v15 =	vmul.f32 v54, v6;
	v53 =	vld.idx.msk [tilespmem:v44+s2+$0x0], $0xffff  }
0x1c3: {  	[tilespmem:v1+s21+$0x0] =	vst.idx.add.f32.msk $0xffff, v13;
	v56 =	vmul.f32 v19, v6  }
0x1c4: {  	v7 =	vunpack.i.u.bf16.f32 v7;
	[tilespmem:v12+s18+$0x0] =	vst.idx.add.f32.msk $0xffff, v15;
	v50 =	vunpack.i.l.bf16.f32 v17  }
0x1c5: {  	v55 =	vshrl.u32 v26, $0x10;
	[tilespmem:v11+s19+$0x0] =	vst.idx.add.f32.msk $0xffff, v56;
	v51 =	vunpack.i.u.bf16.f32 v17;
	v52 =	vmul.f32 v50, v7  }
0x1c6: {  	v60 =	vld.idx.msk [tilespmem:v9+s15+$0x0], $0xffff;
	v14 =	vmul.f32 v51, v7  }
0x1c7: {  	[tilespmem:v48+s18+$0x0] =	vst.idx.add.f32.msk $0xffff, v52;
	v58 =	vunpack.i.l.bf16.f32 v53  }
0x1c8: {  	[tilespmem:v48+s19+$0x0] =	vst.idx.add.f32.msk $0xffff, v14;
	v59 =	vunpack.i.u.bf16.f32 v53;
	v12 =	vmul.f32 v58, v10  }
0x1c9: {  	v57 =	vld.idx.msk [tilespmem:v41+s15+$0x0], $0xffff;
	v11 =	vmul.f32 v59, v10  }
0x1ca: {  	[tilespmem:v55+s18+$0x0] =	vst.idx.add.f32.msk $0xffff, v12  }
0x1cb: {  	v1 =	vunpack.i.l.bf16.f32 v4;
	[tilespmem:v55+s19+$0x0] =	vst.idx.add.f32.msk $0xffff, v11  }
0x1cc: {  	v4 =	vunpack.i.u.bf16.f32 v4;
	v1 =	vmul.f32 v1, v3;
	v8 =	vld.idx.msk [tilespmem:v44+s15+$0x0], $0xffff  }
0x1cd: {  	v3 =	vmul.f32 v4, v3;
	v63 =	vunpack.i.l.bf16.f32 v60  }
0x1ce: {  	[tilespmem:v2+s20+$0x0] =	vst.idx.add.f32.msk $0xffff, v1;
	v1 =	vunpack.i.u.bf16.f32 v60;
	v4 =	vmul.f32 v63, v6  }
0x1cf: {  	s25 =	sadd.s32 $0x1, s25;
	[tilespmem:v2+s21+$0x0] =	vst.idx.add.f32.msk $0xffff, v3;
	v1 =	vmul.f32 v1, v6;
	v61 =	vunpack.i.l.bf16.f32 v57  }
0x1d0: {  	p0 =	sne.s32 s25, $0x19;
	[tilespmem:v5+s20+$0x0] =	vst.idx.add.f32.msk $0xffff, v4;
	v62 =	vunpack.i.u.bf16.f32 v57;
	v12 =	vmul.f32 v61, v7  }
.Ltmp10:
0x1d1: {  	[tilespmem:v5+s21+$0x0] =	vst.idx.add.f32.msk $0xffff, v1;
	v7 =	vmul.f32 v62, v7;
	v2 =	vunpack.i.l.bf16.f32 v8;
	(pc) =	sbr.rel @p0 .LBB2_8-.Ltmp10, $4  }
0x1d2: {  	[tilespmem:v48+s20+$0x0] =	vst.idx.add.f32.msk $0xffff, v12;
	v3 =	vunpack.i.u.bf16.f32 v8;
	v2 =	vmul.f32 v2, v10  }
0x1d3: {  	[tilespmem:v48+s21+$0x0] =	vst.idx.add.f32.msk $0xffff, v7;
	v1 =	vmul.f32 v3, v10  }
0x1d4: {  	[tilespmem:v55+s20+$0x0] =	vst.idx.add.f32.msk $0xffff, v2  }
0x1d5: {  	[tilespmem:v55+s21+$0x0] =	vst.idx.add.f32.msk $0xffff, v1  }
0x1d6: {  	[hbm4b:s7+s12] =	stream.strided.scatter [tilespmem:s18], [sflag:$0x5], $0x2780, s13, s12, $0x38;
	[tilespmem:$0x13800] =	vst v63  }
0x1d7: {  	_ =	swait.ge [sflag:s14], $0x2780  }
0x1d8: {  	[sflag:s14] =	ssyncset.done $0x0  }
0x1d9: {  	[sflag:s14] =	ssyncadd.s32 $0xFFFFD880  }
0x1da: {  	[hbm4b:s8+s12] =	stream.strided.scatter [tilespmem:s19], [sflag:$0x5], $0x2780, s13, s12, $0x38;
	[tilespmem:$0x13800] =	vst v63  }
0x1db: {  	_ =	swait.ge [sflag:s14], $0x2780  }
0x1dc: {  	[sflag:s14] =	ssyncset.done $0x0  }
0x1dd: {  	[sflag:s14] =	ssyncadd.s32 $0xFFFFD880  }
0x1de: {  	[hbm4b:s9+s12] =	stream.strided.scatter [tilespmem:s20], [sflag:$0x5], $0x2780, s13, s12, $0x38;
	[tilespmem:$0x13800] =	vst v63  }
0x1df: {  	s24 =	sadd.s32 $0x1, s24;
	_ =	swait.ge [sflag:s14], $0x2780  }
0x1e0: {  	p0 =	sne.s32 s24, s11;
	[sflag:s14] =	ssyncset.done $0x0  }
.Ltmp11:
0x1e1: {  	[sflag:s14] =	ssyncadd.s32 $0xFFFFD880;
	(pc) =	sbr.rel @p0 .LBB2_1-.Ltmp11, $4  }
0x1e2: {  	[hbm4b:s10+s12] =	stream.strided.scatter [tilespmem:s21], [sflag:$0x5], $0x2780, s13, s12, $0x38;
	[tilespmem:$0x13800] =	vst v63  }
0x1e3: {  	_ =	swait.ge [sflag:s14], $0x2780  }
0x1e4: {  	[sflag:s14] =	ssyncset.done $0x0  }
0x1e5: {  	[sflag:s14] =	ssyncadd.s32 $0xFFFFD880  }
0x1e6: {  	_ =	sfence.sel $0x180000  }
0x1e7: {  	[bflag:$0x0] =	sbarrier.arrive $0xFFFF  }
0x1e8: {  	_ =	strace $0x9000004D  }
0x1e9: {  	s0 =	stileid.u32;
	[bflag:$0x2] =	sbarrier.arrive $0xFFFF  }
0x1ea: {  	p0 =	sne.s32 s0, $0x0;
	s0 =	rddreg [dreg:$0x2]  }
0x1eb: {  	s0 =	sadd.s32 @!p0 $0x100000, s0  }
0x1ec: {  	[sflag:s0] =	ssyncadd.tile.s32 @!p0 $0x1;
	_ =	shalt  }
.Lfunc_end2:
_tile_overlayer_lowered:
.L_overlay_start_2:
0x1ed: {  	(tag) =	ssettag $0x2  }
0x1ee: {  	s0 =	rddreg [dreg:$0x0];
	s2 =	stileid.u32  }
0x1ef: {  	s1 =	rddreg [dreg:$0x1];
	p0 =	sne.s32 s2, $0x0  }
0x1f0: {  	s3 =	rddreg [dreg:$0x2];
	[bflag:$0x3] =	sbarrier.arrive $0xFFFF;
	s2 =	simm.s32 @!p0 $0x1C05  }
0x1f1: {  	[timem:s3], [sflag:s2] =	dma.local @!p0 [hbm:s0], s1  }
0x1f2: {  	s0 =	simm.s32 @!p0 $0x5  }
0x1f3: {  	_ =	swait.ge @!p0 [sflag:s0], s1  }
0x1f4: {  	s1 =	ssub.s32 @!p0 $0x0, s1;
	[sflag:s0] =	ssyncset.done @!p0 $0x0  }
0x1f5: {  	[sflag:s0] =	ssyncadd.s32 @!p0 s1  }
0x1f6: {  	[bflag:$0x3] =	sbarrier.arrive $0xFFFF  }
0x1f7: {  	_ =	shalt  }

// kernel: kernel.8.cloned.1.call-start
scs
__scs_entry_jumppad:
0x0: {  	(pc) =	sbr.rel $0x88, $3  }
0x1: {  	(tag) =	ssettag $0x0;
	lr =	simm.s32 $0x1  }
0x2: {  	[smem:$0x3F98] =	sst lr;
	_ =	strace $0xD0000000  }
0x3: {  	_ = 	snop  }
0x4: {  	_ = 	snop  }
0x5: {  	_ = 	snop  }
0x6: {  	_ = 	snop  }
0x7: {  	_ = 	snop  }
__scs_overlays_trampoline_lowered:
0x8: {  	[smem:$0x3FA7] =	sst s0  }
0x9: {  	[smem:$0x3FA8] =	sst s1  }
0xa: {  	[smem:$0x3FA9] =	sst s2  }
0xb: {  	[smem:$0x3FAA] =	sst s3  }
0xc: {  	[smem:$0x3FAB] =	sst s4  }
0xd: {  	[smem:$0x3FAC] =	sst s5  }
0xe: {  	[smem:$0x3FAD] =	sst s6  }
0xf: {  	[smem:$0x3FAE] =	sst s7  }
0x10: {  	[smem:$0x3FAF] =	sst s8  }
0x11: {  	[smem:$0x3FB0] =	sst s9;
	s0 =	simm.s32 @!p0 $0x0  }
0x12: {  	s1 =	sld [smem:$0x3F96];
	s0 =	simm.s32 @p0 $0x1  }
0x13: {  	[smem:$0x3FB1] =	sst s0;
	s0 =	simm.s32 @!p1 $0x0  }
0x14: {  	s2 =	sld [smem:$0x3F95];
	s0 =	simm.s32 @p1 $0x1  }
0x15: {  	[smem:$0x3FB2] =	sst s0;
	s0 =	simm.s32 @!p2 $0x0  }
0x16: {  	s3 =	sld [smem:$0x3FDB];
	s0 =	simm.s32 @p2 $0x1  }
0x17: {  	s4 =	simm.s32 $0x1BF5;
	[smem:$0x3FB4] =	sst s0  }
0x18: {  	s0 =	sld [smem:$0x3F97];
	_ =	swait.ge [sflag:s4], $0x0  }
0x19: {  	s7 =	sld [smem:$0x3F98]  }
0x1a: {  	s8 =	sadd.s32 $0xFFFFE003, lr  }
0x1b: {  	s9 =	sadd.s32 $0xFFFFFEF7, lr;
	s5 =	simm.s32 $0xFFFFFFFF;
	p2 =	slt.u32 s8, $0xFFFFF086  }
0x1c: {  	p1 =	slt.u32 s9, $0xF7A;
	s5 =	simm.s32 @!p2 $0x0  }
0x1d: {  	s5 =	simm.s32 @p1 $0x1;
	p0 =	seq.s32 s7, s2  }
0x1e: {  	s7 =	smul.u32 @!p0 $0xF7A, s2;
	p2 =	seq.s32 @!p0 s5, $0x0  }
0x1f: {  	s9 =	smul.u32 $0xF7A, s1;
	s8 =	simm.s32 @!p0 $0x1BF5;
	p2 =	por !p2, p0  }
0x20: {  	[sflag:s8] =	ssyncset.s32 @!p0 $0xFFFFF086;
	s6 =	sadd.s32 @!p0 s3, s7;
	s7 =	simm.s32 @!p0 $0x108  }
0x21: {  	s3 =	sadd.s32 s3, s9;
	s6 =	sadd.s32 @!p0 $0x88, s6;
	s7 =	simm.s32 @p2 $0x1082  }
0x22: {  	[simem:s7], [sflag:s8] =	dma.local @!p0 [hbm:s6], $0xF7A  }
0x23: {  	s9 =	sor.u32 $0xD0000000, s2;
	s6 =	simm.s32 $0x108;
	_ =	swait.ge @!p0 [sflag:s8], $0x0  }
0x24: {  	s3 =	sadd.s32 $0x88, s3;
	s6 =	simm.s32 @!p1 $0x1082;
	[sflag:s4] =	ssyncset.s32 $0xFFFFF086  }
0x25: {  	[simem:s6], [sflag:s4] =	dma.local [hbm:s3], $0xF7A  }
0x26: {  	[smem:$0x3F98] =	sst s1;
	(tag) =	ssettag s2;
	_ =	strace s9  }
0x27: {  	s1 =	sld [smem:$0x3FA8]  }
0x28: {  	s2 =	sld [smem:$0x3FA9]  }
0x29: {  	s4 =	sld [smem:$0x3FAB]  }
0x2a: {  	p0 =	seq.s32 s5, $0x0;
	s5 =	sld [smem:$0x3FAC]  }
0x2b: {  	s6 =	sld [smem:$0x3FAD]  }
0x2c: {  	s7 =	sld [smem:$0x3FAE]  }
0x2d: {  	s3 =	simm.s32 $0x108;
	s8 =	sld [smem:$0x3FAF]  }
0x2e: {  	s3 =	simm.s32 @!p0 $0x1082;
	s9 =	sld [smem:$0x3FB0]  }
0x2f: {  	lr =	sadd.s32 s0, s3;
	s0 =	sld [smem:$0x3FA7]  }
0x30: {  	s3 =	sld [smem:$0x3FAA]  }
0x31: {  	[smem:$0x3FB3] =	sst s10  }
0x32: {  	s10 =	sld [smem:$0x3FB1];
	_ =	sdelay $0x3  }
0x33: {  	p0 =	seq.s32 s10, $0x1;
	s10 =	sld [smem:$0x3FB3];
	_ =	sdelay $0x3  }
0x34: {  	[smem:$0x3FB3] =	sst s10  }
0x35: {  	s10 =	sld [smem:$0x3FB2];
	_ =	sdelay $0x3  }
0x36: {  	p1 =	seq.s32 s10, $0x1;
	s10 =	sld [smem:$0x3FB3];
	_ =	sdelay $0x3  }
0x37: {  	[smem:$0x3FB3] =	sst s10  }
0x38: {  	s10 =	sld [smem:$0x3FB4]  }
0x39: {  	_ = 	snop;
	(pc) =	sbr.ind lr, $3  }
0x3a: {  	_ = 	snop  }
0x3b: {  	_ = 	snop  }
0x3c: {  	p2 =	seq.s32 s10, $0x1;
	s10 =	sld [smem:$0x3FB3]  }
0x3d: {  	_ =	shalt  }
0x3e: {  	_ =	shalt  }
0x3f: {  	_ =	shalt  }
0x40: {  	_ =	shalt  }
0x41: {  	_ =	shalt  }
0x42: {  	_ =	shalt  }
0x43: {  	_ =	shalt  }
0x44: {  	_ =	shalt  }
0x45: {  	_ =	shalt  }
0x46: {  	_ =	shalt  }
0x47: {  	_ =	shalt  }
0x48: {  	_ =	shalt  }
0x49: {  	_ =	shalt  }
0x4a: {  	_ =	shalt  }
0x4b: {  	_ =	shalt  }
0x4c: {  	_ =	shalt  }
0x4d: {  	_ =	shalt  }
0x4e: {  	_ =	shalt  }
0x4f: {  	_ =	shalt  }
0x50: {  	_ =	shalt  }
0x51: {  	_ =	shalt  }
0x52: {  	_ =	shalt  }
0x53: {  	_ =	shalt  }
0x54: {  	_ =	shalt  }
0x55: {  	_ =	shalt  }
0x56: {  	_ =	shalt  }
0x57: {  	_ =	shalt  }
0x58: {  	_ =	shalt  }
0x59: {  	_ =	shalt  }
0x5a: {  	_ =	shalt  }
0x5b: {  	_ =	shalt  }
0x5c: {  	_ =	shalt  }
0x5d: {  	_ =	shalt  }
0x5e: {  	_ =	shalt  }
0x5f: {  	_ =	shalt  }
0x60: {  	_ =	shalt  }
0x61: {  	_ =	shalt  }
0x62: {  	_ =	shalt  }
0x63: {  	_ =	shalt  }
0x64: {  	_ =	shalt  }
0x65: {  	_ =	shalt  }
0x66: {  	_ =	shalt  }
0x67: {  	_ =	shalt  }
0x68: {  	_ =	shalt  }
0x69: {  	_ =	shalt  }
0x6a: {  	_ =	shalt  }
0x6b: {  	_ =	shalt  }
0x6c: {  	_ =	shalt  }
0x6d: {  	_ =	shalt  }
0x6e: {  	_ =	shalt  }
0x6f: {  	_ =	shalt  }
0x70: {  	_ =	shalt  }
0x71: {  	_ =	shalt  }
0x72: {  	_ =	shalt  }
0x73: {  	_ =	shalt  }
0x74: {  	_ =	shalt  }
0x75: {  	_ =	shalt  }
0x76: {  	_ =	shalt  }
0x77: {  	_ =	shalt  }
0x78: {  	_ =	shalt  }
0x79: {  	_ =	shalt  }
0x7a: {  	_ =	shalt  }
0x7b: {  	_ =	shalt  }
0x7c: {  	_ =	shalt  }
0x7d: {  	_ =	shalt  }
0x7e: {  	_ =	shalt  }
0x7f: {  	_ =	shalt  }
0x80: {  	_ =	shalt  }
0x81: {  	_ =	shalt  }
0x82: {  	_ =	shalt  }
0x83: {  	_ =	shalt  }
0x84: {  	_ =	shalt  }
0x85: {  	_ =	shalt  }
0x86: {  	_ =	shalt  }
0x87: {  	_ =	shalt  }
.Lfunc_end0:
.L_simem_size_0:
called_computation_lowered:
.L_overlay_start_0:
0x88: {  	s2 =	sld [smem:$0x3FD9]  }
0x89: {  	s3 =	sld [smem:$0x3FFE];
	_ =	sdelay $0x1  }
0x8a: {  	s1 =	srdreg.scid  }
0x8b: {  	s0 =	sand.u32 $0x1, s1  }
0x8c: {  	s17 =	sshll.u32 s0, $0xA;
	s2 =	sadd.s32 s3, s2  }
0x8d: {  	s2 =	sadd.s32 s2, s17  }
0x8e: {  	[smem:$0x3FBF] =	sst s2  }
0x8f: {  	_ = 	snop  }
0x90: {  	s2 =	sld [smem:$0x3FC7]  }
0x91: {  	s18 =	sld [smem:$0x3FD0];
	(tm) =	ssettm $0x1  }
0x92: {  	s4 =	sld [smem:$0x3FFB];
	_ =	sdelay $0x3  }
0x93: {  	_ =	strace s4  }
0x94: {  	s4 =	sld [smem:$0x3FFC];
	_ =	sdelay $0x3  }
0x95: {  	_ =	strace s4  }
0x96: {  	s4 =	sld [smem:$0x3FFD];
	_ =	sdelay $0x3  }
0x97: {  	_ =	strace s4  }
0x98: {  	_ =	strace $0x8FFFFFFF  }
0x99: {  	s19 =	sld [smem:$0x3FDB];
	_ =	sdelay $0x1  }
0x9a: {  	s5 =	simm.s32 $_scs_section_size  }
0x9b: {  	s6 =	simm.s32 $_size__tile_overlayer_lowered;
	s7 =	simm.s32 $_tile_overlayer_lowered  }
0x9c: {  	s22 =	simm.s32 $0x1BFF;
	s21 =	sshll.u32 s7, $0x1;
	s4 =	sadd.s32 s5, s19  }
0x9d: {  	s8 =	simm.s32 $0x0;
	s20 =	sshll.u32 s6, $0x1;
	s6 =	sadd.s32 s21, s4  }
0x9e: {  	[timem:s8], [sflag:s22] =	dma.local [hbm:s6], s20  }
0x9f: {  	_ =	swait.ge [sflag:s22], s20  }
0xa0: {  	s5 =	ssub.s32 $0x0, s20;
	[sflag:s22] =	ssyncset.done $0x0  }
0xa1: {  	[sflag:s22] =	ssyncadd.s32 s5;
	_ =	sdelay $0x1  }
0xa2: {  	s23 =	simm.s32 $0x1B8B  }
0xa3: {  	_ =	swait.ge [sflag:s23], $0x1  }
0xa4: {  	[sflag:s23] =	ssyncset.done $0x0  }
0xa5: {  	s25 =	simm.s32 $0x1B8E;
	s24 =	sld [smem:$0x3FFE];
	[sflag:s23] =	ssyncadd.s32 $0xFFFFFFFF  }
0xa6: {  	s26 =	simm.s32 $execute0_lowered;
	[smem:$0x3FD2] =	sst s25  }
0xa7: {  	s6 =	sshll.u32 s26, $0x1;
	_ =	strace $0x80000046;
	[dreg:$0x1] =	wrdreg $0xFFFFFFFF  }
0xa8: {  	s28 =	simm.s32 $_size_execute0_lowered;
	s4 =	sadd.s32 s4, s6;
	[dreg:$0x0] =	wrdreg $0x0  }
0xa9: {  	s6 =	sshll.u32 s28, $0x1;
	[dreg:$0x2] =	wrdreg s4  }
0xaa: {  	[dreg:$0x3] =	wrdreg s6  }
0xab: {  	[dreg:$0x4] =	wrdreg $0xC0  }
0xac: {  	_ =	task [dreg:s8], $0x5FFFF  }
0xad: {  	[dreg:$0x1] =	wrdreg $0xFFFFFFFF  }
0xae: {  	[dreg:$0x0] =	wrdreg $0x60  }
0xaf: {  	[dreg:$0x2] =	wrdreg s24  }
0xb0: {  	[dreg:$0x3] =	wrdreg s2  }
0xb1: {  	[dreg:$0x4] =	wrdreg s18  }
0xb2: {  	[dreg:$0x5] =	wrdreg $0x9  }
0xb3: {  	_ =	task.clear_ibuf [dreg:s8], $0x6FFFF;
	_ =	strace $0x90000046  }
0xb4: {  	s29 =	simm.s32 $0x9;
	_ =	strace $0x80000048  }
0xb5: {  	_ =	swait.ge [sflag:s29], $0x1  }
0xb6: {  	[sflag:s29] =	ssyncadd.s32 $0xFFFFFFFF  }
0xb7: {  	_ =	strace $0x90000048  }
0xb8: {  	_ =	sfence  }
0xb9: {  	s30 =	sld [smem:$0x0];
	_ =	sdelay $0x2  }
0xba: {  	s31 =	sshll.u32 s1, $0xD;
	s1 =	sshrl.u32 s1, $0x2  }
0xbb: {  	s3 =	sand.u32 $0x4000, s31;
	s1 =	sadd.s32 s1, s30  }
0xbc: {  	s0 =	sor.u32 s3, s0;
	s1 =	sshll.u32 s1, $0x11  }
0xbd: {  	s0 =	sor.u32 s1, s0  }
0xbe: {  	s0 =	sadd.s32 $0x8F2B, s0  }
0xbf: {  	[sflag:s0] =	ssyncadd.remote.s32 $0x1  }
0xc0: {  	_ =	sfence.sel $0xFFFF  }
0xc1: {  	[dreg:$0x0] =	wrdreg $0xFFFFFFFF;
	(pc) =	sbr.abs _section_cstart, $3  }
0xc2: {  	[dreg:$0x1] =	wrdreg $0xFFFFFFFF  }
0xc3: {  	_ =	task.clear_ibuf [dreg:s8], $0x2FFFF;
	_ =	strace $0x9FFFFFFF  }
0xc4: {  	(tm) =	ssettm $0x7FFFFFFF  }
0xc5: {  	_ =	shalt  }
tec
execute0_lowered:
.L_overlay_start_1:
0x0: {  	(tag) =	ssettag $0x1  }
0x1: {  	s3 =	rddreg [dreg:$0x0]  }
0x2: {  	s4 =	rddreg [dreg:$0x1];
	s1 =	srdreg.scid  }
0x3: {  	s0 =	stileid.u32;
	s5 =	rddreg [dreg:$0x2];
	s11 =	simm.s32 $0x400  }
0x4: {  	s12 =	simm.s32 $0x0;
	s6 =	sand.u32 $0x1, s1;
	s2 =	sshll.u32 s0, $0x1  }
0x5: {  	s1 =	rddreg [dreg:$0x3];
	s9 =	sshrl.u32 s0, $0x2;
	s7 =	sor.u32 s6, s2  }
0x6: {  	s2 =	simm.s32 $0x0;
	s9 =	smul.u32 $0x13C00, s9;
	s6 =	ssub.s32 $0x2, s6  }
0x7: {  	s8 =	smul.u32 $0x4E2, s7;
	[smem:$0x7FF] =	sst s2;
	s7 =	sshll.u32 s7, $0x7  }
0x8: {  	s10 =	sshrl.u32 s6, $0x1;
	_ =	strace $0x80000047;
	s7 =	sand.u32 $0x380, s7  }
0x9: {  	s6 =	ssub.s32 s6, s10;
	s10 =	simm.s32 $0x80;
	s3 =	sadd.s32 s8, s3  }
0xa: {  	s7 =	sor.u32 s9, s7;
	s4 =	sadd.s32 s4, s8;
	s6 =	smax.u32 s6, $0x1  }
0xb: {  	s8 =	simm.s32 $0x2780;
	s9 =	simm.s32 $0x4F00;
	s7 =	sshrl.u32 s7, $0x3  }
0xc: {  	v0 =	vimm.f32 $0.0e+00;
	s3 =	sadd.s32 $0x2800, s3;
	s5 =	sadd.s32 s5, s7;
	s7 =	simm.s32 $0x1  }
.LBB2_1:
0xd: {  	[tilespmem:s2], [sflag:$0x1] =	stream.linear.gather [hbm4b:s3+s2], $0x2710, $0x38;
	[tilespmem:$0x7680] =	vst v63  }
0xe: {  	_ =	swait.ge [sflag:s7], $0x2710  }
0xf: {  	[sflag:s7] =	ssyncset.done $0x0  }
0x10: {  	[sflag:s7] =	ssyncadd.s32 $0xFFFFD8F0  }
0x11: {  	[tilespmem:s8], [sflag:$0x1] =	stream.linear.gather [hbm4b:s4+s2], $0x2710, $0x38;
	[tilespmem:$0x7680] =	vst v63  }
0x12: {  	_ =	swait.ge [sflag:s7], $0x2710  }
0x13: {  	[sflag:s7] =	ssyncset.done $0x0  }
0x14: {  	s13 =	simm.s32 $0x4F20;
	[sflag:s7] =	ssyncadd.s32 $0xFFFFD8F0  }
0x15: {  	[tilespmem:s13+$0xFFFFFFE0] =	vst v0  }
0x16: {  	[tilespmem:s13+$0x10] =	vst v0  }
0x17: {  	s14 =	simm.s32 $0x0;
	[tilespmem:s13+$0x0] =	vst v0  }
.LBB2_2:
0x18: {  	s14 =	sadd.s32 $0x40, s14  }
0x19: {  	[tilespmem:s13+$0xFFFFFFF0] =	vst v0;
	s13 =	sadd.s32 $0x40, s13;
	p0 =	slt.u32 s14, $0x26C0  }
.Ltmp0:
0x1a: {  	[tilespmem:s13+$0xFFFFFFE0] =	vst v0;
	(pc) =	sbr.rel @p0 .LBB2_2-.Ltmp0, $3  }
0x1b: {  	_ =	sdelay $0x1  }
0x1c: {  	[tilespmem:s13+$0x10] =	vst v0  }
0x1d: {  	[tilespmem:s13+$0x0] =	vst v0  }
0x1e: {  	[tilespmem:s13+$0xFFFFFFF0] =	vst v0  }
0x1f: {  	s14 =	simm.s32 $0x20;
	[tilespmem:$0x7600] =	vst v0  }
0x20: {  	v1 =	vld [tilespmem:s14+$0x10];
	_ =	sdelay $0x1  }
0x21: {  	v2 =	vld [tilespmem:s14+$0xFFFFFFF0]  }
0x22: {  	v4 =	vld [tilespmem:s14+$0x0]  }
0x23: {  	s13 =	simm.s32 $0x27A0;
	v7 =	vld [tilespmem:s14+$0xFFFFFFE0]  }
0x24: {  	v9 =	vld [tilespmem:s13+$0x10];
	v8 =	vshrl.u32 v1, $0x10  }
0x25: {  	v5 =	vld [tilespmem:s13+$0xFFFFFFF0]  }
0x26: {  	v6 =	vld [tilespmem:s13+$0x0];
	_ =	sdelay $0x1  }
0x27: {  	v3 =	vld [tilespmem:s13+$0xFFFFFFE0]  }
0x28: {  	s15 =	simm.s32 $0x60;
	s14 =	simm.s32 $0x0;
	v1 =	vshrl.u32 v2, $0x10;
	v2 =	vshrl.u32 v4, $0x10;
	v4 =	vshrl.u32 v7, $0x10;
	[tilespmem:v8+s9+$0x0] =	vst.idx.add.f32.msk $0xffff, v9  }
.LBB2_4:
0x29: {  	v7 =	vld [tilespmem:s15+$0x10];
	s14 =	sadd.s32 $0x40, s14;
	v8 =	vmov v5  }
0x2a: {  	v5 =	vld [tilespmem:s15+$0xFFFFFFF0];
	p0 =	slt.u32 s14, $0x26C0;
	v9 =	vmov v6  }
0x2b: {  	v6 =	vld [tilespmem:s15+$0x0]  }
0x2c: {  	v10 =	vld [tilespmem:s15+$0xFFFFFFE0]  }
0x2d: {  	s13 =	sadd.s32 $0x40, s13;
	[tilespmem:v4+s9+$0x0] =	vst.idx.add.f32.msk $0xffff, v3  }
0x2e: {  	v7 =	vshrl.u32 v7, $0x10;
	v11 =	vld [tilespmem:s13+$0x10]  }
0x2f: {  	v3 =	vld [tilespmem:s13+$0xFFFFFFE0];
	v12 =	vshrl.u32 v5, $0x10  }
.Ltmp1:
0x30: {  	v5 =	vld [tilespmem:s13+$0xFFFFFFF0];
	v13 =	vshrl.u32 v6, $0x10;
	(pc) =	sbr.rel @p0 .LBB2_4-.Ltmp1, $4  }
0x31: {  	v4 =	vshrl.u32 v10, $0x10;
	v6 =	vld [tilespmem:s13+$0x0]  }
0x32: {  	[tilespmem:v1+s9+$0x0] =	vst.idx.add.f32.msk $0xffff, v8;
	v1 =	vmov v12  }
0x33: {  	[tilespmem:v7+s9+$0x0] =	vst.idx.add.f32.msk $0xffff, v11  }
0x34: {  	s15 =	sadd.s32 $0x40, s15;
	[tilespmem:v2+s9+$0x0] =	vst.idx.add.f32.msk $0xffff, v9;
	v2 =	vmov v13  }
0x35: {  	_ =	sdelay $0x3  }
0x36: {  	[tilespmem:v4+s9+$0x0] =	vst.idx.add.f32.msk $0xffff, v3  }
0x37: {  	[tilespmem:v1+s9+$0x0] =	vst.idx.add.f32.msk $0xffff, v5  }
0x38: {  	[tilespmem:v2+s9+$0x0] =	vst.idx.add.f32.msk $0xffff, v6  }
0x39: {  	v1 =	vld [tilespmem:$0x2700];
	_ =	sdelay $0x4  }
0x3a: {  	v2 =	vld [tilespmem:$0x4E80];
	v1 =	vshrl.u32 v1, $0x10;
	_ =	sdelay $0x2  }
0x3b: {  	s12 =	sadd.s32 $0x1, s12  }
0x3c: {  	p0 =	sne.s32 s12, s6  }
.Ltmp2:
0x3d: {  	[tilespmem:v1+s9+$0x0] =	vst.idx.add.f32.msk $0xffff, v2;
	(pc) =	sbr.rel @p0 .LBB2_1-.Ltmp2, $4  }
0x3e: {  	[hbm4b:s5+s10] =	stream.strided.scatter [tilespmem:s9], [sflag:$0x1], $0x2780, s11, s10, $0x38;
	[tilespmem:$0x7680] =	vst v63  }
0x3f: {  	_ =	swait.ge [sflag:s7], $0x2780  }
0x40: {  	[sflag:s7] =	ssyncset.done $0x0  }
0x41: {  	[sflag:s7] =	ssyncadd.s32 $0xFFFFD880  }
0x42: {  	_ =	sfence.sel $0x180000  }
0x43: {  	[bflag:$0x0] =	sbarrier.arrive $0xFFFF  }
0x44: {  	p0 =	sne.s32 s0, $0x0;
	_ =	strace $0x90000047  }
0x45: {  	s0 =	sadd.s32 @!p0 $0x100000, s1;
	[bflag:$0x2] =	sbarrier.arrive $0xFFFF  }
0x46: {  	[sflag:s0] =	ssyncadd.tile.s32 @!p0 $0x1;
	_ =	shalt  }
.Lfunc_end2:
_tile_overlayer_lowered:
.L_overlay_start_2:
0x47: {  	(tag) =	ssettag $0x2  }
0x48: {  	s0 =	rddreg [dreg:$0x0];
	s2 =	stileid.u32  }
0x49: {  	s1 =	rddreg [dreg:$0x1];
	p0 =	sne.s32 s2, $0x0  }
0x4a: {  	s3 =	rddreg [dreg:$0x2];
	[bflag:$0x3] =	sbarrier.arrive $0xFFFF;
	s2 =	simm.s32 @!p0 $0x1C01  }
0x4b: {  	[timem:s3], [sflag:s2] =	dma.local @!p0 [hbm:s0], s1  }
0x4c: {  	s0 =	simm.s32 @!p0 $0x1  }
0x4d: {  	_ =	swait.ge @!p0 [sflag:s0], s1  }
0x4e: {  	s1 =	ssub.s32 @!p0 $0x0, s1;
	[sflag:s0] =	ssyncset.done @!p0 $0x0  }
0x4f: {  	[sflag:s0] =	ssyncadd.s32 @!p0 s1  }
0x50: {  	[bflag:$0x3] =	sbarrier.arrive $0xFFFF  }
0x51: {  	_ =	shalt  }

</sc_bundles>
